<compile_context>
chip_gen: v7x
topology: tpu7x:2x2x1
jax: 0.10.2.dev20260603
libtpu: 0.0.44.dev20260713+nightly
codegen_flags: <defaults>
</compile_context>

<pallas_src>
import functools

import jax
import jax.numpy as jnp
from jax import lax
from jax.experimental import pallas as pl
from jax.experimental.pallas import tpu as pltpu
from jax.experimental.pallas import tpu_sc as plsc

_EPS = 1e-05
_RC = 5.0
_L = 6
_LOG2 = 0.6931471805599453

_N = 10000
_E = 160000
_D = 128
_NC = 2
_NS = 16
_NW = _NC * _NS
_EPAD = 163840
_RPT32 = _EPAD // _NW
_RPT16 = _EPAD // _NS
_CH = 128
_NACC = 10112



def _mlp_body(s_ref, w1_ref, b1_ref, w2_ref, b2_ref, out_ref):
    h = jnp.dot(s_ref[...], w1_ref[...], preferred_element_type=jnp.float32)
    h = jax.nn.softplus(h + b1_ref[...]) - _LOG2
    out_ref[...] = (
        jnp.dot(h, w2_ref[...], preferred_element_type=jnp.float32) + b2_ref[...]
    )


def _node_mlp(s, w1, b1, w2, b2, blk=1000):
    n, d = s.shape
    d3 = w2.shape[1]
    return pl.pallas_call(
        _mlp_body,
        grid=(n // blk,),
        in_specs=[
            pl.BlockSpec((blk, d), lambda i: (i, 0)),
            pl.BlockSpec((d, d), lambda i: (0, 0)),
            pl.BlockSpec((1, d), lambda i: (0, 0)),
            pl.BlockSpec((d, d3), lambda i: (0, 0)),
            pl.BlockSpec((1, d3), lambda i: (0, 0)),
        ],
        out_specs=pl.BlockSpec((blk, d3), lambda i: (i, 0)),
        out_shape=jax.ShapeDtypeStruct((n, d3), jnp.float32),
    )(s, w1, b1.reshape(1, d), w2, b2.reshape(1, d3))


def _edge_body(v0_ref, v1_ref, v2_ref, g_ref, mw_ref, mb_ref, out_ref):
    v0 = v0_ref[...]
    v1 = v1_ref[...]
    v2 = v2_ref[...]
    r = jnp.sqrt(v0 * v0 + v1 * v1 + v2 * v2 + _EPS)
    wl = mb_ref[...]
    scale = jnp.sqrt(2.0 / _RC)
    for l in range(_L):
        basis_l = scale * jnp.sin((l + 1) * jnp.pi * r / _RC) / r
        wl = wl + basis_l * mw_ref[l : l + 1, :]
    w = 0.5 * (jnp.cos(jnp.pi * wl / _RC) + 1.0) * (wl < _RC).astype(jnp.float32)
    wv = w[:, :_D]
    ws = w[:, _D : 2 * _D]
    wr = w[:, 2 * _D :]
    pv = g_ref[3] * wv
    ps = g_ref[4] * ws
    pr = g_ref[5] * wr
    out_ref[0] = g_ref[0] * pv + pr * (v0 / r)
    out_ref[1] = g_ref[1] * pv + pr * (v1 / r)
    out_ref[2] = g_ref[2] * pv + pr * (v2 / r)
    out_ref[3] = ps


def _edge_payload(vcols, g6, mv_w8, mv_b, blk=512):
    grid = (_EPAD // blk,)
    return pl.pallas_call(
        _edge_body,
        grid=grid,
        in_specs=[
            pl.BlockSpec((blk, 1), lambda i: (i, 0)),
            pl.BlockSpec((blk, 1), lambda i: (i, 0)),
            pl.BlockSpec((blk, 1), lambda i: (i, 0)),
            pl.BlockSpec((6, blk, _D), lambda i: (0, i, 0)),
            pl.BlockSpec((8, 3 * _D), lambda i: (0, 0)),
            pl.BlockSpec((1, 3 * _D), lambda i: (0, 0)),
        ],
        out_specs=pl.BlockSpec((4, blk, _D), lambda i: (0, i, 0)),
        out_shape=jax.ShapeDtypeStruct((4, _EPAD, _D), jnp.float32),
    )(vcols[0], vcols[1], vcols[2], g6, mv_w8, mv_b.reshape(1, 3 * _D))


def _update_body(nv0_ref, nv1_ref, nv2_ref, dv_ref, ns_ref, ds_ref,
                 w1_ref, b1_ref, w2_ref, b2_ref,
                 v0_ref, v1_ref, v2_ref, sn_ref, s2_ref):
    v0_ref[...] = nv0_ref[...] + dv_ref[0]
    v1_ref[...] = nv1_ref[...] + dv_ref[1]
    v2_ref[...] = nv2_ref[...] + dv_ref[2]
    s_new = ns_ref[...] + ds_ref[...]
    sn_ref[...] = s_new
    h = jnp.dot(s_new, w1_ref[...], preferred_element_type=jnp.float32)
    h = jax.nn.softplus(h + b1_ref[...]) - _LOG2
    s2_ref[...] = (
        jnp.dot(h, w2_ref[...], preferred_element_type=jnp.float32) + b2_ref[...]
    )


def _node_update(nv0, nv1, nv2, dv3, ns, ds_, w1, b1, w2, b2, blk=1000):
    d = _D
    d3 = 3 * _D
    nblk = pl.BlockSpec((blk, d), lambda i: (i, 0))
    return pl.pallas_call(
        _update_body,
        grid=(_N // blk,),
        in_specs=[
            nblk, nblk, nblk,
            pl.BlockSpec((3, blk, d), lambda i: (0, i, 0)),
            nblk, nblk,
            pl.BlockSpec((d, d), lambda i: (0, 0)),
            pl.BlockSpec((1, d), lambda i: (0, 0)),
            pl.BlockSpec((d, d3), lambda i: (0, 0)),
            pl.BlockSpec((1, d3), lambda i: (0, 0)),
        ],
        out_specs=[nblk, nblk, nblk, nblk,
                   pl.BlockSpec((blk, d3), lambda i: (i, 0))],
        out_shape=[
            jax.ShapeDtypeStruct((_N, d), jnp.float32),
            jax.ShapeDtypeStruct((_N, d), jnp.float32),
            jax.ShapeDtypeStruct((_N, d), jnp.float32),
            jax.ShapeDtypeStruct((_N, d), jnp.float32),
            jax.ShapeDtypeStruct((_N, d3), jnp.float32),
        ],
    )(nv0, nv1, nv2, dv3, ns, ds_, w1, b1.reshape(1, d), w2,
      b2.reshape(1, d3))


def _final_body(v0_ref, v1_ref, v2_ref, sn_ref, u_ref,
                ov0_ref, ov1_ref, ov2_ref, os_ref):
    dn = jnp.maximum(u_ref[6], 1.0)
    uv0 = u_ref[0] / dn
    uv1 = u_ref[1] / dn
    uv2 = u_ref[2] / dn
    avv = u_ref[3] / dn
    asv = u_ref[4] / dn
    ass = u_ref[5] / dn
    ov0_ref[...] = v0_ref[...] + uv0 * avv
    ov1_ref[...] = v1_ref[...] + uv1 * avv
    ov2_ref[...] = v2_ref[...] + uv2 * avv
    su = uv0 * uv0 + uv1 * uv1 + uv2 * uv2
    os_ref[...] = sn_ref[...] + (su / (su + _EPS)) * asv + ass


def _final_combine(v0, v1, v2, s_new, u7, blk=400):
    d = _D
    nblk = pl.BlockSpec((blk, d), lambda i: (i, 0))
    return pl.pallas_call(
        _final_body,
        grid=(_N // blk,),
        in_specs=[
            nblk, nblk, nblk, nblk,
            pl.BlockSpec((7, blk, d), lambda i: (0, i, 0)),
        ],
        out_specs=[nblk, nblk, nblk, nblk],
        out_shape=[jax.ShapeDtypeStruct((_N, d), jnp.float32)] * 4,
    )(v0, v1, v2, s_new, u7)



@functools.lru_cache(maxsize=1)
def _sc_mesh():
    return plsc.VectorSubcoreMesh(core_axis_name="c", subcore_axis_name="s")


def _g6_body(tab_ref, idx_ref, out_ref, idx_v, rows_v, sem):
    wid = lax.axis_index("c") * _NS + lax.axis_index("s")

    def it(t, carry):
        sl = t // 40
        i = t - sl * 40
        off = sl * _EPAD + wid * _RPT32 + i * _CH
        pltpu.sync_copy(idx_ref.at[pl.ds(off, _CH)], idx_v)
        pltpu.async_copy(tab_ref.at[idx_v], rows_v, sem).wait()
        pltpu.sync_copy(rows_v, out_ref.at[pl.ds(off, _CH)])
        return carry

    lax.fori_loop(0, 6 * 40, it, 0)


def _sc_gather6(tab, idx):
    return pl.kernel(
        _g6_body,
        out_type=jax.ShapeDtypeStruct((6 * _EPAD, _D), jnp.float32),
        mesh=_sc_mesh(),
        scratch_types=[
            pltpu.VMEM((_CH,), jnp.int32),
            pltpu.VMEM((_CH, _D), jnp.float32),
            pltpu.SemaphoreType.DMA,
        ],
    )(tab, idx)


def _zero_acc(zeros_ref, acc, s):
    def zit(q, carry):
        cz = s + _NS * q

        @pl.when(cz < _NACC // _CH)
        def _():
            pltpu.sync_copy(zeros_ref, acc.at[pl.ds(cz * _CH, _CH)])

        return carry

    lax.fori_loop(0, 5, zit, 0)


def _dump_acc(acc, out_ref, sl, s, rows_v):
    def dit(q, carry):
        cz = s + _NS * q

        @pl.when(cz < _NACC // _CH)
        def _():
            pltpu.sync_copy(acc.at[pl.ds(cz * _CH, _CH)], rows_v)
            pltpu.sync_copy(rows_v, out_ref.at[pl.ds(sl * _NACC + cz * _CH, _CH)])

        return carry

    lax.fori_loop(0, 5, dit, 0)


def _scat4_body(pay_ref, dst_ref, zeros_ref, out_ref, idx_v, rows_v, sem, acc):
    c = lax.axis_index("c")
    s = lax.axis_index("s")
    for j in range(2):
        sl = 2 * c + j
        _zero_acc(zeros_ref, acc, s)
        plsc.subcore_barrier()

        def ait(t, carry):
            eoff = s * _RPT16 + t * _CH
            pltpu.sync_copy(dst_ref.at[pl.ds(eoff, _CH)], idx_v)
            pltpu.sync_copy(pay_ref.at[pl.ds(sl * _EPAD + eoff, _CH)], rows_v)
            pltpu.sync_copy(rows_v, acc.at[idx_v], add=True)
            return carry

        lax.fori_loop(0, _RPT16 // _CH, ait, 0)
        plsc.subcore_barrier()
        _dump_acc(acc, out_ref, sl, s, rows_v)
        plsc.subcore_barrier()


def _sc_scatter4(pay, dst_s, zeros128):
    return pl.kernel(
        _scat4_body,
        out_type=jax.ShapeDtypeStruct((4 * _NACC, _D), jnp.float32),
        mesh=_sc_mesh(),
        scratch_types=[
            pltpu.VMEM((_CH,), jnp.int32),
            pltpu.VMEM((_CH, _D), jnp.float32),
            pltpu.SemaphoreType.DMA,
            pltpu.VMEM_SHARED((_NACC, _D), jnp.float32),
        ],
    )(pay, dst_s, zeros128)


def _sgs7_body(tab_ref, idx_ref, dst_ref, zeros_ref, out_ref,
               idx_v, didx_v, rows_v, sem, acc):
    c = lax.axis_index("c")
    s = lax.axis_index("s")
    for j in range(4):
        sl = jnp.minimum(4 * c + j, 6)
        _zero_acc(zeros_ref, acc, s)
        plsc.subcore_barrier()

        def ait(t, carry):
            eoff = s * _RPT16 + t * _CH
            pltpu.sync_copy(idx_ref.at[pl.ds(sl * _EPAD + eoff, _CH)], idx_v)
            pltpu.async_copy(tab_ref.at[idx_v], rows_v, sem).wait()
            pltpu.sync_copy(dst_ref.at[pl.ds(eoff, _CH)], didx_v)
            pltpu.sync_copy(rows_v, acc.at[didx_v], add=True)
            return carry

        lax.fori_loop(0, _RPT16 // _CH, ait, 0)
        plsc.subcore_barrier()

        @pl.when(4 * c + j < 7)
        def _():
            _dump_acc(acc, out_ref, sl, s, rows_v)

        plsc.subcore_barrier()


def _sc_sgs7(tab, idx, dst_s, zeros128):
    return pl.kernel(
        _sgs7_body,
        out_type=jax.ShapeDtypeStruct((7 * _NACC, _D), jnp.float32),
        mesh=_sc_mesh(),
        scratch_types=[
            pltpu.VMEM((_CH,), jnp.int32),
            pltpu.VMEM((_CH,), jnp.int32),
            pltpu.VMEM((_CH, _D), jnp.float32),
            pltpu.SemaphoreType.DMA,
            pltpu.VMEM_SHARED((_NACC, _D), jnp.float32),
        ],
    )(tab, idx, dst_s, zeros128)



def kernel(nv, ns, x, edge_index, ms1_w, ms1_b, ms2_w, ms2_b, mv_w, mv_b,
           us1_w, us1_b, us2_w, us2_b):
    src = edge_index[0]
    dst = edge_index[1]
    pad = _EPAD - _E
    src_p = jnp.concatenate([src, jnp.zeros((pad,), jnp.int32)])
    dst_s = jnp.concatenate([dst, jnp.full((pad,), _N, jnp.int32)])

    vec = x[src] - x[dst]
    vcol = jnp.pad(vec, ((0, pad), (0, 0)))
    vcols = [vcol[:, k : k + 1] for k in range(3)]

    phi_n = _node_mlp(ns, ms1_w, ms1_b, ms2_w, ms2_b)
    tab1 = jnp.concatenate(
        [nv[:, :, 0], nv[:, :, 1], nv[:, :, 2],
         phi_n[:, :_D], phi_n[:, _D : 2 * _D], phi_n[:, 2 * _D :]], axis=0)
    offs = (jnp.arange(7, dtype=jnp.int32) * _N)[:, None]
    idx7 = (src_p[None, :] + offs).reshape(-1)
    g6 = _sc_gather6(tab1, idx7[: 6 * _EPAD]).reshape(6, _EPAD, _D)

    mv_w8 = jnp.pad(mv_w, ((0, 2), (0, 0)))
    pay = _edge_payload(vcols, g6, mv_w8, mv_b)

    zeros128 = jnp.zeros((_CH, _D), jnp.float32)
    scat = _sc_scatter4(pay.reshape(4 * _EPAD, _D), dst_s, zeros128)
    scat = scat.reshape(4, _NACC, _D)[:, :_N]

    v0, v1, v2, s_new, s2 = _node_update(
        nv[:, :, 0], nv[:, :, 1], nv[:, :, 2], scat[:3], ns, scat[3],
        us1_w, us1_b, us2_w, us2_b)

    tab2 = jnp.concatenate(
        [v0, v1, v2, s2[:, :_D], s2[:, _D : 2 * _D], s2[:, 2 * _D :],
         jnp.ones((_N, _D), jnp.float32)], axis=0)
    u7 = _sc_sgs7(tab2, idx7, dst_s, zeros128)
    u7 = u7.reshape(7, _NACC, _D)[:, :_N]

    ov0, ov1, ov2, os_ = _final_combine(v0, v1, v2, s_new, u7)
    v_out = jnp.stack([ov0, ov1, ov2], axis=-1)
    return (v_out, os_)

# --- scband reference (transcript-rebuilt; emitter-appended) ---
"""Pipeline reference for scband-tmdconv-30588757083009 (READ-ONLY COPY).

The authoritative reference and input builder live on the scoring server;
editing this copy changes nothing except your own understanding.
"""

import jax, jax.numpy as jnp
import numpy as np

_EPS = 1e-05
RC = 5.0
L = 6


def _ssp(x):
    # ShiftedSoftplus
    return jax.nn.softplus(x) - jnp.log(2.0)


def _rbf(r):
    # DimeNet-style radial basis, r: [E, 1] -> [E, L]
    n = jnp.arange(1, L + 1, dtype=jnp.float32)
    return jnp.sqrt(2.0 / RC) * jnp.sin(n * jnp.pi * r / RC) / r


def _fc(x):
    # cosine cutoff applied elementwise (as in original: fc(mv(rbf(r))))
    return 0.5 * (jnp.cos(jnp.pi * x / RC) + 1.0) * (x < RC).astype(x.dtype)


def setup_inputs(seed: int = 0) -> dict:
    key = jax.random.key(seed)
    ks = jax.random.split(key, 16)
    N, E, D = 10000, 160000, 128
    s = 1.0 / np.sqrt(D)
    sl = 1.0 / np.sqrt(L)
    inp = {}
    inp["nv"] = jax.random.normal(ks[0], (N, D, 3), dtype=jnp.float32)
    inp["ns"] = jax.random.normal(ks[1], (N, D), dtype=jnp.float32)
    inp["x"] = jax.random.normal(ks[2], (N, 3), dtype=jnp.float32)
    inp["edge_index"] = jax.random.randint(ks[3], (2, E), 0, N, dtype=jnp.int32)
    inp["ms1_w"] = jax.random.normal(ks[4], (D, D), dtype=jnp.float32) * s
    inp["ms1_b"] = jnp.zeros((D,), dtype=jnp.float32)
    inp["ms2_w"] = jax.random.normal(ks[5], (D, 3 * D), dtype=jnp.float32) * s
    inp["ms2_b"] = jnp.zeros((3 * D,), dtype=jnp.float32)
    inp["mv_w"] = jax.random.normal(ks[6], (L, 3 * D), dtype=jnp.float32) * sl
    inp["mv_b"] = jnp.zeros((3 * D,), dtype=jnp.float32)
    inp["us1_w"] = jax.random.normal(ks[7], (D, D), dtype=jnp.float32) * s
    inp["us1_b"] = jnp.zeros((D,), dtype=jnp.float32)
    inp["us2_w"] = jax.random.normal(ks[8], (D, 3 * D), dtype=jnp.float32) * s
    inp["us2_b"] = jnp.zeros((3 * D,), dtype=jnp.float32)
    return inp


def reference(nv, ns, x, edge_index, ms1_w, ms1_b, ms2_w, ms2_b, mv_w, mv_b, us1_w, us1_b, us2_w, us2_b):
    N = nv.shape[0]
    src = edge_index[0]
    dst = edge_index[1]
    # ---- message1 / reduce1 (sum over in-edges at dst) ----
    sj = ns[src]
    vj = nv[src]
    vec = x[src] - x[dst]  # x_i - x_j, molecule=True branch
    r = jnp.sqrt(jnp.sum(vec ** 2, axis=-1) + _EPS)[:, None]  # [E,1]
    phi = _ssp(sj @ ms1_w + ms1_b) @ ms2_w + ms2_b  # [E,3D]
    w = _fc(_rbf(r) @ mv_w + mv_b)  # [E,3D]
    v_, s_, r_ = jnp.split(phi * w, 3, axis=-1)
    dv_ = vj * v_[:, :, None] + r_[:, :, None] * (vec / r)[:, None, :]  # [E,D,3]
    dv = jax.ops.segment_sum(dv_, dst, num_segments=N)
    ds = jax.ops.segment_sum(s_, dst, num_segments=N)
    v_new = nv + dv
    s_new = ns + ds
    # ---- message2 / reduce2 (mean over in-edges; src1 == src2 branch) ----
    sj2 = s_new[src]
    vj2 = v_new[src]
    s2 = _ssp(sj2 @ us1_w + us1_b) @ us2_w + us2_b  # [E,3D]
    deg = jnp.maximum(jax.ops.segment_sum(jnp.ones((dst.shape[0],), dtype=jnp.float32), dst, num_segments=N), 1.0)
    s_mean = jax.ops.segment_sum(s2, dst, num_segments=N) / deg[:, None]
    uv = jax.ops.segment_sum(vj2, dst, num_segments=N) / deg[:, None, None]
    avv, asv, ass = jnp.split(s_mean, 3, axis=-1)
    dv2 = uv * avv[:, :, None]
    norm = jnp.sqrt(jnp.sum(uv ** 2, axis=-1) + _EPS)[:, :, None]
    ds2 = jnp.sum((uv / norm) ** 2, axis=-1) * asv + ass
    return (v_new + dv2, s_new + ds2)

if __name__ == "__main__":
    import jax
    _d = setup_inputs()
    print(jax.jit(kernel)(*tuple(_d.values())))

</pallas_src>

<mosaic_0001>
#map = affine_map<(d0, d1) -> (0, 0)>
#map1 = affine_map<(d0, d1) -> (0)>
module attributes {stable_mosaic.version = 14 : i64} {
  func.func @_g6_body(%arg0: i32, %arg1: i32, %arg2: memref<60000x128xf32, #tpu.memory_space<hbm>>, %arg3: memref<983040xi32, #tpu.memory_space<hbm>>, %arg4: memref<983040x128xf32, #tpu.memory_space<hbm>>, %arg5: memref<128xi32, #tpu.memory_space<vmem>>, %arg6: memref<128x128xf32, #tpu.memory_space<vmem>>, %arg7: memref<!tpu.dma_semaphore, #tpu.memory_space<semaphore_mem>>) attributes {dimension_semantics = [#tpu.dimension_semantics<core_parallel>, #tpu.dimension_semantics<subcore_parallel>], iteration_bounds = array<i64: 2, 16>, scalar_prefetch = 0 : i64, scratch_operands = 3 : i64, tpu.core_type = #tpu.core_type<sc_vector_subcore>, window_params = [{transform_indices = #map}, {transform_indices = #map1}, {transform_indices = #map}]} {
    %mul3A = arith.constant 16 : i32
    %mul3A_0 = arith.muli %arg0, %mul3A : i32
    %add3A = arith.addi %mul3A_0, %arg1 : i32
    %scan3A = arith.constant 0 : i32
    %scan3A_1 = arith.constant 0 : i32
    %scan3A_2 = arith.constant 240 : i32
    %scan3A_3 = arith.addi %scan3A_1, %scan3A_2 : i32
    %scan3A_4 = arith.constant 1 : i32
    scf.for %scan3A_6 = %scan3A_1 to %scan3A_3 step %scan3A_4  : i32 {
      %jit3A = arith.constant 40 : i32
      %div3A = arith.divsi %scan3A_6, %jit3A : i32
      %sign3A = arith.constant 0 : i32
      %sign3A_7 = arith.cmpi sgt, %scan3A_6, %sign3A : i32
      %sign3A_8 = arith.extui %sign3A_7 : i1 to i32
      %sign3A_9 = arith.constant 0 : i32
      %sign3A_10 = arith.cmpi slt, %scan3A_6, %sign3A_9 : i32
      %sign3A_11 = arith.extui %sign3A_10 : i1 to i32
      %sign3A_12 = arith.subi %sign3A_8, %sign3A_11 : i32
      %sign3A_13 = arith.constant 0 : i32
      %sign3A_14 = arith.cmpi sgt, %jit3A, %sign3A_13 : i32
      %sign3A_15 = arith.extui %sign3A_14 : i1 to i32
      %sign3A_16 = arith.constant 0 : i32
      %sign3A_17 = arith.cmpi slt, %jit3A, %sign3A_16 : i32
      %sign3A_18 = arith.extui %sign3A_17 : i1 to i32
      %sign3A_19 = arith.subi %sign3A_15, %sign3A_18 : i32
      %ne3A = arith.cmpi ne, %sign3A_12, %sign3A_19 : i32
      %rem3A = arith.remsi %scan3A_6, %jit3A : i32
      %ne3A_20 = arith.constant 0 : i32
      %ne3A_21 = arith.cmpi ne, %rem3A, %ne3A_20 : i32
      %and3A = arith.andi %ne3A, %ne3A_21 : i1
      %sub3A = arith.constant 1 : i32
      %sub3A_22 = arith.subi %div3A, %sub3A : i32
      %select_n3A = arith.select %and3A, %sub3A_22, %div3A : i32
      %mul3A_23 = arith.constant 40 : i32
      %mul3A_24 = arith.muli %select_n3A, %mul3A_23 : i32
      %sub3A_25 = arith.subi %scan3A_6, %mul3A_24 : i32
      %mul3A_26 = arith.constant 163840 : i32
      %mul3A_27 = arith.muli %select_n3A, %mul3A_26 : i32
      %mul3A_28 = arith.constant 5120 : i32
      %mul3A_29 = arith.muli %add3A, %mul3A_28 : i32
      %add3A_30 = arith.addi %mul3A_27, %mul3A_29 : i32
      %mul3A_31 = arith.constant 128 : i32
      %mul3A_32 = arith.muli %sub3A_25, %mul3A_31 : i32
      %add3A_33 = arith.addi %add3A_30, %mul3A_32 : i32
      "tpu.region"() ({
        %run_scoped3A = tpu.sem_alloc : memref<!tpu.dma_semaphore, #tpu.memory_space<semaphore_mem>>
        %dma_start3A_38 = tpu.memref_slice %arg3[%add3A_33] : memref<983040xi32, #tpu.memory_space<hbm>> -> memref<128xi32, #tpu.memory_space<hbm>>
        %dma_start3A_39 = tpu.memref_slice %arg3[%add3A_33] : memref<983040xi32, #tpu.memory_space<hbm>> -> memref<128xi32, #tpu.memory_space<hbm>>
        tpu.enqueue_dma source(%dma_start3A_39 : memref<128xi32, #tpu.memory_space<hbm>>) target(%arg5 : memref<128xi32, #tpu.memory_space<vmem>>) target_semaphore(%run_scoped3A : memref<!tpu.dma_semaphore, #tpu.memory_space<semaphore_mem>>)
        %dma_wait3A_40 = tpu.memref_slice %arg3[%add3A_33] : memref<983040xi32, #tpu.memory_space<hbm>> -> memref<128xi32, #tpu.memory_space<hbm>>
        %dma_wait3A_41 = tpu.memref_slice %arg3[%add3A_33] : memref<983040xi32, #tpu.memory_space<hbm>> -> memref<128xi32, #tpu.memory_space<hbm>>
        tpu.wait_dma2 semaphore(%run_scoped3A : memref<!tpu.dma_semaphore, #tpu.memory_space<semaphore_mem>>) src(%dma_wait3A_41 : memref<128xi32, #tpu.memory_space<hbm>>) dst(%arg5 : memref<128xi32, #tpu.memory_space<vmem>>)
        tpu.yield
      }) : () -> ()
      %dma_start3A = arith.constant 0 : i32
      %dma_start3A_34 = arith.constant 0 : i32
      %dma_start3A_35 = tpu.memref_slice %arg2[%dma_start3A, %dma_start3A_34] : memref<60000x128xf32, #tpu.memory_space<hbm>> -> memref<60000x128xf32, #tpu.memory_space<hbm>>
      tpu.enqueue_indirect_dma source(%dma_start3A_35 : memref<60000x128xf32, #tpu.memory_space<hbm>>) target(%arg6 : memref<128x128xf32, #tpu.memory_space<vmem>>) offsets(%arg5 : memref<128xi32, #tpu.memory_space<vmem>>) semaphore(%arg7 : memref<!tpu.dma_semaphore, #tpu.memory_space<semaphore_mem>>)
      %dma_wait3A = arith.constant 0 : i32
      %dma_wait3A_36 = arith.constant 0 : i32
      %dma_wait3A_37 = tpu.memref_slice %arg2[%dma_wait3A, %dma_wait3A_36] : memref<60000x128xf32, #tpu.memory_space<hbm>> -> memref<60000x128xf32, #tpu.memory_space<hbm>>
      tpu.wait_indirect_dma semaphore(%arg7 : memref<!tpu.dma_semaphore, #tpu.memory_space<semaphore_mem>>) src(%dma_wait3A_37 : memref<60000x128xf32, #tpu.memory_space<hbm>>) dst(%arg6 : memref<128x128xf32, #tpu.memory_space<vmem>>)
      "tpu.region"() ({
        %run_scoped3A = tpu.sem_alloc : memref<!tpu.dma_semaphore, #tpu.memory_space<semaphore_mem>>
        %dma_start3A_38 = arith.constant 0 : i32
        %dma_start3A_39 = tpu.memref_slice %arg4[%add3A_33, %dma_start3A_38] : memref<983040x128xf32, #tpu.memory_space<hbm>> -> memref<128x128xf32, #tpu.memory_space<hbm>>
        %dma_start3A_40 = arith.constant 0 : i32
        %dma_start3A_41 = tpu.memref_slice %arg4[%add3A_33, %dma_start3A_40] : memref<983040x128xf32, #tpu.memory_space<hbm>> -> memref<128x128xf32, #tpu.memory_space<hbm>>
        tpu.enqueue_dma source(%arg6 : memref<128x128xf32, #tpu.memory_space<vmem>>) target(%dma_start3A_41 : memref<128x128xf32, #tpu.memory_space<hbm>>) target_semaphore(%run_scoped3A : memref<!tpu.dma_semaphore, #tpu.memory_space<semaphore_mem>>)
        %dma_wait3A_42 = arith.constant 0 : i32
        %dma_wait3A_43 = tpu.memref_slice %arg4[%add3A_33, %dma_wait3A_42] : memref<983040x128xf32, #tpu.memory_space<hbm>> -> memref<128x128xf32, #tpu.memory_space<hbm>>
        %dma_wait3A_44 = arith.constant 0 : i32
        %dma_wait3A_45 = tpu.memref_slice %arg4[%add3A_33, %dma_wait3A_44] : memref<983040x128xf32, #tpu.memory_space<hbm>> -> memref<128x128xf32, #tpu.memory_space<hbm>>
        tpu.wait_dma2 semaphore(%run_scoped3A : memref<!tpu.dma_semaphore, #tpu.memory_space<semaphore_mem>>) src(%arg6 : memref<128x128xf32, #tpu.memory_space<vmem>>) dst(%dma_wait3A_45 : memref<128x128xf32, #tpu.memory_space<hbm>>)
        tpu.yield
      }) : () -> ()
    }
    %scan3A_5 = arith.constant 240 : i32
    return
  }
}

#map = affine_map<(d0, d1) -> (0, 0)>
#map1 = affine_map<(d0, d1) -> (0)>
module attributes {stable_mosaic.version = 14 : i64} {
  func.func @_sgs7_body(%arg0: i32, %arg1: i32, %arg2: memref<70000x128xf32, #tpu.memory_space<hbm>>, %arg3: memref<1146880xi32, #tpu.memory_space<hbm>>, %arg4: memref<163840xi32, #tpu.memory_space<hbm>>, %arg5: memref<128x128xf32, #tpu.memory_space<hbm>>, %arg6: memref<70784x128xf32, #tpu.memory_space<hbm>>, %arg7: memref<128xi32, #tpu.memory_space<vmem>>, %arg8: memref<128xi32, #tpu.memory_space<vmem>>, %arg9: memref<128x128xf32, #tpu.memory_space<vmem>>, %arg10: memref<!tpu.dma_semaphore, #tpu.memory_space<semaphore_mem>>, %arg11: memref<10112x128xf32, #tpu.memory_space<vmem_shared>>) attributes {dimension_semantics = [#tpu.dimension_semantics<core_parallel>, #tpu.dimension_semantics<subcore_parallel>], iteration_bounds = array<i64: 2, 16>, scalar_prefetch = 0 : i64, scratch_operands = 5 : i64, tpu.core_type = #tpu.core_type<sc_vector_subcore>, window_params = [{transform_indices = #map}, {transform_indices = #map1}, {transform_indices = #map1}, {transform_indices = #map}, {transform_indices = #map}]} {
    %mul3A = arith.constant 4 : i32
    %mul3A_0 = arith.muli %mul3A, %arg0 : i32
    %add3A = arith.constant 0 : i32
    %add3A_1 = arith.addi %mul3A_0, %add3A : i32
    %min3A = arith.constant 6 : i32
    %min3A_2 = arith.minsi %add3A_1, %min3A : i32
    %scan3A = arith.constant 0 : i32
    %scan3A_3 = arith.constant 0 : i32
    %scan3A_4 = arith.constant 5 : i32
    %scan3A_5 = arith.addi %scan3A_3, %scan3A_4 : i32
    %scan3A_6 = arith.constant 1 : i32
    scf.for %scan3A_112 = %scan3A_3 to %scan3A_5 step %scan3A_6  : i32 {
      %mul3A_113 = arith.constant 16 : i32
      %mul3A_114 = arith.muli %mul3A_113, %scan3A_112 : i32
      %add3A_115 = arith.addi %arg1, %mul3A_114 : i32
      %lt3A_116 = arith.constant 79 : i32
      %lt3A_117 = arith.cmpi slt, %add3A_115, %lt3A_116 : i32
      %convert_element_type3A_118 = arith.extui %lt3A_117 : i1 to i32
      %cond3A_119 = arith.constant 0 : i32
      %cond3A_120 = arith.cmpi ne, %convert_element_type3A_118, %cond3A_119 : i32
      scf.if %cond3A_120 {
        %mul3A_121 = arith.constant 128 : i32
        %mul3A_122 = arith.muli %add3A_115, %mul3A_121 : i32
        "tpu.region"() ({
          %run_scoped3A = tpu.sem_alloc : memref<!tpu.dma_semaphore, #tpu.memory_space<semaphore_mem>>
          %dma_start3A = arith.constant 0 : i32
          %dma_start3A_123 = tpu.memref_slice %arg11[%mul3A_122, %dma_start3A] : memref<10112x128xf32, #tpu.memory_space<vmem_shared>> -> memref<128x128xf32, #tpu.memory_space<vmem_shared>>
          tpu.enqueue_dma source(%arg5 : memref<128x128xf32, #tpu.memory_space<hbm>>) target(%dma_start3A_123 : memref<128x128xf32, #tpu.memory_space<vmem_shared>>) target_semaphore(%run_scoped3A : memref<!tpu.dma_semaphore, #tpu.memory_space<semaphore_mem>>)
          %dma_wait3A = arith.constant 0 : i32
          %dma_wait3A_124 = tpu.memref_slice %arg11[%mul3A_122, %dma_wait3A] : memref<10112x128xf32, #tpu.memory_space<vmem_shared>> -> memref<128x128xf32, #tpu.memory_space<vmem_shared>>
          tpu.wait_dma2 semaphore(%run_scoped3A : memref<!tpu.dma_semaphore, #tpu.memory_space<semaphore_mem>>) src(%arg5 : memref<128x128xf32, #tpu.memory_space<hbm>>) dst(%dma_wait3A_124 : memref<128x128xf32, #tpu.memory_space<vmem_shared>>)
          tpu.yield
        }) : () -> ()
      } else {
      }
    }
    %scan3A_7 = arith.constant 5 : i32
    %barrier3A = arith.constant 0 : index
    tpu.barrier barrier_id(%barrier3A)
    %scan3A_8 = arith.constant 0 : i32
    %scan3A_9 = arith.constant 0 : i32
    %scan3A_10 = arith.constant 80 : i32
    %scan3A_11 = arith.addi %scan3A_9, %scan3A_10 : i32
    %scan3A_12 = arith.constant 1 : i32
    scf.for %scan3A_112 = %scan3A_9 to %scan3A_11 step %scan3A_12  : i32 {
      %mul3A_113 = arith.constant 10240 : i32
      %mul3A_114 = arith.muli %arg1, %mul3A_113 : i32
      %mul3A_115 = arith.constant 128 : i32
      %mul3A_116 = arith.muli %scan3A_112, %mul3A_115 : i32
      %add3A_117 = arith.addi %mul3A_114, %mul3A_116 : i32
      %mul3A_118 = arith.constant 163840 : i32
      %mul3A_119 = arith.muli %min3A_2, %mul3A_118 : i32
      %add3A_120 = arith.addi %mul3A_119, %add3A_117 : i32
      "tpu.region"() ({
        %run_scoped3A = tpu.sem_alloc : memref<!tpu.dma_semaphore, #tpu.memory_space<semaphore_mem>>
        %dma_start3A_125 = tpu.memref_slice %arg3[%add3A_120] : memref<1146880xi32, #tpu.memory_space<hbm>> -> memref<128xi32, #tpu.memory_space<hbm>>
        %dma_start3A_126 = tpu.memref_slice %arg3[%add3A_120] : memref<1146880xi32, #tpu.memory_space<hbm>> -> memref<128xi32, #tpu.memory_space<hbm>>
        tpu.enqueue_dma source(%dma_start3A_126 : memref<128xi32, #tpu.memory_space<hbm>>) target(%arg7 : memref<128xi32, #tpu.memory_space<vmem>>) target_semaphore(%run_scoped3A : memref<!tpu.dma_semaphore, #tpu.memory_space<semaphore_mem>>)
        %dma_wait3A_127 = tpu.memref_slice %arg3[%add3A_120] : memref<1146880xi32, #tpu.memory_space<hbm>> -> memref<128xi32, #tpu.memory_space<hbm>>
        %dma_wait3A_128 = tpu.memref_slice %arg3[%add3A_120] : memref<1146880xi32, #tpu.memory_space<hbm>> -> memref<128xi32, #tpu.memory_space<hbm>>
        tpu.wait_dma2 semaphore(%run_scoped3A : memref<!tpu.dma_semaphore, #tpu.memory_space<semaphore_mem>>) src(%dma_wait3A_128 : memref<128xi32, #tpu.memory_space<hbm>>) dst(%arg7 : memref<128xi32, #tpu.memory_space<vmem>>)
        tpu.yield
      }) : () -> ()
      %dma_start3A = arith.constant 0 : i32
      %dma_start3A_121 = arith.constant 0 : i32
      %dma_start3A_122 = tpu.memref_slice %arg2[%dma_start3A, %dma_start3A_121] : memref<70000x128xf32, #tpu.memory_space<hbm>> -> memref<70000x128xf32, #tpu.memory_space<hbm>>
      tpu.enqueue_indirect_dma source(%dma_start3A_122 : memref<70000x128xf32, #tpu.memory_space<hbm>>) target(%arg9 : memref<128x128xf32, #tpu.memory_space<vmem>>) offsets(%arg7 : memref<128xi32, #tpu.memory_space<vmem>>) semaphore(%arg10 : memref<!tpu.dma_semaphore, #tpu.memory_space<semaphore_mem>>)
      %dma_wait3A = arith.constant 0 : i32
      %dma_wait3A_123 = arith.constant 0 : i32
      %dma_wait3A_124 = tpu.memref_slice %arg2[%dma_wait3A, %dma_wait3A_123] : memref<70000x128xf32, #tpu.memory_space<hbm>> -> memref<70000x128xf32, #tpu.memory_space<hbm>>
      tpu.wait_indirect_dma semaphore(%arg10 : memref<!tpu.dma_semaphore, #tpu.memory_space<semaphore_mem>>) src(%dma_wait3A_124 : memref<70000x128xf32, #tpu.memory_space<hbm>>) dst(%arg9 : memref<128x128xf32, #tpu.memory_space<vmem>>)
      "tpu.region"() ({
        %run_scoped3A = tpu.sem_alloc : memref<!tpu.dma_semaphore, #tpu.memory_space<semaphore_mem>>
        %dma_start3A_125 = tpu.memref_slice %arg4[%add3A_117] : memref<163840xi32, #tpu.memory_space<hbm>> -> memref<128xi32, #tpu.memory_space<hbm>>
        %dma_start3A_126 = tpu.memref_slice %arg4[%add3A_117] : memref<163840xi32, #tpu.memory_space<hbm>> -> memref<128xi32, #tpu.memory_space<hbm>>
        tpu.enqueue_dma source(%dma_start3A_126 : memref<128xi32, #tpu.memory_space<hbm>>) target(%arg8 : memref<128xi32, #tpu.memory_space<vmem>>) target_semaphore(%run_scoped3A : memref<!tpu.dma_semaphore, #tpu.memory_space<semaphore_mem>>)
        %dma_wait3A_127 = tpu.memref_slice %arg4[%add3A_117] : memref<163840xi32, #tpu.memory_space<hbm>> -> memref<128xi32, #tpu.memory_space<hbm>>
        %dma_wait3A_128 = tpu.memref_slice %arg4[%add3A_117] : memref<163840xi32, #tpu.memory_space<hbm>> -> memref<128xi32, #tpu.memory_space<hbm>>
        tpu.wait_dma2 semaphore(%run_scoped3A : memref<!tpu.dma_semaphore, #tpu.memory_space<semaphore_mem>>) src(%dma_wait3A_128 : memref<128xi32, #tpu.memory_space<hbm>>) dst(%arg8 : memref<128xi32, #tpu.memory_space<vmem>>)
        tpu.yield
      }) : () -> ()
      "tpu.region"() ({
        %run_scoped3A = tpu.sem_alloc : memref<!tpu.dma_semaphore, #tpu.memory_space<semaphore_mem>>
        %dma_start3A_125 = arith.constant 0 : i32
        %dma_start3A_126 = arith.constant 0 : i32
        %dma_start3A_127 = tpu.memref_slice %arg11[%dma_start3A_125, %dma_start3A_126] : memref<10112x128xf32, #tpu.memory_space<vmem_shared>> -> memref<10112x128xf32, #tpu.memory_space<vmem_shared>>
        tpu.enqueue_indirect_dma source(%arg9 : memref<128x128xf32, #tpu.memory_space<vmem>>) target(%dma_start3A_127 : memref<10112x128xf32, #tpu.memory_space<vmem_shared>>) offsets(%arg8 : memref<128xi32, #tpu.memory_space<vmem>>) semaphore(%run_scoped3A : memref<!tpu.dma_semaphore, #tpu.memory_space<semaphore_mem>>) {add = true}
        %dma_wait3A_128 = arith.constant 0 : i32
        %dma_wait3A_129 = arith.constant 0 : i32
        %dma_wait3A_130 = tpu.memref_slice %arg11[%dma_wait3A_128, %dma_wait3A_129] : memref<10112x128xf32, #tpu.memory_space<vmem_shared>> -> memref<10112x128xf32, #tpu.memory_space<vmem_shared>>
        tpu.wait_indirect_dma semaphore(%run_scoped3A : memref<!tpu.dma_semaphore, #tpu.memory_space<semaphore_mem>>) src(%arg9 : memref<128x128xf32, #tpu.memory_space<vmem>>) dst(%dma_wait3A_130 : memref<10112x128xf32, #tpu.memory_space<vmem_shared>>)
        tpu.yield
      }) : () -> ()
    }
    %scan3A_13 = arith.constant 80 : i32
    %barrier3A_14 = arith.constant 0 : index
    tpu.barrier barrier_id(%barrier3A_14)
    %mul3A_15 = arith.constant 4 : i32
    %mul3A_16 = arith.muli %mul3A_15, %arg0 : i32
    %add3A_17 = arith.constant 0 : i32
    %add3A_18 = arith.addi %mul3A_16, %add3A_17 : i32
    %lt3A = arith.constant 7 : i32
    %lt3A_19 = arith.cmpi slt, %add3A_18, %lt3A : i32
    %convert_element_type3A = arith.extui %lt3A_19 : i1 to i32
    %cond3A = arith.constant 0 : i32
    %cond3A_20 = arith.cmpi ne, %convert_element_type3A, %cond3A : i32
    scf.if %cond3A_20 {
      %scan3A_112 = arith.constant 0 : i32
      %scan3A_113 = arith.constant 0 : i32
      %scan3A_114 = arith.constant 5 : i32
      %scan3A_115 = arith.addi %scan3A_113, %scan3A_114 : i32
      %scan3A_116 = arith.constant 1 : i32
      scf.for %scan3A_118 = %scan3A_113 to %scan3A_115 step %scan3A_116  : i32 {
        %mul3A_119 = arith.constant 16 : i32
        %mul3A_120 = arith.muli %mul3A_119, %scan3A_118 : i32
        %add3A_121 = arith.addi %arg1, %mul3A_120 : i32
        %lt3A_122 = arith.constant 79 : i32
        %lt3A_123 = arith.cmpi slt, %add3A_121, %lt3A_122 : i32
        %convert_element_type3A_124 = arith.extui %lt3A_123 : i1 to i32
        %cond3A_125 = arith.constant 0 : i32
        %cond3A_126 = arith.cmpi ne, %convert_element_type3A_124, %cond3A_125 : i32
        scf.if %cond3A_126 {
          %mul3A_127 = arith.constant 128 : i32
          %mul3A_128 = arith.muli %add3A_121, %mul3A_127 : i32
          "tpu.region"() ({
            %run_scoped3A = tpu.sem_alloc : memref<!tpu.dma_semaphore, #tpu.memory_space<semaphore_mem>>
            %dma_start3A = arith.constant 0 : i32
            %dma_start3A_134 = tpu.memref_slice %arg11[%mul3A_128, %dma_start3A] : memref<10112x128xf32, #tpu.memory_space<vmem_shared>> -> memref<128x128xf32, #tpu.memory_space<vmem_shared>>
            %dma_start3A_135 = arith.constant 0 : i32
            %dma_start3A_136 = tpu.memref_slice %arg11[%mul3A_128, %dma_start3A_135] : memref<10112x128xf32, #tpu.memory_space<vmem_shared>> -> memref<128x128xf32, #tpu.memory_space<vmem_shared>>
            tpu.enqueue_dma source(%dma_start3A_136 : memref<128x128xf32, #tpu.memory_space<vmem_shared>>) target(%arg9 : memref<128x128xf32, #tpu.memory_space<vmem>>) target_semaphore(%run_scoped3A : memref<!tpu.dma_semaphore, #tpu.memory_space<semaphore_mem>>)
            %dma_wait3A = arith.constant 0 : i32
            %dma_wait3A_137 = tpu.memref_slice %arg11[%mul3A_128, %dma_wait3A] : memref<10112x128xf32, #tpu.memory_space<vmem_shared>> -> memref<128x128xf32, #tpu.memory_space<vmem_shared>>
            %dma_wait3A_138 = arith.constant 0 : i32
            %dma_wait3A_139 = tpu.memref_slice %arg11[%mul3A_128, %dma_wait3A_138] : memref<10112x128xf32, #tpu.memory_space<vmem_shared>> -> memref<128x128xf32, #tpu.memory_space<vmem_shared>>
            tpu.wait_dma2 semaphore(%run_scoped3A : memref<!tpu.dma_semaphore, #tpu.memory_space<semaphore_mem>>) src(%dma_wait3A_139 : memref<128x128xf32, #tpu.memory_space<vmem_shared>>) dst(%arg9 : memref<128x128xf32, #tpu.memory_space<vmem>>)
            tpu.yield
          }) : () -> ()
          %mul3A_129 = arith.constant 10112 : i32
          %mul3A_130 = arith.muli %min3A_2, %mul3A_129 : i32
          %mul3A_131 = arith.constant 128 : i32
          %mul3A_132 = arith.muli %add3A_121, %mul3A_131 : i32
          %add3A_133 = arith.addi %mul3A_130, %mul3A_132 : i32
          "tpu.region"() ({
            %run_scoped3A = tpu.sem_alloc : memref<!tpu.dma_semaphore, #tpu.memory_space<semaphore_mem>>
            %dma_start3A = arith.constant 0 : i32
            %dma_start3A_134 = tpu.memref_slice %arg6[%add3A_133, %dma_start3A] : memref<70784x128xf32, #tpu.memory_space<hbm>> -> memref<128x128xf32, #tpu.memory_space<hbm>>
            %dma_start3A_135 = arith.constant 0 : i32
            %dma_start3A_136 = tpu.memref_slice %arg6[%add3A_133, %dma_start3A_135] : memref<70784x128xf32, #tpu.memory_space<hbm>> -> memref<128x128xf32, #tpu.memory_space<hbm>>
            tpu.enqueue_dma source(%arg9 : memref<128x128xf32, #tpu.memory_space<vmem>>) target(%dma_start3A_136 : memref<128x128xf32, #tpu.memory_space<hbm>>) target_semaphore(%run_scoped3A : memref<!tpu.dma_semaphore, #tpu.memory_space<semaphore_mem>>)
            %dma_wait3A = arith.constant 0 : i32
            %dma_wait3A_137 = tpu.memref_slice %arg6[%add3A_133, %dma_wait3A] : memref<70784x128xf32, #tpu.memory_space<hbm>> -> memref<128x128xf32, #tpu.memory_space<hbm>>
            %dma_wait3A_138 = arith.constant 0 : i32
            %dma_wait3A_139 = tpu.memref_slice %arg6[%add3A_133, %dma_wait3A_138] : memref<70784x128xf32, #tpu.memory_space<hbm>> -> memref<128x128xf32, #tpu.memory_space<hbm>>
            tpu.wait_dma2 semaphore(%run_scoped3A : memref<!tpu.dma_semaphore, #tpu.memory_space<semaphore_mem>>) src(%arg9 : memref<128x128xf32, #tpu.memory_space<vmem>>) dst(%dma_wait3A_139 : memref<128x128xf32, #tpu.memory_space<hbm>>)
            tpu.yield
          }) : () -> ()
        } else {
        }
      }
      %scan3A_117 = arith.constant 5 : i32
    } else {
    }
    %barrier3A_21 = arith.constant 0 : index
    tpu.barrier barrier_id(%barrier3A_21)
    %mul3A_22 = arith.constant 4 : i32
    %mul3A_23 = arith.muli %mul3A_22, %arg0 : i32
    %add3A_24 = arith.constant 1 : i32
    %add3A_25 = arith.addi %mul3A_23, %add3A_24 : i32
    %min3A_26 = arith.constant 6 : i32
    %min3A_27 = arith.minsi %add3A_25, %min3A_26 : i32
    %scan3A_28 = arith.constant 0 : i32
    %scan3A_29 = arith.constant 0 : i32
    %scan3A_30 = arith.constant 5 : i32
    %scan3A_31 = arith.addi %scan3A_29, %scan3A_30 : i32
    %scan3A_32 = arith.constant 1 : i32
    scf.for %scan3A_112 = %scan3A_29 to %scan3A_31 step %scan3A_32  : i32 {
      %mul3A_113 = arith.constant 16 : i32
      %mul3A_114 = arith.muli %mul3A_113, %scan3A_112 : i32
      %add3A_115 = arith.addi %arg1, %mul3A_114 : i32
      %lt3A_116 = arith.constant 79 : i32
      %lt3A_117 = arith.cmpi slt, %add3A_115, %lt3A_116 : i32
      %convert_element_type3A_118 = arith.extui %lt3A_117 : i1 to i32
      %cond3A_119 = arith.constant 0 : i32
      %cond3A_120 = arith.cmpi ne, %convert_element_type3A_118, %cond3A_119 : i32
      scf.if %cond3A_120 {
        %mul3A_121 = arith.constant 128 : i32
        %mul3A_122 = arith.muli %add3A_115, %mul3A_121 : i32
        "tpu.region"() ({
          %run_scoped3A = tpu.sem_alloc : memref<!tpu.dma_semaphore, #tpu.memory_space<semaphore_mem>>
          %dma_start3A = arith.constant 0 : i32
          %dma_start3A_123 = tpu.memref_slice %arg11[%mul3A_122, %dma_start3A] : memref<10112x128xf32, #tpu.memory_space<vmem_shared>> -> memref<128x128xf32, #tpu.memory_space<vmem_shared>>
          tpu.enqueue_dma source(%arg5 : memref<128x128xf32, #tpu.memory_space<hbm>>) target(%dma_start3A_123 : memref<128x128xf32, #tpu.memory_space<vmem_shared>>) target_semaphore(%run_scoped3A : memref<!tpu.dma_semaphore, #tpu.memory_space<semaphore_mem>>)
          %dma_wait3A = arith.constant 0 : i32
          %dma_wait3A_124 = tpu.memref_slice %arg11[%mul3A_122, %dma_wait3A] : memref<10112x128xf32, #tpu.memory_space<vmem_shared>> -> memref<128x128xf32, #tpu.memory_space<vmem_shared>>
          tpu.wait_dma2 semaphore(%run_scoped3A : memref<!tpu.dma_semaphore, #tpu.memory_space<semaphore_mem>>) src(%arg5 : memref<128x128xf32, #tpu.memory_space<hbm>>) dst(%dma_wait3A_124 : memref<128x128xf32, #tpu.memory_space<vmem_shared>>)
          tpu.yield
        }) : () -> ()
      } else {
      }
    }
    %scan3A_33 = arith.constant 5 : i32
    %barrier3A_34 = arith.constant 0 : index
    tpu.barrier barrier_id(%barrier3A_34)
    %scan3A_35 = arith.constant 0 : i32
    %scan3A_36 = arith.constant 0 : i32
    %scan3A_37 = arith.constant 80 : i32
    %scan3A_38 = arith.addi %scan3A_36, %scan3A_37 : i32
    %scan3A_39 = arith.constant 1 : i32
    scf.for %scan3A_112 = %scan3A_36 to %scan3A_38 step %scan3A_39  : i32 {
      %mul3A_113 = arith.constant 10240 : i32
      %mul3A_114 = arith.muli %arg1, %mul3A_113 : i32
      %mul3A_115 = arith.constant 128 : i32
      %mul3A_116 = arith.muli %scan3A_112, %mul3A_115 : i32
      %add3A_117 = arith.addi %mul3A_114, %mul3A_116 : i32
      %mul3A_118 = arith.constant 163840 : i32
      %mul3A_119 = arith.muli %min3A_27, %mul3A_118 : i32
      %add3A_120 = arith.addi %mul3A_119, %add3A_117 : i32
      "tpu.region"() ({
        %run_scoped3A = tpu.sem_alloc : memref<!tpu.dma_semaphore, #tpu.memory_space<semaphore_mem>>
        %dma_start3A_125 = tpu.memref_slice %arg3[%add3A_120] : memref<1146880xi32, #tpu.memory_space<hbm>> -> memref<128xi32, #tpu.memory_space<hbm>>
        %dma_start3A_126 = tpu.memref_slice %arg3[%add3A_120] : memref<1146880xi32, #tpu.memory_space<hbm>> -> memref<128xi32, #tpu.memory_space<hbm>>
        tpu.enqueue_dma source(%dma_start3A_126 : memref<128xi32, #tpu.memory_space<hbm>>) target(%arg7 : memref<128xi32, #tpu.memory_space<vmem>>) target_semaphore(%run_scoped3A : memref<!tpu.dma_semaphore, #tpu.memory_space<semaphore_mem>>)
        %dma_wait3A_127 = tpu.memref_slice %arg3[%add3A_120] : memref<1146880xi32, #tpu.memory_space<hbm>> -> memref<128xi32, #tpu.memory_space<hbm>>
        %dma_wait3A_128 = tpu.memref_slice %arg3[%add3A_120] : memref<1146880xi32, #tpu.memory_space<hbm>> -> memref<128xi32, #tpu.memory_space<hbm>>
        tpu.wait_dma2 semaphore(%run_scoped3A : memref<!tpu.dma_semaphore, #tpu.memory_space<semaphore_mem>>) src(%dma_wait3A_128 : memref<128xi32, #tpu.memory_space<hbm>>) dst(%arg7 : memref<128xi32, #tpu.memory_space<vmem>>)
        tpu.yield
      }) : () -> ()
      %dma_start3A = arith.constant 0 : i32
      %dma_start3A_121 = arith.constant 0 : i32
      %dma_start3A_122 = tpu.memref_slice %arg2[%dma_start3A, %dma_start3A_121] : memref<70000x128xf32, #tpu.memory_space<hbm>> -> memref<70000x128xf32, #tpu.memory_space<hbm>>
      tpu.enqueue_indirect_dma source(%dma_start3A_122 : memref<70000x128xf32, #tpu.memory_space<hbm>>) target(%arg9 : memref<128x128xf32, #tpu.memory_space<vmem>>) offsets(%arg7 : memref<128xi32, #tpu.memory_space<vmem>>) semaphore(%arg10 : memref<!tpu.dma_semaphore, #tpu.memory_space<semaphore_mem>>)
      %dma_wait3A = arith.constant 0 : i32
      %dma_wait3A_123 = arith.constant 0 : i32
      %dma_wait3A_124 = tpu.memref_slice %arg2[%dma_wait3A, %dma_wait3A_123] : memref<70000x128xf32, #tpu.memory_space<hbm>> -> memref<70000x128xf32, #tpu.memory_space<hbm>>
      tpu.wait_indirect_dma semaphore(%arg10 : memref<!tpu.dma_semaphore, #tpu.memory_space<semaphore_mem>>) src(%dma_wait3A_124 : memref<70000x128xf32, #tpu.memory_space<hbm>>) dst(%arg9 : memref<128x128xf32, #tpu.memory_space<vmem>>)
      "tpu.region"() ({
        %run_scoped3A = tpu.sem_alloc : memref<!tpu.dma_semaphore, #tpu.memory_space<semaphore_mem>>
        %dma_start3A_125 = tpu.memref_slice %arg4[%add3A_117] : memref<163840xi32, #tpu.memory_space<hbm>> -> memref<128xi32, #tpu.memory_space<hbm>>
        %dma_start3A_126 = tpu.memref_slice %arg4[%add3A_117] : memref<163840xi32, #tpu.memory_space<hbm>> -> memref<128xi32, #tpu.memory_space<hbm>>
        tpu.enqueue_dma source(%dma_start3A_126 : memref<128xi32, #tpu.memory_space<hbm>>) target(%arg8 : memref<128xi32, #tpu.memory_space<vmem>>) target_semaphore(%run_scoped3A : memref<!tpu.dma_semaphore, #tpu.memory_space<semaphore_mem>>)
        %dma_wait3A_127 = tpu.memref_slice %arg4[%add3A_117] : memref<163840xi32, #tpu.memory_space<hbm>> -> memref<128xi32, #tpu.memory_space<hbm>>
        %dma_wait3A_128 = tpu.memref_slice %arg4[%add3A_117] : memref<163840xi32, #tpu.memory_space<hbm>> -> memref<128xi32, #tpu.memory_space<hbm>>
        tpu.wait_dma2 semaphore(%run_scoped3A : memref<!tpu.dma_semaphore, #tpu.memory_space<semaphore_mem>>) src(%dma_wait3A_128 : memref<128xi32, #tpu.memory_space<hbm>>) dst(%arg8 : memref<128xi32, #tpu.memory_space<vmem>>)
        tpu.yield
      }) : () -> ()
      "tpu.region"() ({
        %run_scoped3A = tpu.sem_alloc : memref<!tpu.dma_semaphore, #tpu.memory_space<semaphore_mem>>
        %dma_start3A_125 = arith.constant 0 : i32
        %dma_start3A_126 = arith.constant 0 : i32
        %dma_start3A_127 = tpu.memref_slice %arg11[%dma_start3A_125, %dma_start3A_126] : memref<10112x128xf32, #tpu.memory_space<vmem_shared>> -> memref<10112x128xf32, #tpu.memory_space<vmem_shared>>
        tpu.enqueue_indirect_dma source(%arg9 : memref<128x128xf32, #tpu.memory_space<vmem>>) target(%dma_start3A_127 : memref<10112x128xf32, #tpu.memory_space<vmem_shared>>) offsets(%arg8 : memref<128xi32, #tpu.memory_space<vmem>>) semaphore(%run_scoped3A : memref<!tpu.dma_semaphore, #tpu.memory_space<semaphore_mem>>) {add = true}
        %dma_wait3A_128 = arith.constant 0 : i32
        %dma_wait3A_129 = arith.constant 0 : i32
        %dma_wait3A_130 = tpu.memref_slice %arg11[%dma_wait3A_128, %dma_wait3A_129] : memref<10112x128xf32, #tpu.memory_space<vmem_shared>> -> memref<10112x128xf32, #tpu.memory_space<vmem_shared>>
        tpu.wait_indirect_dma semaphore(%run_scoped3A : memref<!tpu.dma_semaphore, #tpu.memory_space<semaphore_mem>>) src(%arg9 : memref<128x128xf32, #tpu.memory_space<vmem>>) dst(%dma_wait3A_130 : memref<10112x128xf32, #tpu.memory_space<vmem_shared>>)
        tpu.yield
      }) : () -> ()
    }
    %scan3A_40 = arith.constant 80 : i32
    %barrier3A_41 = arith.constant 0 : index
    tpu.barrier barrier_id(%barrier3A_41)
    %mul3A_42 = arith.constant 4 : i32
    %mul3A_43 = arith.muli %mul3A_42, %arg0 : i32
    %add3A_44 = arith.constant 1 : i32
    %add3A_45 = arith.addi %mul3A_43, %add3A_44 : i32
    %lt3A_46 = arith.constant 7 : i32
    %lt3A_47 = arith.cmpi slt, %add3A_45, %lt3A_46 : i32
    %convert_element_type3A_48 = arith.extui %lt3A_47 : i1 to i32
    %cond3A_49 = arith.constant 0 : i32
    %cond3A_50 = arith.cmpi ne, %convert_element_type3A_48, %cond3A_49 : i32
    scf.if %cond3A_50 {
      %scan3A_112 = arith.constant 0 : i32
      %scan3A_113 = arith.constant 0 : i32
      %scan3A_114 = arith.constant 5 : i32
      %scan3A_115 = arith.addi %scan3A_113, %scan3A_114 : i32
      %scan3A_116 = arith.constant 1 : i32
      scf.for %scan3A_118 = %scan3A_113 to %scan3A_115 step %scan3A_116  : i32 {
        %mul3A_119 = arith.constant 16 : i32
        %mul3A_120 = arith.muli %mul3A_119, %scan3A_118 : i32
        %add3A_121 = arith.addi %arg1, %mul3A_120 : i32
        %lt3A_122 = arith.constant 79 : i32
        %lt3A_123 = arith.cmpi slt, %add3A_121, %lt3A_122 : i32
        %convert_element_type3A_124 = arith.extui %lt3A_123 : i1 to i32
        %cond3A_125 = arith.constant 0 : i32
        %cond3A_126 = arith.cmpi ne, %convert_element_type3A_124, %cond3A_125 : i32
        scf.if %cond3A_126 {
          %mul3A_127 = arith.constant 128 : i32
          %mul3A_128 = arith.muli %add3A_121, %mul3A_127 : i32
          "tpu.region"() ({
            %run_scoped3A = tpu.sem_alloc : memref<!tpu.dma_semaphore, #tpu.memory_space<semaphore_mem>>
            %dma_start3A = arith.constant 0 : i32
            %dma_start3A_134 = tpu.memref_slice %arg11[%mul3A_128, %dma_start3A] : memref<10112x128xf32, #tpu.memory_space<vmem_shared>> -> memref<128x128xf32, #tpu.memory_space<vmem_shared>>
            %dma_start3A_135 = arith.constant 0 : i32
            %dma_start3A_136 = tpu.memref_slice %arg11[%mul3A_128, %dma_start3A_135] : memref<10112x128xf32, #tpu.memory_space<vmem_shared>> -> memref<128x128xf32, #tpu.memory_space<vmem_shared>>
            tpu.enqueue_dma source(%dma_start3A_136 : memref<128x128xf32, #tpu.memory_space<vmem_shared>>) target(%arg9 : memref<128x128xf32, #tpu.memory_space<vmem>>) target_semaphore(%run_scoped3A : memref<!tpu.dma_semaphore, #tpu.memory_space<semaphore_mem>>)
            %dma_wait3A = arith.constant 0 : i32
            %dma_wait3A_137 = tpu.memref_slice %arg11[%mul3A_128, %dma_wait3A] : memref<10112x128xf32, #tpu.memory_space<vmem_shared>> -> memref<128x128xf32, #tpu.memory_space<vmem_shared>>
            %dma_wait3A_138 = arith.constant 0 : i32
            %dma_wait3A_139 = tpu.memref_slice %arg11[%mul3A_128, %dma_wait3A_138] : memref<10112x128xf32, #tpu.memory_space<vmem_shared>> -> memref<128x128xf32, #tpu.memory_space<vmem_shared>>
            tpu.wait_dma2 semaphore(%run_scoped3A : memref<!tpu.dma_semaphore, #tpu.memory_space<semaphore_mem>>) src(%dma_wait3A_139 : memref<128x128xf32, #tpu.memory_space<vmem_shared>>) dst(%arg9 : memref<128x128xf32, #tpu.memory_space<vmem>>)
            tpu.yield
          }) : () -> ()
          %mul3A_129 = arith.constant 10112 : i32
          %mul3A_130 = arith.muli %min3A_27, %mul3A_129 : i32
          %mul3A_131 = arith.constant 128 : i32
          %mul3A_132 = arith.muli %add3A_121, %mul3A_131 : i32
          %add3A_133 = arith.addi %mul3A_130, %mul3A_132 : i32
          "tpu.region"() ({
            %run_scoped3A = tpu.sem_alloc : memref<!tpu.dma_semaphore, #tpu.memory_space<semaphore_mem>>
            %dma_start3A = arith.constant 0 : i32
            %dma_start3A_134 = tpu.memref_slice %arg6[%add3A_133, %dma_start3A] : memref<70784x128xf32, #tpu.memory_space<hbm>> -> memref<128x128xf32, #tpu.memory_space<hbm>>
            %dma_start3A_135 = arith.constant 0 : i32
            %dma_start3A_136 = tpu.memref_slice %arg6[%add3A_133, %dma_start3A_135] : memref<70784x128xf32, #tpu.memory_space<hbm>> -> memref<128x128xf32, #tpu.memory_space<hbm>>
            tpu.enqueue_dma source(%arg9 : memref<128x128xf32, #tpu.memory_space<vmem>>) target(%dma_start3A_136 : memref<128x128xf32, #tpu.memory_space<hbm>>) target_semaphore(%run_scoped3A : memref<!tpu.dma_semaphore, #tpu.memory_space<semaphore_mem>>)
            %dma_wait3A = arith.constant 0 : i32
            %dma_wait3A_137 = tpu.memref_slice %arg6[%add3A_133, %dma_wait3A] : memref<70784x128xf32, #tpu.memory_space<hbm>> -> memref<128x128xf32, #tpu.memory_space<hbm>>
            %dma_wait3A_138 = arith.constant 0 : i32
            %dma_wait3A_139 = tpu.memref_slice %arg6[%add3A_133, %dma_wait3A_138] : memref<70784x128xf32, #tpu.memory_space<hbm>> -> memref<128x128xf32, #tpu.memory_space<hbm>>
            tpu.wait_dma2 semaphore(%run_scoped3A : memref<!tpu.dma_semaphore, #tpu.memory_space<semaphore_mem>>) src(%arg9 : memref<128x128xf32, #tpu.memory_space<vmem>>) dst(%dma_wait3A_139 : memref<128x128xf32, #tpu.memory_space<hbm>>)
            tpu.yield
          }) : () -> ()
        } else {
        }
      }
      %scan3A_117 = arith.constant 5 : i32
    } else {
    }
    %barrier3A_51 = arith.constant 0 : index
    tpu.barrier barrier_id(%barrier3A_51)
    %mul3A_52 = arith.constant 4 : i32
    %mul3A_53 = arith.muli %mul3A_52, %arg0 : i32
    %add3A_54 = arith.constant 2 : i32
    %add3A_55 = arith.addi %mul3A_53, %add3A_54 : i32
    %min3A_56 = arith.constant 6 : i32
    %min3A_57 = arith.minsi %add3A_55, %min3A_56 : i32
    %scan3A_58 = arith.constant 0 : i32
    %scan3A_59 = arith.constant 0 : i32
    %scan3A_60 = arith.constant 5 : i32
    %scan3A_61 = arith.addi %scan3A_59, %scan3A_60 : i32
    %scan3A_62 = arith.constant 1 : i32
    scf.for %scan3A_112 = %scan3A_59 to %scan3A_61 step %scan3A_62  : i32 {
      %mul3A_113 = arith.constant 16 : i32
      %mul3A_114 = arith.muli %mul3A_113, %scan3A_112 : i32
      %add3A_115 = arith.addi %arg1, %mul3A_114 : i32
      %lt3A_116 = arith.constant 79 : i32
      %lt3A_117 = arith.cmpi slt, %add3A_115, %lt3A_116 : i32
      %convert_element_type3A_118 = arith.extui %lt3A_117 : i1 to i32
      %cond3A_119 = arith.constant 0 : i32
      %cond3A_120 = arith.cmpi ne, %convert_element_type3A_118, %cond3A_119 : i32
      scf.if %cond3A_120 {
        %mul3A_121 = arith.constant 128 : i32
        %mul3A_122 = arith.muli %add3A_115, %mul3A_121 : i32
        "tpu.region"() ({
          %run_scoped3A = tpu.sem_alloc : memref<!tpu.dma_semaphore, #tpu.memory_space<semaphore_mem>>
          %dma_start3A = arith.constant 0 : i32
          %dma_start3A_123 = tpu.memref_slice %arg11[%mul3A_122, %dma_start3A] : memref<10112x128xf32, #tpu.memory_space<vmem_shared>> -> memref<128x128xf32, #tpu.memory_space<vmem_shared>>
          tpu.enqueue_dma source(%arg5 : memref<128x128xf32, #tpu.memory_space<hbm>>) target(%dma_start3A_123 : memref<128x128xf32, #tpu.memory_space<vmem_shared>>) target_semaphore(%run_scoped3A : memref<!tpu.dma_semaphore, #tpu.memory_space<semaphore_mem>>)
          %dma_wait3A = arith.constant 0 : i32
          %dma_wait3A_124 = tpu.memref_slice %arg11[%mul3A_122, %dma_wait3A] : memref<10112x128xf32, #tpu.memory_space<vmem_shared>> -> memref<128x128xf32, #tpu.memory_space<vmem_shared>>
          tpu.wait_dma2 semaphore(%run_scoped3A : memref<!tpu.dma_semaphore, #tpu.memory_space<semaphore_mem>>) src(%arg5 : memref<128x128xf32, #tpu.memory_space<hbm>>) dst(%dma_wait3A_124 : memref<128x128xf32, #tpu.memory_space<vmem_shared>>)
          tpu.yield
        }) : () -> ()
      } else {
      }
    }
    %scan3A_63 = arith.constant 5 : i32
    %barrier3A_64 = arith.constant 0 : index
    tpu.barrier barrier_id(%barrier3A_64)
    %scan3A_65 = arith.constant 0 : i32
    %scan3A_66 = arith.constant 0 : i32
    %scan3A_67 = arith.constant 80 : i32
    %scan3A_68 = arith.addi %scan3A_66, %scan3A_67 : i32
    %scan3A_69 = arith.constant 1 : i32
    scf.for %scan3A_112 = %scan3A_66 to %scan3A_68 step %scan3A_69  : i32 {
      %mul3A_113 = arith.constant 10240 : i32
      %mul3A_114 = arith.muli %arg1, %mul3A_113 : i32
      %mul3A_115 = arith.constant 128 : i32
      %mul3A_116 = arith.muli %scan3A_112, %mul3A_115 : i32
      %add3A_117 = arith.addi %mul3A_114, %mul3A_116 : i32
      %mul3A_118 = arith.constant 163840 : i32
      %mul3A_119 = arith.muli %min3A_57, %mul3A_118 : i32
      %add3A_120 = arith.addi %mul3A_119, %add3A_117 : i32
      "tpu.region"() ({
        %run_scoped3A = tpu.sem_alloc : memref<!tpu.dma_semaphore, #tpu.memory_space<semaphore_mem>>
        %dma_start3A_125 = tpu.memref_slice %arg3[%add3A_120] : memref<1146880xi32, #tpu.memory_space<hbm>> -> memref<128xi32, #tpu.memory_space<hbm>>
        %dma_start3A_126 = tpu.memref_slice %arg3[%add3A_120] : memref<1146880xi32, #tpu.memory_space<hbm>> -> memref<128xi32, #tpu.memory_space<hbm>>
        tpu.enqueue_dma source(%dma_start3A_126 : memref<128xi32, #tpu.memory_space<hbm>>) target(%arg7 : memref<128xi32, #tpu.memory_space<vmem>>) target_semaphore(%run_scoped3A : memref<!tpu.dma_semaphore, #tpu.memory_space<semaphore_mem>>)
        %dma_wait3A_127 = tpu.memref_slice %arg3[%add3A_120] : memref<1146880xi32, #tpu.memory_space<hbm>> -> memref<128xi32, #tpu.memory_space<hbm>>
        %dma_wait3A_128 = tpu.memref_slice %arg3[%add3A_120] : memref<1146880xi32, #tpu.memory_space<hbm>> -> memref<128xi32, #tpu.memory_space<hbm>>
        tpu.wait_dma2 semaphore(%run_scoped3A : memref<!tpu.dma_semaphore, #tpu.memory_space<semaphore_mem>>) src(%dma_wait3A_128 : memref<128xi32, #tpu.memory_space<hbm>>) dst(%arg7 : memref<128xi32, #tpu.memory_space<vmem>>)
        tpu.yield
      }) : () -> ()
      %dma_start3A = arith.constant 0 : i32
      %dma_start3A_121 = arith.constant 0 : i32
      %dma_start3A_122 = tpu.memref_slice %arg2[%dma_start3A, %dma_start3A_121] : memref<70000x128xf32, #tpu.memory_space<hbm>> -> memref<70000x128xf32, #tpu.memory_space<hbm>>
      tpu.enqueue_indirect_dma source(%dma_start3A_122 : memref<70000x128xf32, #tpu.memory_space<hbm>>) target(%arg9 : memref<128x128xf32, #tpu.memory_space<vmem>>) offsets(%arg7 : memref<128xi32, #tpu.memory_space<vmem>>) semaphore(%arg10 : memref<!tpu.dma_semaphore, #tpu.memory_space<semaphore_mem>>)
      %dma_wait3A = arith.constant 0 : i32
      %dma_wait3A_123 = arith.constant 0 : i32
      %dma_wait3A_124 = tpu.memref_slice %arg2[%dma_wait3A, %dma_wait3A_123] : memref<70000x128xf32, #tpu.memory_space<hbm>> -> memref<70000x128xf32, #tpu.memory_space<hbm>>
      tpu.wait_indirect_dma semaphore(%arg10 : memref<!tpu.dma_semaphore, #tpu.memory_space<semaphore_mem>>) src(%dma_wait3A_124 : memref<70000x128xf32, #tpu.memory_space<hbm>>) dst(%arg9 : memref<128x128xf32, #tpu.memory_space<vmem>>)
      "tpu.region"() ({
        %run_scoped3A = tpu.sem_alloc : memref<!tpu.dma_semaphore, #tpu.memory_space<semaphore_mem>>
        %dma_start3A_125 = tpu.memref_slice %arg4[%add3A_117] : memref<163840xi32, #tpu.memory_space<hbm>> -> memref<128xi32, #tpu.memory_space<hbm>>
        %dma_start3A_126 = tpu.memref_slice %arg4[%add3A_117] : memref<163840xi32, #tpu.memory_space<hbm>> -> memref<128xi32, #tpu.memory_space<hbm>>
        tpu.enqueue_dma source(%dma_start3A_126 : memref<128xi32, #tpu.memory_space<hbm>>) target(%arg8 : memref<128xi32, #tpu.memory_space<vmem>>) target_semaphore(%run_scoped3A : memref<!tpu.dma_semaphore, #tpu.memory_space<semaphore_mem>>)
        %dma_wait3A_127 = tpu.memref_slice %arg4[%add3A_117] : memref<163840xi32, #tpu.memory_space<hbm>> -> memref<128xi32, #tpu.memory_space<hbm>>
        %dma_wait3A_128 = tpu.memref_slice %arg4[%add3A_117] : memref<163840xi32, #tpu.memory_space<hbm>> -> memref<128xi32, #tpu.memory_space<hbm>>
        tpu.wait_dma2 semaphore(%run_scoped3A : memref<!tpu.dma_semaphore, #tpu.memory_space<semaphore_mem>>) src(%dma_wait3A_128 : memref<128xi32, #tpu.memory_space<hbm>>) dst(%arg8 : memref<128xi32, #tpu.memory_space<vmem>>)
        tpu.yield
      }) : () -> ()
      "tpu.region"() ({
        %run_scoped3A = tpu.sem_alloc : memref<!tpu.dma_semaphore, #tpu.memory_space<semaphore_mem>>
        %dma_start3A_125 = arith.constant 0 : i32
        %dma_start3A_126 = arith.constant 0 : i32
        %dma_start3A_127 = tpu.memref_slice %arg11[%dma_start3A_125, %dma_start3A_126] : memref<10112x128xf32, #tpu.memory_space<vmem_shared>> -> memref<10112x128xf32, #tpu.memory_space<vmem_shared>>
        tpu.enqueue_indirect_dma source(%arg9 : memref<128x128xf32, #tpu.memory_space<vmem>>) target(%dma_start3A_127 : memref<10112x128xf32, #tpu.memory_space<vmem_shared>>) offsets(%arg8 : memref<128xi32, #tpu.memory_space<vmem>>) semaphore(%run_scoped3A : memref<!tpu.dma_semaphore, #tpu.memory_space<semaphore_mem>>) {add = true}
        %dma_wait3A_128 = arith.constant 0 : i32
        %dma_wait3A_129 = arith.constant 0 : i32
        %dma_wait3A_130 = tpu.memref_slice %arg11[%dma_wait3A_128, %dma_wait3A_129] : memref<10112x128xf32, #tpu.memory_space<vmem_shared>> -> memref<10112x128xf32, #tpu.memory_space<vmem_shared>>
        tpu.wait_indirect_dma semaphore(%run_scoped3A : memref<!tpu.dma_semaphore, #tpu.memory_space<semaphore_mem>>) src(%arg9 : memref<128x128xf32, #tpu.memory_space<vmem>>) dst(%dma_wait3A_130 : memref<10112x128xf32, #tpu.memory_space<vmem_shared>>)
        tpu.yield
      }) : () -> ()
    }
    %scan3A_70 = arith.constant 80 : i32
    %barrier3A_71 = arith.constant 0 : index
    tpu.barrier barrier_id(%barrier3A_71)
    %mul3A_72 = arith.constant 4 : i32
    %mul3A_73 = arith.muli %mul3A_72, %arg0 : i32
    %add3A_74 = arith.constant 2 : i32
    %add3A_75 = arith.addi %mul3A_73, %add3A_74 : i32
    %lt3A_76 = arith.constant 7 : i32
    %lt3A_77 = arith.cmpi slt, %add3A_75, %lt3A_76 : i32
    %convert_element_type3A_78 = arith.extui %lt3A_77 : i1 to i32
    %cond3A_79 = arith.constant 0 : i32
    %cond3A_80 = arith.cmpi ne, %convert_element_type3A_78, %cond3A_79 : i32
    scf.if %cond3A_80 {
      %scan3A_112 = arith.constant 0 : i32
      %scan3A_113 = arith.constant 0 : i32
      %scan3A_114 = arith.constant 5 : i32
      %scan3A_115 = arith.addi %scan3A_113, %scan3A_114 : i32
      %scan3A_116 = arith.constant 1 : i32
      scf.for %scan3A_118 = %scan3A_113 to %scan3A_115 step %scan3A_116  : i32 {
        %mul3A_119 = arith.constant 16 : i32
        %mul3A_120 = arith.muli %mul3A_119, %scan3A_118 : i32
        %add3A_121 = arith.addi %arg1, %mul3A_120 : i32
        %lt3A_122 = arith.constant 79 : i32
        %lt3A_123 = arith.cmpi slt, %add3A_121, %lt3A_122 : i32
        %convert_element_type3A_124 = arith.extui %lt3A_123 : i1 to i32
        %cond3A_125 = arith.constant 0 : i32
        %cond3A_126 = arith.cmpi ne, %convert_element_type3A_124, %cond3A_125 : i32
        scf.if %cond3A_126 {
          %mul3A_127 = arith.constant 128 : i32
          %mul3A_128 = arith.muli %add3A_121, %mul3A_127 : i32
          "tpu.region"() ({
            %run_scoped3A = tpu.sem_alloc : memref<!tpu.dma_semaphore, #tpu.memory_space<semaphore_mem>>
            %dma_start3A = arith.constant 0 : i32
            %dma_start3A_134 = tpu.memref_slice %arg11[%mul3A_128, %dma_start3A] : memref<10112x128xf32, #tpu.memory_space<vmem_shared>> -> memref<128x128xf32, #tpu.memory_space<vmem_shared>>
            %dma_start3A_135 = arith.constant 0 : i32
            %dma_start3A_136 = tpu.memref_slice %arg11[%mul3A_128, %dma_start3A_135] : memref<10112x128xf32, #tpu.memory_space<vmem_shared>> -> memref<128x128xf32, #tpu.memory_space<vmem_shared>>
            tpu.enqueue_dma source(%dma_start3A_136 : memref<128x128xf32, #tpu.memory_space<vmem_shared>>) target(%arg9 : memref<128x128xf32, #tpu.memory_space<vmem>>) target_semaphore(%run_scoped3A : memref<!tpu.dma_semaphore, #tpu.memory_space<semaphore_mem>>)
            %dma_wait3A = arith.constant 0 : i32
            %dma_wait3A_137 = tpu.memref_slice %arg11[%mul3A_128, %dma_wait3A] : memref<10112x128xf32, #tpu.memory_space<vmem_shared>> -> memref<128x128xf32, #tpu.memory_space<vmem_shared>>
            %dma_wait3A_138 = arith.constant 0 : i32
            %dma_wait3A_139 = tpu.memref_slice %arg11[%mul3A_128, %dma_wait3A_138] : memref<10112x128xf32, #tpu.memory_space<vmem_shared>> -> memref<128x128xf32, #tpu.memory_space<vmem_shared>>
            tpu.wait_dma2 semaphore(%run_scoped3A : memref<!tpu.dma_semaphore, #tpu.memory_space<semaphore_mem>>) src(%dma_wait3A_139 : memref<128x128xf32, #tpu.memory_space<vmem_shared>>) dst(%arg9 : memref<128x128xf32, #tpu.memory_space<vmem>>)
            tpu.yield
          }) : () -> ()
          %mul3A_129 = arith.constant 10112 : i32
          %mul3A_130 = arith.muli %min3A_57, %mul3A_129 : i32
          %mul3A_131 = arith.constant 128 : i32
          %mul3A_132 = arith.muli %add3A_121, %mul3A_131 : i32
          %add3A_133 = arith.addi %mul3A_130, %mul3A_132 : i32
          "tpu.region"() ({
            %run_scoped3A = tpu.sem_alloc : memref<!tpu.dma_semaphore, #tpu.memory_space<semaphore_mem>>
            %dma_start3A = arith.constant 0 : i32
            %dma_start3A_134 = tpu.memref_slice %arg6[%add3A_133, %dma_start3A] : memref<70784x128xf32, #tpu.memory_space<hbm>> -> memref<128x128xf32, #tpu.memory_space<hbm>>
            %dma_start3A_135 = arith.constant 0 : i32
            %dma_start3A_136 = tpu.memref_slice %arg6[%add3A_133, %dma_start3A_135] : memref<70784x128xf32, #tpu.memory_space<hbm>> -> memref<128x128xf32, #tpu.memory_space<hbm>>
            tpu.enqueue_dma source(%arg9 : memref<128x128xf32, #tpu.memory_space<vmem>>) target(%dma_start3A_136 : memref<128x128xf32, #tpu.memory_space<hbm>>) target_semaphore(%run_scoped3A : memref<!tpu.dma_semaphore, #tpu.memory_space<semaphore_mem>>)
            %dma_wait3A = arith.constant 0 : i32
            %dma_wait3A_137 = tpu.memref_slice %arg6[%add3A_133, %dma_wait3A] : memref<70784x128xf32, #tpu.memory_space<hbm>> -> memref<128x128xf32, #tpu.memory_space<hbm>>
            %dma_wait3A_138 = arith.constant 0 : i32
            %dma_wait3A_139 = tpu.memref_slice %arg6[%add3A_133, %dma_wait3A_138] : memref<70784x128xf32, #tpu.memory_space<hbm>> -> memref<128x128xf32, #tpu.memory_space<hbm>>
            tpu.wait_dma2 semaphore(%run_scoped3A : memref<!tpu.dma_semaphore, #tpu.memory_space<semaphore_mem>>) src(%arg9 : memref<128x128xf32, #tpu.memory_space<vmem>>) dst(%dma_wait3A_139 : memref<128x128xf32, #tpu.memory_space<hbm>>)
            tpu.yield
          }) : () -> ()
        } else {
        }
      }
      %scan3A_117 = arith.constant 5 : i32
    } else {
    }
    %barrier3A_81 = arith.constant 0 : index
    tpu.barrier barrier_id(%barrier3A_81)
    %mul3A_82 = arith.constant 4 : i32
    %mul3A_83 = arith.muli %mul3A_82, %arg0 : i32
    %add3A_84 = arith.constant 3 : i32
    %add3A_85 = arith.addi %mul3A_83, %add3A_84 : i32
    %min3A_86 = arith.constant 6 : i32
    %min3A_87 = arith.minsi %add3A_85, %min3A_86 : i32
    %scan3A_88 = arith.constant 0 : i32
    %scan3A_89 = arith.constant 0 : i32
    %scan3A_90 = arith.constant 5 : i32
    %scan3A_91 = arith.addi %scan3A_89, %scan3A_90 : i32
    %scan3A_92 = arith.constant 1 : i32
    scf.for %scan3A_112 = %scan3A_89 to %scan3A_91 step %scan3A_92  : i32 {
      %mul3A_113 = arith.constant 16 : i32
      %mul3A_114 = arith.muli %mul3A_113, %scan3A_112 : i32
      %add3A_115 = arith.addi %arg1, %mul3A_114 : i32
      %lt3A_116 = arith.constant 79 : i32
      %lt3A_117 = arith.cmpi slt, %add3A_115, %lt3A_116 : i32
      %convert_element_type3A_118 = arith.extui %lt3A_117 : i1 to i32
      %cond3A_119 = arith.constant 0 : i32
      %cond3A_120 = arith.cmpi ne, %convert_element_type3A_118, %cond3A_119 : i32
      scf.if %cond3A_120 {
        %mul3A_121 = arith.constant 128 : i32
        %mul3A_122 = arith.muli %add3A_115, %mul3A_121 : i32
        "tpu.region"() ({
          %run_scoped3A = tpu.sem_alloc : memref<!tpu.dma_semaphore, #tpu.memory_space<semaphore_mem>>
          %dma_start3A = arith.constant 0 : i32
          %dma_start3A_123 = tpu.memref_slice %arg11[%mul3A_122, %dma_start3A] : memref<10112x128xf32, #tpu.memory_space<vmem_shared>> -> memref<128x128xf32, #tpu.memory_space<vmem_shared>>
          tpu.enqueue_dma source(%arg5 : memref<128x128xf32, #tpu.memory_space<hbm>>) target(%dma_start3A_123 : memref<128x128xf32, #tpu.memory_space<vmem_shared>>) target_semaphore(%run_scoped3A : memref<!tpu.dma_semaphore, #tpu.memory_space<semaphore_mem>>)
          %dma_wait3A = arith.constant 0 : i32
          %dma_wait3A_124 = tpu.memref_slice %arg11[%mul3A_122, %dma_wait3A] : memref<10112x128xf32, #tpu.memory_space<vmem_shared>> -> memref<128x128xf32, #tpu.memory_space<vmem_shared>>
          tpu.wait_dma2 semaphore(%run_scoped3A : memref<!tpu.dma_semaphore, #tpu.memory_space<semaphore_mem>>) src(%arg5 : memref<128x128xf32, #tpu.memory_space<hbm>>) dst(%dma_wait3A_124 : memref<128x128xf32, #tpu.memory_space<vmem_shared>>)
          tpu.yield
        }) : () -> ()
      } else {
      }
    }
    %scan3A_93 = arith.constant 5 : i32
    %barrier3A_94 = arith.constant 0 : index
    tpu.barrier barrier_id(%barrier3A_94)
    %scan3A_95 = arith.constant 0 : i32
    %scan3A_96 = arith.constant 0 : i32
    %scan3A_97 = arith.constant 80 : i32
    %scan3A_98 = arith.addi %scan3A_96, %scan3A_97 : i32
    %scan3A_99 = arith.constant 1 : i32
    scf.for %scan3A_112 = %scan3A_96 to %scan3A_98 step %scan3A_99  : i32 {
      %mul3A_113 = arith.constant 10240 : i32
      %mul3A_114 = arith.muli %arg1, %mul3A_113 : i32
      %mul3A_115 = arith.constant 128 : i32
      %mul3A_116 = arith.muli %scan3A_112, %mul3A_115 : i32
      %add3A_117 = arith.addi %mul3A_114, %mul3A_116 : i32
      %mul3A_118 = arith.constant 163840 : i32
      %mul3A_119 = arith.muli %min3A_87, %mul3A_118 : i32
      %add3A_120 = arith.addi %mul3A_119, %add3A_117 : i32
      "tpu.region"() ({
        %run_scoped3A = tpu.sem_alloc : memref<!tpu.dma_semaphore, #tpu.memory_space<semaphore_mem>>
        %dma_start3A_125 = tpu.memref_slice %arg3[%add3A_120] : memref<1146880xi32, #tpu.memory_space<hbm>> -> memref<128xi32, #tpu.memory_space<hbm>>
        %dma_start3A_126 = tpu.memref_slice %arg3[%add3A_120] : memref<1146880xi32, #tpu.memory_space<hbm>> -> memref<128xi32, #tpu.memory_space<hbm>>
        tpu.enqueue_dma source(%dma_start3A_126 : memref<128xi32, #tpu.memory_space<hbm>>) target(%arg7 : memref<128xi32, #tpu.memory_space<vmem>>) target_semaphore(%run_scoped3A : memref<!tpu.dma_semaphore, #tpu.memory_space<semaphore_mem>>)
        %dma_wait3A_127 = tpu.memref_slice %arg3[%add3A_120] : memref<1146880xi32, #tpu.memory_space<hbm>> -> memref<128xi32, #tpu.memory_space<hbm>>
        %dma_wait3A_128 = tpu.memref_slice %arg3[%add3A_120] : memref<1146880xi32, #tpu.memory_space<hbm>> -> memref<128xi32, #tpu.memory_space<hbm>>
        tpu.wait_dma2 semaphore(%run_scoped3A : memref<!tpu.dma_semaphore, #tpu.memory_space<semaphore_mem>>) src(%dma_wait3A_128 : memref<128xi32, #tpu.memory_space<hbm>>) dst(%arg7 : memref<128xi32, #tpu.memory_space<vmem>>)
        tpu.yield
      }) : () -> ()
      %dma_start3A = arith.constant 0 : i32
      %dma_start3A_121 = arith.constant 0 : i32
      %dma_start3A_122 = tpu.memref_slice %arg2[%dma_start3A, %dma_start3A_121] : memref<70000x128xf32, #tpu.memory_space<hbm>> -> memref<70000x128xf32, #tpu.memory_space<hbm>>
      tpu.enqueue_indirect_dma source(%dma_start3A_122 : memref<70000x128xf32, #tpu.memory_space<hbm>>) target(%arg9 : memref<128x128xf32, #tpu.memory_space<vmem>>) offsets(%arg7 : memref<128xi32, #tpu.memory_space<vmem>>) semaphore(%arg10 : memref<!tpu.dma_semaphore, #tpu.memory_space<semaphore_mem>>)
      %dma_wait3A = arith.constant 0 : i32
      %dma_wait3A_123 = arith.constant 0 : i32
      %dma_wait3A_124 = tpu.memref_slice %arg2[%dma_wait3A, %dma_wait3A_123] : memref<70000x128xf32, #tpu.memory_space<hbm>> -> memref<70000x128xf32, #tpu.memory_space<hbm>>
      tpu.wait_indirect_dma semaphore(%arg10 : memref<!tpu.dma_semaphore, #tpu.memory_space<semaphore_mem>>) src(%dma_wait3A_124 : memref<70000x128xf32, #tpu.memory_space<hbm>>) dst(%arg9 : memref<128x128xf32, #tpu.memory_space<vmem>>)
      "tpu.region"() ({
        %run_scoped3A = tpu.sem_alloc : memref<!tpu.dma_semaphore, #tpu.memory_space<semaphore_mem>>
        %dma_start3A_125 = tpu.memref_slice %arg4[%add3A_117] : memref<163840xi32, #tpu.memory_space<hbm>> -> memref<128xi32, #tpu.memory_space<hbm>>
        %dma_start3A_126 = tpu.memref_slice %arg4[%add3A_117] : memref<163840xi32, #tpu.memory_space<hbm>> -> memref<128xi32, #tpu.memory_space<hbm>>
        tpu.enqueue_dma source(%dma_start3A_126 : memref<128xi32, #tpu.memory_space<hbm>>) target(%arg8 : memref<128xi32, #tpu.memory_space<vmem>>) target_semaphore(%run_scoped3A : memref<!tpu.dma_semaphore, #tpu.memory_space<semaphore_mem>>)
        %dma_wait3A_127 = tpu.memref_slice %arg4[%add3A_117] : memref<163840xi32, #tpu.memory_space<hbm>> -> memref<128xi32, #tpu.memory_space<hbm>>
        %dma_wait3A_128 = tpu.memref_slice %arg4[%add3A_117] : memref<163840xi32, #tpu.memory_space<hbm>> -> memref<128xi32, #tpu.memory_space<hbm>>
        tpu.wait_dma2 semaphore(%run_scoped3A : memref<!tpu.dma_semaphore, #tpu.memory_space<semaphore_mem>>) src(%dma_wait3A_128 : memref<128xi32, #tpu.memory_space<hbm>>) dst(%arg8 : memref<128xi32, #tpu.memory_space<vmem>>)
        tpu.yield
      }) : () -> ()
      "tpu.region"() ({
        %run_scoped3A = tpu.sem_alloc : memref<!tpu.dma_semaphore, #tpu.memory_space<semaphore_mem>>
        %dma_start3A_125 = arith.constant 0 : i32
        %dma_start3A_126 = arith.constant 0 : i32
        %dma_start3A_127 = tpu.memref_slice %arg11[%dma_start3A_125, %dma_start3A_126] : memref<10112x128xf32, #tpu.memory_space<vmem_shared>> -> memref<10112x128xf32, #tpu.memory_space<vmem_shared>>
        tpu.enqueue_indirect_dma source(%arg9 : memref<128x128xf32, #tpu.memory_space<vmem>>) target(%dma_start3A_127 : memref<10112x128xf32, #tpu.memory_space<vmem_shared>>) offsets(%arg8 : memref<128xi32, #tpu.memory_space<vmem>>) semaphore(%run_scoped3A : memref<!tpu.dma_semaphore, #tpu.memory_space<semaphore_mem>>) {add = true}
        %dma_wait3A_128 = arith.constant 0 : i32
        %dma_wait3A_129 = arith.constant 0 : i32
        %dma_wait3A_130 = tpu.memref_slice %arg11[%dma_wait3A_128, %dma_wait3A_129] : memref<10112x128xf32, #tpu.memory_space<vmem_shared>> -> memref<10112x128xf32, #tpu.memory_space<vmem_shared>>
        tpu.wait_indirect_dma semaphore(%run_scoped3A : memref<!tpu.dma_semaphore, #tpu.memory_space<semaphore_mem>>) src(%arg9 : memref<128x128xf32, #tpu.memory_space<vmem>>) dst(%dma_wait3A_130 : memref<10112x128xf32, #tpu.memory_space<vmem_shared>>)
        tpu.yield
      }) : () -> ()
    }
    %scan3A_100 = arith.constant 80 : i32
    %barrier3A_101 = arith.constant 0 : index
    tpu.barrier barrier_id(%barrier3A_101)
    %mul3A_102 = arith.constant 4 : i32
    %mul3A_103 = arith.muli %mul3A_102, %arg0 : i32
    %add3A_104 = arith.constant 3 : i32
    %add3A_105 = arith.addi %mul3A_103, %add3A_104 : i32
    %lt3A_106 = arith.constant 7 : i32
    %lt3A_107 = arith.cmpi slt, %add3A_105, %lt3A_106 : i32
    %convert_element_type3A_108 = arith.extui %lt3A_107 : i1 to i32
    %cond3A_109 = arith.constant 0 : i32
    %cond3A_110 = arith.cmpi ne, %convert_element_type3A_108, %cond3A_109 : i32
    scf.if %cond3A_110 {
      %scan3A_112 = arith.constant 0 : i32
      %scan3A_113 = arith.constant 0 : i32
      %scan3A_114 = arith.constant 5 : i32
      %scan3A_115 = arith.addi %scan3A_113, %scan3A_114 : i32
      %scan3A_116 = arith.constant 1 : i32
      scf.for %scan3A_118 = %scan3A_113 to %scan3A_115 step %scan3A_116  : i32 {
        %mul3A_119 = arith.constant 16 : i32
        %mul3A_120 = arith.muli %mul3A_119, %scan3A_118 : i32
        %add3A_121 = arith.addi %arg1, %mul3A_120 : i32
        %lt3A_122 = arith.constant 79 : i32
        %lt3A_123 = arith.cmpi slt, %add3A_121, %lt3A_122 : i32
        %convert_element_type3A_124 = arith.extui %lt3A_123 : i1 to i32
        %cond3A_125 = arith.constant 0 : i32
        %cond3A_126 = arith.cmpi ne, %convert_element_type3A_124, %cond3A_125 : i32
        scf.if %cond3A_126 {
          %mul3A_127 = arith.constant 128 : i32
          %mul3A_128 = arith.muli %add3A_121, %mul3A_127 : i32
          "tpu.region"() ({
            %run_scoped3A = tpu.sem_alloc : memref<!tpu.dma_semaphore, #tpu.memory_space<semaphore_mem>>
            %dma_start3A = arith.constant 0 : i32
            %dma_start3A_134 = tpu.memref_slice %arg11[%mul3A_128, %dma_start3A] : memref<10112x128xf32, #tpu.memory_space<vmem_shared>> -> memref<128x128xf32, #tpu.memory_space<vmem_shared>>
            %dma_start3A_135 = arith.constant 0 : i32
            %dma_start3A_136 = tpu.memref_slice %arg11[%mul3A_128, %dma_start3A_135] : memref<10112x128xf32, #tpu.memory_space<vmem_shared>> -> memref<128x128xf32, #tpu.memory_space<vmem_shared>>
            tpu.enqueue_dma source(%dma_start3A_136 : memref<128x128xf32, #tpu.memory_space<vmem_shared>>) target(%arg9 : memref<128x128xf32, #tpu.memory_space<vmem>>) target_semaphore(%run_scoped3A : memref<!tpu.dma_semaphore, #tpu.memory_space<semaphore_mem>>)
            %dma_wait3A = arith.constant 0 : i32
            %dma_wait3A_137 = tpu.memref_slice %arg11[%mul3A_128, %dma_wait3A] : memref<10112x128xf32, #tpu.memory_space<vmem_shared>> -> memref<128x128xf32, #tpu.memory_space<vmem_shared>>
            %dma_wait3A_138 = arith.constant 0 : i32
            %dma_wait3A_139 = tpu.memref_slice %arg11[%mul3A_128, %dma_wait3A_138] : memref<10112x128xf32, #tpu.memory_space<vmem_shared>> -> memref<128x128xf32, #tpu.memory_space<vmem_shared>>
            tpu.wait_dma2 semaphore(%run_scoped3A : memref<!tpu.dma_semaphore, #tpu.memory_space<semaphore_mem>>) src(%dma_wait3A_139 : memref<128x128xf32, #tpu.memory_space<vmem_shared>>) dst(%arg9 : memref<128x128xf32, #tpu.memory_space<vmem>>)
            tpu.yield
          }) : () -> ()
          %mul3A_129 = arith.constant 10112 : i32
          %mul3A_130 = arith.muli %min3A_87, %mul3A_129 : i32
          %mul3A_131 = arith.constant 128 : i32
          %mul3A_132 = arith.muli %add3A_121, %mul3A_131 : i32
          %add3A_133 = arith.addi %mul3A_130, %mul3A_132 : i32
          "tpu.region"() ({
            %run_scoped3A = tpu.sem_alloc : memref<!tpu.dma_semaphore, #tpu.memory_space<semaphore_mem>>
            %dma_start3A = arith.constant 0 : i32
            %dma_start3A_134 = tpu.memref_slice %arg6[%add3A_133, %dma_start3A] : memref<70784x128xf32, #tpu.memory_space<hbm>> -> memref<128x128xf32, #tpu.memory_space<hbm>>
            %dma_start3A_135 = arith.constant 0 : i32
            %dma_start3A_136 = tpu.memref_slice %arg6[%add3A_133, %dma_start3A_135] : memref<70784x128xf32, #tpu.memory_space<hbm>> -> memref<128x128xf32, #tpu.memory_space<hbm>>
            tpu.enqueue_dma source(%arg9 : memref<128x128xf32, #tpu.memory_space<vmem>>) target(%dma_start3A_136 : memref<128x128xf32, #tpu.memory_space<hbm>>) target_semaphore(%run_scoped3A : memref<!tpu.dma_semaphore, #tpu.memory_space<semaphore_mem>>)
            %dma_wait3A = arith.constant 0 : i32
            %dma_wait3A_137 = tpu.memref_slice %arg6[%add3A_133, %dma_wait3A] : memref<70784x128xf32, #tpu.memory_space<hbm>> -> memref<128x128xf32, #tpu.memory_space<hbm>>
            %dma_wait3A_138 = arith.constant 0 : i32
            %dma_wait3A_139 = tpu.memref_slice %arg6[%add3A_133, %dma_wait3A_138] : memref<70784x128xf32, #tpu.memory_space<hbm>> -> memref<128x128xf32, #tpu.memory_space<hbm>>
            tpu.wait_dma2 semaphore(%run_scoped3A : memref<!tpu.dma_semaphore, #tpu.memory_space<semaphore_mem>>) src(%arg9 : memref<128x128xf32, #tpu.memory_space<vmem>>) dst(%dma_wait3A_139 : memref<128x128xf32, #tpu.memory_space<hbm>>)
            tpu.yield
          }) : () -> ()
        } else {
        }
      }
      %scan3A_117 = arith.constant 5 : i32
    } else {
    }
    %barrier3A_111 = arith.constant 0 : index
    tpu.barrier barrier_id(%barrier3A_111)
    return
  }
}

#map = affine_map<(d0, d1) -> (0, 0)>
#map1 = affine_map<(d0, d1) -> (0)>
module attributes {stable_mosaic.version = 14 : i64} {
  func.func @_scat4_body(%arg0: i32, %arg1: i32, %arg2: memref<655360x128xf32, #tpu.memory_space<hbm>>, %arg3: memref<163840xi32, #tpu.memory_space<hbm>>, %arg4: memref<128x128xf32, #tpu.memory_space<hbm>>, %arg5: memref<40448x128xf32, #tpu.memory_space<hbm>>, %arg6: memref<128xi32, #tpu.memory_space<vmem>>, %arg7: memref<128x128xf32, #tpu.memory_space<vmem>>, %arg8: memref<!tpu.dma_semaphore, #tpu.memory_space<semaphore_mem>>, %arg9: memref<10112x128xf32, #tpu.memory_space<vmem_shared>>) attributes {dimension_semantics = [#tpu.dimension_semantics<core_parallel>, #tpu.dimension_semantics<subcore_parallel>], iteration_bounds = array<i64: 2, 16>, scalar_prefetch = 0 : i64, scratch_operands = 4 : i64, tpu.core_type = #tpu.core_type<sc_vector_subcore>, window_params = [{transform_indices = #map}, {transform_indices = #map1}, {transform_indices = #map}, {transform_indices = #map}]} {
    %mul3A = arith.constant 2 : i32
    %mul3A_0 = arith.muli %mul3A, %arg0 : i32
    %add3A = arith.constant 0 : i32
    %add3A_1 = arith.addi %mul3A_0, %add3A : i32
    %scan3A = arith.constant 0 : i32
    %scan3A_2 = arith.constant 0 : i32
    %scan3A_3 = arith.constant 5 : i32
    %scan3A_4 = arith.addi %scan3A_2, %scan3A_3 : i32
    %scan3A_5 = arith.constant 1 : i32
    scf.for %scan3A_46 = %scan3A_2 to %scan3A_4 step %scan3A_5  : i32 {
      %mul3A_47 = arith.constant 16 : i32
      %mul3A_48 = arith.muli %mul3A_47, %scan3A_46 : i32
      %add3A_49 = arith.addi %arg1, %mul3A_48 : i32
      %lt3A = arith.constant 79 : i32
      %lt3A_50 = arith.cmpi slt, %add3A_49, %lt3A : i32
      %convert_element_type3A = arith.extui %lt3A_50 : i1 to i32
      %cond3A = arith.constant 0 : i32
      %cond3A_51 = arith.cmpi ne, %convert_element_type3A, %cond3A : i32
      scf.if %cond3A_51 {
        %mul3A_52 = arith.constant 128 : i32
        %mul3A_53 = arith.muli %add3A_49, %mul3A_52 : i32
        "tpu.region"() ({
          %run_scoped3A = tpu.sem_alloc : memref<!tpu.dma_semaphore, #tpu.memory_space<semaphore_mem>>
          %dma_start3A = arith.constant 0 : i32
          %dma_start3A_54 = tpu.memref_slice %arg9[%mul3A_53, %dma_start3A] : memref<10112x128xf32, #tpu.memory_space<vmem_shared>> -> memref<128x128xf32, #tpu.memory_space<vmem_shared>>
          tpu.enqueue_dma source(%arg4 : memref<128x128xf32, #tpu.memory_space<hbm>>) target(%dma_start3A_54 : memref<128x128xf32, #tpu.memory_space<vmem_shared>>) target_semaphore(%run_scoped3A : memref<!tpu.dma_semaphore, #tpu.memory_space<semaphore_mem>>)
          %dma_wait3A = arith.constant 0 : i32
          %dma_wait3A_55 = tpu.memref_slice %arg9[%mul3A_53, %dma_wait3A] : memref<10112x128xf32, #tpu.memory_space<vmem_shared>> -> memref<128x128xf32, #tpu.memory_space<vmem_shared>>
          tpu.wait_dma2 semaphore(%run_scoped3A : memref<!tpu.dma_semaphore, #tpu.memory_space<semaphore_mem>>) src(%arg4 : memref<128x128xf32, #tpu.memory_space<hbm>>) dst(%dma_wait3A_55 : memref<128x128xf32, #tpu.memory_space<vmem_shared>>)
          tpu.yield
        }) : () -> ()
      } else {
      }
    }
    %scan3A_6 = arith.constant 5 : i32
    %barrier3A = arith.constant 0 : index
    tpu.barrier barrier_id(%barrier3A)
    %scan3A_7 = arith.constant 0 : i32
    %scan3A_8 = arith.constant 0 : i32
    %scan3A_9 = arith.constant 80 : i32
    %scan3A_10 = arith.addi %scan3A_8, %scan3A_9 : i32
    %scan3A_11 = arith.constant 1 : i32
    scf.for %scan3A_46 = %scan3A_8 to %scan3A_10 step %scan3A_11  : i32 {
      %mul3A_47 = arith.constant 10240 : i32
      %mul3A_48 = arith.muli %arg1, %mul3A_47 : i32
      %mul3A_49 = arith.constant 128 : i32
      %mul3A_50 = arith.muli %scan3A_46, %mul3A_49 : i32
      %add3A_51 = arith.addi %mul3A_48, %mul3A_50 : i32
      "tpu.region"() ({
        %run_scoped3A = tpu.sem_alloc : memref<!tpu.dma_semaphore, #tpu.memory_space<semaphore_mem>>
        %dma_start3A = tpu.memref_slice %arg3[%add3A_51] : memref<163840xi32, #tpu.memory_space<hbm>> -> memref<128xi32, #tpu.memory_space<hbm>>
        %dma_start3A_55 = tpu.memref_slice %arg3[%add3A_51] : memref<163840xi32, #tpu.memory_space<hbm>> -> memref<128xi32, #tpu.memory_space<hbm>>
        tpu.enqueue_dma source(%dma_start3A_55 : memref<128xi32, #tpu.memory_space<hbm>>) target(%arg6 : memref<128xi32, #tpu.memory_space<vmem>>) target_semaphore(%run_scoped3A : memref<!tpu.dma_semaphore, #tpu.memory_space<semaphore_mem>>)
        %dma_wait3A = tpu.memref_slice %arg3[%add3A_51] : memref<163840xi32, #tpu.memory_space<hbm>> -> memref<128xi32, #tpu.memory_space<hbm>>
        %dma_wait3A_56 = tpu.memref_slice %arg3[%add3A_51] : memref<163840xi32, #tpu.memory_space<hbm>> -> memref<128xi32, #tpu.memory_space<hbm>>
        tpu.wait_dma2 semaphore(%run_scoped3A : memref<!tpu.dma_semaphore, #tpu.memory_space<semaphore_mem>>) src(%dma_wait3A_56 : memref<128xi32, #tpu.memory_space<hbm>>) dst(%arg6 : memref<128xi32, #tpu.memory_space<vmem>>)
        tpu.yield
      }) : () -> ()
      %mul3A_52 = arith.constant 163840 : i32
      %mul3A_53 = arith.muli %add3A_1, %mul3A_52 : i32
      %add3A_54 = arith.addi %mul3A_53, %add3A_51 : i32
      "tpu.region"() ({
        %run_scoped3A = tpu.sem_alloc : memref<!tpu.dma_semaphore, #tpu.memory_space<semaphore_mem>>
        %dma_start3A = arith.constant 0 : i32
        %dma_start3A_55 = tpu.memref_slice %arg2[%add3A_54, %dma_start3A] : memref<655360x128xf32, #tpu.memory_space<hbm>> -> memref<128x128xf32, #tpu.memory_space<hbm>>
        %dma_start3A_56 = arith.constant 0 : i32
        %dma_start3A_57 = tpu.memref_slice %arg2[%add3A_54, %dma_start3A_56] : memref<655360x128xf32, #tpu.memory_space<hbm>> -> memref<128x128xf32, #tpu.memory_space<hbm>>
        tpu.enqueue_dma source(%dma_start3A_57 : memref<128x128xf32, #tpu.memory_space<hbm>>) target(%arg7 : memref<128x128xf32, #tpu.memory_space<vmem>>) target_semaphore(%run_scoped3A : memref<!tpu.dma_semaphore, #tpu.memory_space<semaphore_mem>>)
        %dma_wait3A = arith.constant 0 : i32
        %dma_wait3A_58 = tpu.memref_slice %arg2[%add3A_54, %dma_wait3A] : memref<655360x128xf32, #tpu.memory_space<hbm>> -> memref<128x128xf32, #tpu.memory_space<hbm>>
        %dma_wait3A_59 = arith.constant 0 : i32
        %dma_wait3A_60 = tpu.memref_slice %arg2[%add3A_54, %dma_wait3A_59] : memref<655360x128xf32, #tpu.memory_space<hbm>> -> memref<128x128xf32, #tpu.memory_space<hbm>>
        tpu.wait_dma2 semaphore(%run_scoped3A : memref<!tpu.dma_semaphore, #tpu.memory_space<semaphore_mem>>) src(%dma_wait3A_60 : memref<128x128xf32, #tpu.memory_space<hbm>>) dst(%arg7 : memref<128x128xf32, #tpu.memory_space<vmem>>)
        tpu.yield
      }) : () -> ()
      "tpu.region"() ({
        %run_scoped3A = tpu.sem_alloc : memref<!tpu.dma_semaphore, #tpu.memory_space<semaphore_mem>>
        %dma_start3A = arith.constant 0 : i32
        %dma_start3A_55 = arith.constant 0 : i32
        %dma_start3A_56 = tpu.memref_slice %arg9[%dma_start3A, %dma_start3A_55] : memref<10112x128xf32, #tpu.memory_space<vmem_shared>> -> memref<10112x128xf32, #tpu.memory_space<vmem_shared>>
        tpu.enqueue_indirect_dma source(%arg7 : memref<128x128xf32, #tpu.memory_space<vmem>>) target(%dma_start3A_56 : memref<10112x128xf32, #tpu.memory_space<vmem_shared>>) offsets(%arg6 : memref<128xi32, #tpu.memory_space<vmem>>) semaphore(%run_scoped3A : memref<!tpu.dma_semaphore, #tpu.memory_space<semaphore_mem>>) {add = true}
        %dma_wait3A = arith.constant 0 : i32
        %dma_wait3A_57 = arith.constant 0 : i32
        %dma_wait3A_58 = tpu.memref_slice %arg9[%dma_wait3A, %dma_wait3A_57] : memref<10112x128xf32, #tpu.memory_space<vmem_shared>> -> memref<10112x128xf32, #tpu.memory_space<vmem_shared>>
        tpu.wait_indirect_dma semaphore(%run_scoped3A : memref<!tpu.dma_semaphore, #tpu.memory_space<semaphore_mem>>) src(%arg7 : memref<128x128xf32, #tpu.memory_space<vmem>>) dst(%dma_wait3A_58 : memref<10112x128xf32, #tpu.memory_space<vmem_shared>>)
        tpu.yield
      }) : () -> ()
    }
    %scan3A_12 = arith.constant 80 : i32
    %barrier3A_13 = arith.constant 0 : index
    tpu.barrier barrier_id(%barrier3A_13)
    %scan3A_14 = arith.constant 0 : i32
    %scan3A_15 = arith.constant 0 : i32
    %scan3A_16 = arith.constant 5 : i32
    %scan3A_17 = arith.addi %scan3A_15, %scan3A_16 : i32
    %scan3A_18 = arith.constant 1 : i32
    scf.for %scan3A_46 = %scan3A_15 to %scan3A_17 step %scan3A_18  : i32 {
      %mul3A_47 = arith.constant 16 : i32
      %mul3A_48 = arith.muli %mul3A_47, %scan3A_46 : i32
      %add3A_49 = arith.addi %arg1, %mul3A_48 : i32
      %lt3A = arith.constant 79 : i32
      %lt3A_50 = arith.cmpi slt, %add3A_49, %lt3A : i32
      %convert_element_type3A = arith.extui %lt3A_50 : i1 to i32
      %cond3A = arith.constant 0 : i32
      %cond3A_51 = arith.cmpi ne, %convert_element_type3A, %cond3A : i32
      scf.if %cond3A_51 {
        %mul3A_52 = arith.constant 128 : i32
        %mul3A_53 = arith.muli %add3A_49, %mul3A_52 : i32
        "tpu.region"() ({
          %run_scoped3A = tpu.sem_alloc : memref<!tpu.dma_semaphore, #tpu.memory_space<semaphore_mem>>
          %dma_start3A = arith.constant 0 : i32
          %dma_start3A_59 = tpu.memref_slice %arg9[%mul3A_53, %dma_start3A] : memref<10112x128xf32, #tpu.memory_space<vmem_shared>> -> memref<128x128xf32, #tpu.memory_space<vmem_shared>>
          %dma_start3A_60 = arith.constant 0 : i32
          %dma_start3A_61 = tpu.memref_slice %arg9[%mul3A_53, %dma_start3A_60] : memref<10112x128xf32, #tpu.memory_space<vmem_shared>> -> memref<128x128xf32, #tpu.memory_space<vmem_shared>>
          tpu.enqueue_dma source(%dma_start3A_61 : memref<128x128xf32, #tpu.memory_space<vmem_shared>>) target(%arg7 : memref<128x128xf32, #tpu.memory_space<vmem>>) target_semaphore(%run_scoped3A : memref<!tpu.dma_semaphore, #tpu.memory_space<semaphore_mem>>)
          %dma_wait3A = arith.constant 0 : i32
          %dma_wait3A_62 = tpu.memref_slice %arg9[%mul3A_53, %dma_wait3A] : memref<10112x128xf32, #tpu.memory_space<vmem_shared>> -> memref<128x128xf32, #tpu.memory_space<vmem_shared>>
          %dma_wait3A_63 = arith.constant 0 : i32
          %dma_wait3A_64 = tpu.memref_slice %arg9[%mul3A_53, %dma_wait3A_63] : memref<10112x128xf32, #tpu.memory_space<vmem_shared>> -> memref<128x128xf32, #tpu.memory_space<vmem_shared>>
          tpu.wait_dma2 semaphore(%run_scoped3A : memref<!tpu.dma_semaphore, #tpu.memory_space<semaphore_mem>>) src(%dma_wait3A_64 : memref<128x128xf32, #tpu.memory_space<vmem_shared>>) dst(%arg7 : memref<128x128xf32, #tpu.memory_space<vmem>>)
          tpu.yield
        }) : () -> ()
        %mul3A_54 = arith.constant 10112 : i32
        %mul3A_55 = arith.muli %add3A_1, %mul3A_54 : i32
        %mul3A_56 = arith.constant 128 : i32
        %mul3A_57 = arith.muli %add3A_49, %mul3A_56 : i32
        %add3A_58 = arith.addi %mul3A_55, %mul3A_57 : i32
        "tpu.region"() ({
          %run_scoped3A = tpu.sem_alloc : memref<!tpu.dma_semaphore, #tpu.memory_space<semaphore_mem>>
          %dma_start3A = arith.constant 0 : i32
          %dma_start3A_59 = tpu.memref_slice %arg5[%add3A_58, %dma_start3A] : memref<40448x128xf32, #tpu.memory_space<hbm>> -> memref<128x128xf32, #tpu.memory_space<hbm>>
          %dma_start3A_60 = arith.constant 0 : i32
          %dma_start3A_61 = tpu.memref_slice %arg5[%add3A_58, %dma_start3A_60] : memref<40448x128xf32, #tpu.memory_space<hbm>> -> memref<128x128xf32, #tpu.memory_space<hbm>>
          tpu.enqueue_dma source(%arg7 : memref<128x128xf32, #tpu.memory_space<vmem>>) target(%dma_start3A_61 : memref<128x128xf32, #tpu.memory_space<hbm>>) target_semaphore(%run_scoped3A : memref<!tpu.dma_semaphore, #tpu.memory_space<semaphore_mem>>)
          %dma_wait3A = arith.constant 0 : i32
          %dma_wait3A_62 = tpu.memref_slice %arg5[%add3A_58, %dma_wait3A] : memref<40448x128xf32, #tpu.memory_space<hbm>> -> memref<128x128xf32, #tpu.memory_space<hbm>>
          %dma_wait3A_63 = arith.constant 0 : i32
          %dma_wait3A_64 = tpu.memref_slice %arg5[%add3A_58, %dma_wait3A_63] : memref<40448x128xf32, #tpu.memory_space<hbm>> -> memref<128x128xf32, #tpu.memory_space<hbm>>
          tpu.wait_dma2 semaphore(%run_scoped3A : memref<!tpu.dma_semaphore, #tpu.memory_space<semaphore_mem>>) src(%arg7 : memref<128x128xf32, #tpu.memory_space<vmem>>) dst(%dma_wait3A_64 : memref<128x128xf32, #tpu.memory_space<hbm>>)
          tpu.yield
        }) : () -> ()
      } else {
      }
    }
    %scan3A_19 = arith.constant 5 : i32
    %barrier3A_20 = arith.constant 0 : index
    tpu.barrier barrier_id(%barrier3A_20)
    %mul3A_21 = arith.constant 2 : i32
    %mul3A_22 = arith.muli %mul3A_21, %arg0 : i32
    %add3A_23 = arith.constant 1 : i32
    %add3A_24 = arith.addi %mul3A_22, %add3A_23 : i32
    %scan3A_25 = arith.constant 0 : i32
    %scan3A_26 = arith.constant 0 : i32
    %scan3A_27 = arith.constant 5 : i32
    %scan3A_28 = arith.addi %scan3A_26, %scan3A_27 : i32
    %scan3A_29 = arith.constant 1 : i32
    scf.for %scan3A_46 = %scan3A_26 to %scan3A_28 step %scan3A_29  : i32 {
      %mul3A_47 = arith.constant 16 : i32
      %mul3A_48 = arith.muli %mul3A_47, %scan3A_46 : i32
      %add3A_49 = arith.addi %arg1, %mul3A_48 : i32
      %lt3A = arith.constant 79 : i32
      %lt3A_50 = arith.cmpi slt, %add3A_49, %lt3A : i32
      %convert_element_type3A = arith.extui %lt3A_50 : i1 to i32
      %cond3A = arith.constant 0 : i32
      %cond3A_51 = arith.cmpi ne, %convert_element_type3A, %cond3A : i32
      scf.if %cond3A_51 {
        %mul3A_52 = arith.constant 128 : i32
        %mul3A_53 = arith.muli %add3A_49, %mul3A_52 : i32
        "tpu.region"() ({
          %run_scoped3A = tpu.sem_alloc : memref<!tpu.dma_semaphore, #tpu.memory_space<semaphore_mem>>
          %dma_start3A = arith.constant 0 : i32
          %dma_start3A_54 = tpu.memref_slice %arg9[%mul3A_53, %dma_start3A] : memref<10112x128xf32, #tpu.memory_space<vmem_shared>> -> memref<128x128xf32, #tpu.memory_space<vmem_shared>>
          tpu.enqueue_dma source(%arg4 : memref<128x128xf32, #tpu.memory_space<hbm>>) target(%dma_start3A_54 : memref<128x128xf32, #tpu.memory_space<vmem_shared>>) target_semaphore(%run_scoped3A : memref<!tpu.dma_semaphore, #tpu.memory_space<semaphore_mem>>)
          %dma_wait3A = arith.constant 0 : i32
          %dma_wait3A_55 = tpu.memref_slice %arg9[%mul3A_53, %dma_wait3A] : memref<10112x128xf32, #tpu.memory_space<vmem_shared>> -> memref<128x128xf32, #tpu.memory_space<vmem_shared>>
          tpu.wait_dma2 semaphore(%run_scoped3A : memref<!tpu.dma_semaphore, #tpu.memory_space<semaphore_mem>>) src(%arg4 : memref<128x128xf32, #tpu.memory_space<hbm>>) dst(%dma_wait3A_55 : memref<128x128xf32, #tpu.memory_space<vmem_shared>>)
          tpu.yield
        }) : () -> ()
      } else {
      }
    }
    %scan3A_30 = arith.constant 5 : i32
    %barrier3A_31 = arith.constant 0 : index
    tpu.barrier barrier_id(%barrier3A_31)
    %scan3A_32 = arith.constant 0 : i32
    %scan3A_33 = arith.constant 0 : i32
    %scan3A_34 = arith.constant 80 : i32
    %scan3A_35 = arith.addi %scan3A_33, %scan3A_34 : i32
    %scan3A_36 = arith.constant 1 : i32
    scf.for %scan3A_46 = %scan3A_33 to %scan3A_35 step %scan3A_36  : i32 {
      %mul3A_47 = arith.constant 10240 : i32
      %mul3A_48 = arith.muli %arg1, %mul3A_47 : i32
      %mul3A_49 = arith.constant 128 : i32
      %mul3A_50 = arith.muli %scan3A_46, %mul3A_49 : i32
      %add3A_51 = arith.addi %mul3A_48, %mul3A_50 : i32
      "tpu.region"() ({
        %run_scoped3A = tpu.sem_alloc : memref<!tpu.dma_semaphore, #tpu.memory_space<semaphore_mem>>
        %dma_start3A = tpu.memref_slice %arg3[%add3A_51] : memref<163840xi32, #tpu.memory_space<hbm>> -> memref<128xi32, #tpu.memory_space<hbm>>
        %dma_start3A_55 = tpu.memref_slice %arg3[%add3A_51] : memref<163840xi32, #tpu.memory_space<hbm>> -> memref<128xi32, #tpu.memory_space<hbm>>
        tpu.enqueue_dma source(%dma_start3A_55 : memref<128xi32, #tpu.memory_space<hbm>>) target(%arg6 : memref<128xi32, #tpu.memory_space<vmem>>) target_semaphore(%run_scoped3A : memref<!tpu.dma_semaphore, #tpu.memory_space<semaphore_mem>>)
        %dma_wait3A = tpu.memref_slice %arg3[%add3A_51] : memref<163840xi32, #tpu.memory_space<hbm>> -> memref<128xi32, #tpu.memory_space<hbm>>
        %dma_wait3A_56 = tpu.memref_slice %arg3[%add3A_51] : memref<163840xi32, #tpu.memory_space<hbm>> -> memref<128xi32, #tpu.memory_space<hbm>>
        tpu.wait_dma2 semaphore(%run_scoped3A : memref<!tpu.dma_semaphore, #tpu.memory_space<semaphore_mem>>) src(%dma_wait3A_56 : memref<128xi32, #tpu.memory_space<hbm>>) dst(%arg6 : memref<128xi32, #tpu.memory_space<vmem>>)
        tpu.yield
      }) : () -> ()
      %mul3A_52 = arith.constant 163840 : i32
      %mul3A_53 = arith.muli %add3A_24, %mul3A_52 : i32
      %add3A_54 = arith.addi %mul3A_53, %add3A_51 : i32
      "tpu.region"() ({
        %run_scoped3A = tpu.sem_alloc : memref<!tpu.dma_semaphore, #tpu.memory_space<semaphore_mem>>
        %dma_start3A = arith.constant 0 : i32
        %dma_start3A_55 = tpu.memref_slice %arg2[%add3A_54, %dma_start3A] : memref<655360x128xf32, #tpu.memory_space<hbm>> -> memref<128x128xf32, #tpu.memory_space<hbm>>
        %dma_start3A_56 = arith.constant 0 : i32
        %dma_start3A_57 = tpu.memref_slice %arg2[%add3A_54, %dma_start3A_56] : memref<655360x128xf32, #tpu.memory_space<hbm>> -> memref<128x128xf32, #tpu.memory_space<hbm>>
        tpu.enqueue_dma source(%dma_start3A_57 : memref<128x128xf32, #tpu.memory_space<hbm>>) target(%arg7 : memref<128x128xf32, #tpu.memory_space<vmem>>) target_semaphore(%run_scoped3A : memref<!tpu.dma_semaphore, #tpu.memory_space<semaphore_mem>>)
        %dma_wait3A = arith.constant 0 : i32
        %dma_wait3A_58 = tpu.memref_slice %arg2[%add3A_54, %dma_wait3A] : memref<655360x128xf32, #tpu.memory_space<hbm>> -> memref<128x128xf32, #tpu.memory_space<hbm>>
        %dma_wait3A_59 = arith.constant 0 : i32
        %dma_wait3A_60 = tpu.memref_slice %arg2[%add3A_54, %dma_wait3A_59] : memref<655360x128xf32, #tpu.memory_space<hbm>> -> memref<128x128xf32, #tpu.memory_space<hbm>>
        tpu.wait_dma2 semaphore(%run_scoped3A : memref<!tpu.dma_semaphore, #tpu.memory_space<semaphore_mem>>) src(%dma_wait3A_60 : memref<128x128xf32, #tpu.memory_space<hbm>>) dst(%arg7 : memref<128x128xf32, #tpu.memory_space<vmem>>)
        tpu.yield
      }) : () -> ()
      "tpu.region"() ({
        %run_scoped3A = tpu.sem_alloc : memref<!tpu.dma_semaphore, #tpu.memory_space<semaphore_mem>>
        %dma_start3A = arith.constant 0 : i32
        %dma_start3A_55 = arith.constant 0 : i32
        %dma_start3A_56 = tpu.memref_slice %arg9[%dma_start3A, %dma_start3A_55] : memref<10112x128xf32, #tpu.memory_space<vmem_shared>> -> memref<10112x128xf32, #tpu.memory_space<vmem_shared>>
        tpu.enqueue_indirect_dma source(%arg7 : memref<128x128xf32, #tpu.memory_space<vmem>>) target(%dma_start3A_56 : memref<10112x128xf32, #tpu.memory_space<vmem_shared>>) offsets(%arg6 : memref<128xi32, #tpu.memory_space<vmem>>) semaphore(%run_scoped3A : memref<!tpu.dma_semaphore, #tpu.memory_space<semaphore_mem>>) {add = true}
        %dma_wait3A = arith.constant 0 : i32
        %dma_wait3A_57 = arith.constant 0 : i32
        %dma_wait3A_58 = tpu.memref_slice %arg9[%dma_wait3A, %dma_wait3A_57] : memref<10112x128xf32, #tpu.memory_space<vmem_shared>> -> memref<10112x128xf32, #tpu.memory_space<vmem_shared>>
        tpu.wait_indirect_dma semaphore(%run_scoped3A : memref<!tpu.dma_semaphore, #tpu.memory_space<semaphore_mem>>) src(%arg7 : memref<128x128xf32, #tpu.memory_space<vmem>>) dst(%dma_wait3A_58 : memref<10112x128xf32, #tpu.memory_space<vmem_shared>>)
        tpu.yield
      }) : () -> ()
    }
    %scan3A_37 = arith.constant 80 : i32
    %barrier3A_38 = arith.constant 0 : index
    tpu.barrier barrier_id(%barrier3A_38)
    %scan3A_39 = arith.constant 0 : i32
    %scan3A_40 = arith.constant 0 : i32
    %scan3A_41 = arith.constant 5 : i32
    %scan3A_42 = arith.addi %scan3A_40, %scan3A_41 : i32
    %scan3A_43 = arith.constant 1 : i32
    scf.for %scan3A_46 = %scan3A_40 to %scan3A_42 step %scan3A_43  : i32 {
      %mul3A_47 = arith.constant 16 : i32
      %mul3A_48 = arith.muli %mul3A_47, %scan3A_46 : i32
      %add3A_49 = arith.addi %arg1, %mul3A_48 : i32
      %lt3A = arith.constant 79 : i32
      %lt3A_50 = arith.cmpi slt, %add3A_49, %lt3A : i32
      %convert_element_type3A = arith.extui %lt3A_50 : i1 to i32
      %cond3A = arith.constant 0 : i32
      %cond3A_51 = arith.cmpi ne, %convert_element_type3A, %cond3A : i32
      scf.if %cond3A_51 {
        %mul3A_52 = arith.constant 128 : i32
        %mul3A_53 = arith.muli %add3A_49, %mul3A_52 : i32
        "tpu.region"() ({
          %run_scoped3A = tpu.sem_alloc : memref<!tpu.dma_semaphore, #tpu.memory_space<semaphore_mem>>
          %dma_start3A = arith.constant 0 : i32
          %dma_start3A_59 = tpu.memref_slice %arg9[%mul3A_53, %dma_start3A] : memref<10112x128xf32, #tpu.memory_space<vmem_shared>> -> memref<128x128xf32, #tpu.memory_space<vmem_shared>>
          %dma_start3A_60 = arith.constant 0 : i32
          %dma_start3A_61 = tpu.memref_slice %arg9[%mul3A_53, %dma_start3A_60] : memref<10112x128xf32, #tpu.memory_space<vmem_shared>> -> memref<128x128xf32, #tpu.memory_space<vmem_shared>>
          tpu.enqueue_dma source(%dma_start3A_61 : memref<128x128xf32, #tpu.memory_space<vmem_shared>>) target(%arg7 : memref<128x128xf32, #tpu.memory_space<vmem>>) target_semaphore(%run_scoped3A : memref<!tpu.dma_semaphore, #tpu.memory_space<semaphore_mem>>)
          %dma_wait3A = arith.constant 0 : i32
          %dma_wait3A_62 = tpu.memref_slice %arg9[%mul3A_53, %dma_wait3A] : memref<10112x128xf32, #tpu.memory_space<vmem_shared>> -> memref<128x128xf32, #tpu.memory_space<vmem_shared>>
          %dma_wait3A_63 = arith.constant 0 : i32
          %dma_wait3A_64 = tpu.memref_slice %arg9[%mul3A_53, %dma_wait3A_63] : memref<10112x128xf32, #tpu.memory_space<vmem_shared>> -> memref<128x128xf32, #tpu.memory_space<vmem_shared>>
          tpu.wait_dma2 semaphore(%run_scoped3A : memref<!tpu.dma_semaphore, #tpu.memory_space<semaphore_mem>>) src(%dma_wait3A_64 : memref<128x128xf32, #tpu.memory_space<vmem_shared>>) dst(%arg7 : memref<128x128xf32, #tpu.memory_space<vmem>>)
          tpu.yield
        }) : () -> ()
        %mul3A_54 = arith.constant 10112 : i32
        %mul3A_55 = arith.muli %add3A_24, %mul3A_54 : i32
        %mul3A_56 = arith.constant 128 : i32
        %mul3A_57 = arith.muli %add3A_49, %mul3A_56 : i32
        %add3A_58 = arith.addi %mul3A_55, %mul3A_57 : i32
        "tpu.region"() ({
          %run_scoped3A = tpu.sem_alloc : memref<!tpu.dma_semaphore, #tpu.memory_space<semaphore_mem>>
          %dma_start3A = arith.constant 0 : i32
          %dma_start3A_59 = tpu.memref_slice %arg5[%add3A_58, %dma_start3A] : memref<40448x128xf32, #tpu.memory_space<hbm>> -> memref<128x128xf32, #tpu.memory_space<hbm>>
          %dma_start3A_60 = arith.constant 0 : i32
          %dma_start3A_61 = tpu.memref_slice %arg5[%add3A_58, %dma_start3A_60] : memref<40448x128xf32, #tpu.memory_space<hbm>> -> memref<128x128xf32, #tpu.memory_space<hbm>>
          tpu.enqueue_dma source(%arg7 : memref<128x128xf32, #tpu.memory_space<vmem>>) target(%dma_start3A_61 : memref<128x128xf32, #tpu.memory_space<hbm>>) target_semaphore(%run_scoped3A : memref<!tpu.dma_semaphore, #tpu.memory_space<semaphore_mem>>)
          %dma_wait3A = arith.constant 0 : i32
          %dma_wait3A_62 = tpu.memref_slice %arg5[%add3A_58, %dma_wait3A] : memref<40448x128xf32, #tpu.memory_space<hbm>> -> memref<128x128xf32, #tpu.memory_space<hbm>>
          %dma_wait3A_63 = arith.constant 0 : i32
          %dma_wait3A_64 = tpu.memref_slice %arg5[%add3A_58, %dma_wait3A_63] : memref<40448x128xf32, #tpu.memory_space<hbm>> -> memref<128x128xf32, #tpu.memory_space<hbm>>
          tpu.wait_dma2 semaphore(%run_scoped3A : memref<!tpu.dma_semaphore, #tpu.memory_space<semaphore_mem>>) src(%arg7 : memref<128x128xf32, #tpu.memory_space<vmem>>) dst(%dma_wait3A_64 : memref<128x128xf32, #tpu.memory_space<hbm>>)
          tpu.yield
        }) : () -> ()
      } else {
      }
    }
    %scan3A_44 = arith.constant 5 : i32
    %barrier3A_45 = arith.constant 0 : index
    tpu.barrier barrier_id(%barrier3A_45)
    return
  }
}

module attributes {stable_mosaic.version = 14 : i64} {
  func.func @_mlp_body(%arg0: i32, %arg1: memref<1000x128xf32, #tpu.memory_space<vmem>>, %arg2: memref<128x128xf32, #tpu.memory_space<vmem>>, %arg3: memref<1x128xf32, #tpu.memory_space<vmem>>, %arg4: memref<128x384xf32, #tpu.memory_space<vmem>>, %arg5: memref<1x384xf32, #tpu.memory_space<vmem>>, %arg6: memref<1000x384xf32, #tpu.memory_space<vmem>>) attributes {dimension_semantics = [#tpu.dimension_semantics<arbitrary>], iteration_bounds = array<i64: 10>, scalar_prefetch = 0 : i64, scratch_operands = 0 : i64, tpu.core_type = #tpu.core_type<tc>, window_params = [{transform_indices = @transform_0, window_bounds = array<i64: 1000, 128>}, {pipeline_mode = #tpu.pipeline_mode<synchronous>, transform_indices = @transform_1, window_bounds = array<i64: 128, 128>}, {pipeline_mode = #tpu.pipeline_mode<synchronous>, transform_indices = @transform_2, window_bounds = array<i64: 1, 128>}, {pipeline_mode = #tpu.pipeline_mode<synchronous>, transform_indices = @transform_3, window_bounds = array<i64: 128, 384>}, {pipeline_mode = #tpu.pipeline_mode<synchronous>, transform_indices = @transform_4, window_bounds = array<i64: 1, 384>}, {transform_indices = @transform_5, window_bounds = array<i64: 1000, 384>}]} {
    %get3A = arith.constant 0 : index
    %get3A_0 = arith.constant 0 : index
    %get3A_1 = vector.load %arg1[%get3A, %get3A_0] : memref<1000x128xf32, #tpu.memory_space<vmem>>, vector<1000x128xf32>
    %get3A_2 = arith.constant 0 : index
    %get3A_3 = arith.constant 0 : index
    %get3A_4 = vector.load %arg2[%get3A_2, %get3A_3] : memref<128x128xf32, #tpu.memory_space<vmem>>, vector<128x128xf32>
    %dot_general3A = arith.constant dense<0.000000e+00> : vector<1000x128xf32>
    %dot_general3A_5 = tpu.matmul %get3A_1, %get3A_4, %dot_general3A {dimension_numbers = #tpu.dot_dimension_numbers<[1], [0], [0], [1], [0, 0, 1, 1], [], []>, transpose_lhs_hint = false} : vector<1000x128xf32>, vector<128x128xf32>, vector<1000x128xf32> -> vector<1000x128xf32>
    %get3A_6 = arith.constant 0 : index
    %get3A_7 = arith.constant 0 : index
    %get3A_8 = vector.load %arg3[%get3A_6, %get3A_7] : memref<1x128xf32, #tpu.memory_space<vmem>>, vector<1x128xf32>
    %add3A = vector.broadcast %get3A_8 : vector<1x128xf32> to vector<1000x128xf32>
    %add3A_9 = arith.addf %dot_general3A_5, %add3A : vector<1000x128xf32>
    %custom_jvp_call3A = arith.constant 0.000000e+00 : f32
    %max3A = vector.broadcast %custom_jvp_call3A : f32 to vector<1000x128xf32>
    %max3A_10 = arith.maximumf %add3A_9, %max3A : vector<1000x128xf32>
    %sub3A = vector.broadcast %custom_jvp_call3A : f32 to vector<1000x128xf32>
    %sub3A_11 = arith.subf %add3A_9, %sub3A : vector<1000x128xf32>
    %ne3A = arith.cmpf one, %sub3A_11, %sub3A_11 : vector<1000x128xf32>
    %add3A_12 = vector.broadcast %custom_jvp_call3A : f32 to vector<1000x128xf32>
    %add3A_13 = arith.addf %add3A_9, %add3A_12 : vector<1000x128xf32>
    %abs3A = math.absf %sub3A_11 : vector<1000x128xf32>
    %neg3A = arith.constant 0.000000e+00 : f32
    %neg3A_14 = vector.broadcast %neg3A : f32 to vector<1000x128xf32>
    %neg3A_15 = arith.subf %neg3A_14, %abs3A : vector<1000x128xf32>
    %exp3A = math.exp %neg3A_15 : vector<1000x128xf32>
    %log1p3A = math.log1p %exp3A : vector<1000x128xf32>
    %add3A_16 = arith.addf %max3A_10, %log1p3A : vector<1000x128xf32>
    %select_n3A = arith.select %ne3A, %add3A_13, %add3A_16 : vector<1000x128xi1>, vector<1000x128xf32>
    %sub3A_17 = arith.constant 0.693147182 : f32
    %sub3A_18 = vector.broadcast %sub3A_17 : f32 to vector<1000x128xf32>
    %sub3A_19 = arith.subf %select_n3A, %sub3A_18 : vector<1000x128xf32>
    %get3A_20 = arith.constant 0 : index
    %get3A_21 = arith.constant 0 : index
    %get3A_22 = vector.load %arg4[%get3A_20, %get3A_21] : memref<128x384xf32, #tpu.memory_space<vmem>>, vector<128x384xf32>
    %dot_general3A_23 = arith.constant dense<0.000000e+00> : vector<1000x384xf32>
    %dot_general3A_24 = tpu.matmul %sub3A_19, %get3A_22, %dot_general3A_23 {dimension_numbers = #tpu.dot_dimension_numbers<[1], [0], [0], [1], [0, 0, 1, 1], [], []>, transpose_lhs_hint = false} : vector<1000x128xf32>, vector<128x384xf32>, vector<1000x384xf32> -> vector<1000x384xf32>
    %get3A_25 = arith.constant 0 : index
    %get3A_26 = arith.constant 0 : index
    %get3A_27 = vector.load %arg5[%get3A_25, %get3A_26] : memref<1x384xf32, #tpu.memory_space<vmem>>, vector<1x384xf32>
    %add3A_28 = vector.broadcast %get3A_27 : vector<1x384xf32> to vector<1000x384xf32>
    %add3A_29 = arith.addf %dot_general3A_24, %add3A_28 : vector<1000x384xf32>
    %swap3A = arith.constant 0 : index
    %swap3A_30 = arith.constant 0 : index
    %swap3A_31 = vector.load %arg6[%swap3A, %swap3A_30] : memref<1000x384xf32, #tpu.memory_space<vmem>>, vector<1000x384xf32>
    tpu.vector_store %arg6[%swap3A, %swap3A_30], %add3A_29 {strides = array<i32>} : memref<1000x384xf32, #tpu.memory_space<vmem>>, vector<1000x384xf32>,
    return
  }
  func.func @transform_0(%arg0: i32) -> (i32, i32) {
    %c0_i32 = arith.constant 0 : i32
    %c0_i32_0 = arith.constant 0 : i32
    return %arg0, %c0_i32 : i32, i32
  }
  func.func @transform_1(%arg0: i32) -> (i32, i32) {
    %c0_i32 = arith.constant 0 : i32
    %c0_i32_0 = arith.constant 0 : i32
    %c0_i32_1 = arith.constant 0 : i32
    return %c0_i32, %c0_i32_0 : i32, i32
  }
  func.func @transform_2(%arg0: i32) -> (i32, i32) {
    %c0_i32 = arith.constant 0 : i32
    %c0_i32_0 = arith.constant 0 : i32
    %c0_i32_1 = arith.constant 0 : i32
    return %c0_i32, %c0_i32_0 : i32, i32
  }
  func.func @transform_3(%arg0: i32) -> (i32, i32) {
    %c0_i32 = arith.constant 0 : i32
    %c0_i32_0 = arith.constant 0 : i32
    %c0_i32_1 = arith.constant 0 : i32
    return %c0_i32, %c0_i32_0 : i32, i32
  }
  func.func @transform_4(%arg0: i32) -> (i32, i32) {
    %c0_i32 = arith.constant 0 : i32
    %c0_i32_0 = arith.constant 0 : i32
    %c0_i32_1 = arith.constant 0 : i32
    return %c0_i32, %c0_i32_0 : i32, i32
  }
  func.func @transform_5(%arg0: i32) -> (i32, i32) {
    %c0_i32 = arith.constant 0 : i32
    %c0_i32_0 = arith.constant 0 : i32
    return %arg0, %c0_i32 : i32, i32
  }
}

module attributes {stable_mosaic.version = 14 : i64} {
  func.func @_edge_body(%arg0: i32, %arg1: memref<512x1xf32, #tpu.memory_space<vmem>>, %arg2: memref<512x1xf32, #tpu.memory_space<vmem>>, %arg3: memref<512x1xf32, #tpu.memory_space<vmem>>, %arg4: memref<6x512x128xf32, #tpu.memory_space<vmem>>, %arg5: memref<8x384xf32, #tpu.memory_space<vmem>>, %arg6: memref<1x384xf32, #tpu.memory_space<vmem>>, %arg7: memref<4x512x128xf32, #tpu.memory_space<vmem>>) attributes {dimension_semantics = [#tpu.dimension_semantics<arbitrary>], iteration_bounds = array<i64: 320>, scalar_prefetch = 0 : i64, scratch_operands = 0 : i64, tpu.core_type = #tpu.core_type<tc>, window_params = [{transform_indices = @transform_0, window_bounds = array<i64: 512, 1>}, {transform_indices = @transform_1, window_bounds = array<i64: 512, 1>}, {transform_indices = @transform_2, window_bounds = array<i64: 512, 1>}, {transform_indices = @transform_3, window_bounds = array<i64: 6, 512, 128>}, {pipeline_mode = #tpu.pipeline_mode<synchronous>, transform_indices = @transform_4, window_bounds = array<i64: 8, 384>}, {pipeline_mode = #tpu.pipeline_mode<synchronous>, transform_indices = @transform_5, window_bounds = array<i64: 1, 384>}, {transform_indices = @transform_6, window_bounds = array<i64: 4, 512, 128>}]} {
    %get3A = arith.constant 0 : index
    %get3A_0 = arith.constant 0 : index
    %get3A_1 = vector.load %arg1[%get3A, %get3A_0] : memref<512x1xf32, #tpu.memory_space<vmem>>, vector<512x1xf32>
    %get3A_2 = arith.constant 0 : index
    %get3A_3 = arith.constant 0 : index
    %get3A_4 = vector.load %arg2[%get3A_2, %get3A_3] : memref<512x1xf32, #tpu.memory_space<vmem>>, vector<512x1xf32>
    %get3A_5 = arith.constant 0 : index
    %get3A_6 = arith.constant 0 : index
    %get3A_7 = vector.load %arg3[%get3A_5, %get3A_6] : memref<512x1xf32, #tpu.memory_space<vmem>>, vector<512x1xf32>
    %mul3A = arith.mulf %get3A_1, %get3A_1 : vector<512x1xf32>
    %mul3A_8 = arith.mulf %get3A_4, %get3A_4 : vector<512x1xf32>
    %add3A = arith.addf %mul3A, %mul3A_8 : vector<512x1xf32>
    %mul3A_9 = arith.mulf %get3A_7, %get3A_7 : vector<512x1xf32>
    %add3A_10 = arith.addf %add3A, %mul3A_9 : vector<512x1xf32>
    %add3A_11 = arith.constant 9.99999974E-6 : f32
    %add3A_12 = vector.broadcast %add3A_11 : f32 to vector<512x1xf32>
    %add3A_13 = arith.addf %add3A_10, %add3A_12 : vector<512x1xf32>
    %sqrt3A = math.sqrt %add3A_13 : vector<512x1xf32>
    %get3A_14 = arith.constant 0 : index
    %get3A_15 = arith.constant 0 : index
    %get3A_16 = vector.load %arg6[%get3A_14, %get3A_15] : memref<1x384xf32, #tpu.memory_space<vmem>>, vector<1x384xf32>
    %sqrt3A_17 = arith.constant 4.000000e-01 : f32
    %sqrt3A_18 = math.sqrt %sqrt3A_17 : f32
    %mul3A_19 = arith.constant 3.14159274 : f32
    %mul3A_20 = vector.broadcast %mul3A_19 : f32 to vector<512x1xf32>
    %mul3A_21 = arith.mulf %mul3A_20, %sqrt3A : vector<512x1xf32>
    %div3A = arith.constant 5.000000e+00 : f32
    %div3A_22 = vector.broadcast %div3A : f32 to vector<512x1xf32>
    %div3A_23 = arith.divf %mul3A_21, %div3A_22 : vector<512x1xf32>
    %sin3A = math.sin %div3A_23 : vector<512x1xf32>
    %mul3A_24 = vector.broadcast %sqrt3A_18 : f32 to vector<512x1xf32>
    %mul3A_25 = arith.mulf %mul3A_24, %sin3A : vector<512x1xf32>
    %div3A_26 = arith.divf %mul3A_25, %sqrt3A : vector<512x1xf32>
    %get3A_27 = arith.constant 0 : index
    %get3A_28 = arith.constant 0 : index
    %get3A_29 = vector.load %arg5[%get3A_27, %get3A_28] : memref<8x384xf32, #tpu.memory_space<vmem>>, vector<1x384xf32>
    %mul3A_30 = vector.broadcast %div3A_26 : vector<512x1xf32> to vector<512x384xf32>
    %mul3A_31 = vector.broadcast %get3A_29 : vector<1x384xf32> to vector<512x384xf32>
    %mul3A_32 = arith.mulf %mul3A_30, %mul3A_31 : vector<512x384xf32>
    %add3A_33 = vector.broadcast %get3A_16 : vector<1x384xf32> to vector<512x384xf32>
    %add3A_34 = arith.addf %add3A_33, %mul3A_32 : vector<512x384xf32>
    %mul3A_35 = arith.constant 6.28318548 : f32
    %mul3A_36 = vector.broadcast %mul3A_35 : f32 to vector<512x1xf32>
    %mul3A_37 = arith.mulf %mul3A_36, %sqrt3A : vector<512x1xf32>
    %div3A_38 = arith.constant 5.000000e+00 : f32
    %div3A_39 = vector.broadcast %div3A_38 : f32 to vector<512x1xf32>
    %div3A_40 = arith.divf %mul3A_37, %div3A_39 : vector<512x1xf32>
    %sin3A_41 = math.sin %div3A_40 : vector<512x1xf32>
    %mul3A_42 = vector.broadcast %sqrt3A_18 : f32 to vector<512x1xf32>
    %mul3A_43 = arith.mulf %mul3A_42, %sin3A_41 : vector<512x1xf32>
    %div3A_44 = arith.divf %mul3A_43, %sqrt3A : vector<512x1xf32>
    %get3A_45 = arith.constant 1 : index
    %get3A_46 = arith.constant 0 : index
    %get3A_47 = vector.load %arg5[%get3A_45, %get3A_46] : memref<8x384xf32, #tpu.memory_space<vmem>>, vector<1x384xf32>
    %mul3A_48 = vector.broadcast %div3A_44 : vector<512x1xf32> to vector<512x384xf32>
    %mul3A_49 = vector.broadcast %get3A_47 : vector<1x384xf32> to vector<512x384xf32>
    %mul3A_50 = arith.mulf %mul3A_48, %mul3A_49 : vector<512x384xf32>
    %add3A_51 = arith.addf %add3A_34, %mul3A_50 : vector<512x384xf32>
    %mul3A_52 = arith.constant 9.42477798 : f32
    %mul3A_53 = vector.broadcast %mul3A_52 : f32 to vector<512x1xf32>
    %mul3A_54 = arith.mulf %mul3A_53, %sqrt3A : vector<512x1xf32>
    %div3A_55 = arith.constant 5.000000e+00 : f32
    %div3A_56 = vector.broadcast %div3A_55 : f32 to vector<512x1xf32>
    %div3A_57 = arith.divf %mul3A_54, %div3A_56 : vector<512x1xf32>
    %sin3A_58 = math.sin %div3A_57 : vector<512x1xf32>
    %mul3A_59 = vector.broadcast %sqrt3A_18 : f32 to vector<512x1xf32>
    %mul3A_60 = arith.mulf %mul3A_59, %sin3A_58 : vector<512x1xf32>
    %div3A_61 = arith.divf %mul3A_60, %sqrt3A : vector<512x1xf32>
    %get3A_62 = arith.constant 2 : index
    %get3A_63 = arith.constant 0 : index
    %get3A_64 = vector.load %arg5[%get3A_62, %get3A_63] : memref<8x384xf32, #tpu.memory_space<vmem>>, vector<1x384xf32>
    %mul3A_65 = vector.broadcast %div3A_61 : vector<512x1xf32> to vector<512x384xf32>
    %mul3A_66 = vector.broadcast %get3A_64 : vector<1x384xf32> to vector<512x384xf32>
    %mul3A_67 = arith.mulf %mul3A_65, %mul3A_66 : vector<512x384xf32>
    %add3A_68 = arith.addf %add3A_51, %mul3A_67 : vector<512x384xf32>
    %mul3A_69 = arith.constant 12.566371 : f32
    %mul3A_70 = vector.broadcast %mul3A_69 : f32 to vector<512x1xf32>
    %mul3A_71 = arith.mulf %mul3A_70, %sqrt3A : vector<512x1xf32>
    %div3A_72 = arith.constant 5.000000e+00 : f32
    %div3A_73 = vector.broadcast %div3A_72 : f32 to vector<512x1xf32>
    %div3A_74 = arith.divf %mul3A_71, %div3A_73 : vector<512x1xf32>
    %sin3A_75 = math.sin %div3A_74 : vector<512x1xf32>
    %mul3A_76 = vector.broadcast %sqrt3A_18 : f32 to vector<512x1xf32>
    %mul3A_77 = arith.mulf %mul3A_76, %sin3A_75 : vector<512x1xf32>
    %div3A_78 = arith.divf %mul3A_77, %sqrt3A : vector<512x1xf32>
    %get3A_79 = arith.constant 3 : index
    %get3A_80 = arith.constant 0 : index
    %get3A_81 = vector.load %arg5[%get3A_79, %get3A_80] : memref<8x384xf32, #tpu.memory_space<vmem>>, vector<1x384xf32>
    %mul3A_82 = vector.broadcast %div3A_78 : vector<512x1xf32> to vector<512x384xf32>
    %mul3A_83 = vector.broadcast %get3A_81 : vector<1x384xf32> to vector<512x384xf32>
    %mul3A_84 = arith.mulf %mul3A_82, %mul3A_83 : vector<512x384xf32>
    %add3A_85 = arith.addf %add3A_68, %mul3A_84 : vector<512x384xf32>
    %mul3A_86 = arith.constant 15.707963 : f32
    %mul3A_87 = vector.broadcast %mul3A_86 : f32 to vector<512x1xf32>
    %mul3A_88 = arith.mulf %mul3A_87, %sqrt3A : vector<512x1xf32>
    %div3A_89 = arith.constant 5.000000e+00 : f32
    %div3A_90 = vector.broadcast %div3A_89 : f32 to vector<512x1xf32>
    %div3A_91 = arith.divf %mul3A_88, %div3A_90 : vector<512x1xf32>
    %sin3A_92 = math.sin %div3A_91 : vector<512x1xf32>
    %mul3A_93 = vector.broadcast %sqrt3A_18 : f32 to vector<512x1xf32>
    %mul3A_94 = arith.mulf %mul3A_93, %sin3A_92 : vector<512x1xf32>
    %div3A_95 = arith.divf %mul3A_94, %sqrt3A : vector<512x1xf32>
    %get3A_96 = arith.constant 4 : index
    %get3A_97 = arith.constant 0 : index
    %get3A_98 = vector.load %arg5[%get3A_96, %get3A_97] : memref<8x384xf32, #tpu.memory_space<vmem>>, vector<1x384xf32>
    %mul3A_99 = vector.broadcast %div3A_95 : vector<512x1xf32> to vector<512x384xf32>
    %mul3A_100 = vector.broadcast %get3A_98 : vector<1x384xf32> to vector<512x384xf32>
    %mul3A_101 = arith.mulf %mul3A_99, %mul3A_100 : vector<512x384xf32>
    %add3A_102 = arith.addf %add3A_85, %mul3A_101 : vector<512x384xf32>
    %mul3A_103 = arith.constant 18.849556 : f32
    %mul3A_104 = vector.broadcast %mul3A_103 : f32 to vector<512x1xf32>
    %mul3A_105 = arith.mulf %mul3A_104, %sqrt3A : vector<512x1xf32>
    %div3A_106 = arith.constant 5.000000e+00 : f32
    %div3A_107 = vector.broadcast %div3A_106 : f32 to vector<512x1xf32>
    %div3A_108 = arith.divf %mul3A_105, %div3A_107 : vector<512x1xf32>
    %sin3A_109 = math.sin %div3A_108 : vector<512x1xf32>
    %mul3A_110 = vector.broadcast %sqrt3A_18 : f32 to vector<512x1xf32>
    %mul3A_111 = arith.mulf %mul3A_110, %sin3A_109 : vector<512x1xf32>
    %div3A_112 = arith.divf %mul3A_111, %sqrt3A : vector<512x1xf32>
    %get3A_113 = arith.constant 5 : index
    %get3A_114 = arith.constant 0 : index
    %get3A_115 = vector.load %arg5[%get3A_113, %get3A_114] : memref<8x384xf32, #tpu.memory_space<vmem>>, vector<1x384xf32>
    %mul3A_116 = vector.broadcast %div3A_112 : vector<512x1xf32> to vector<512x384xf32>
    %mul3A_117 = vector.broadcast %get3A_115 : vector<1x384xf32> to vector<512x384xf32>
    %mul3A_118 = arith.mulf %mul3A_116, %mul3A_117 : vector<512x384xf32>
    %add3A_119 = arith.addf %add3A_102, %mul3A_118 : vector<512x384xf32>
    %mul3A_120 = arith.constant 3.14159274 : f32
    %mul3A_121 = vector.broadcast %mul3A_120 : f32 to vector<512x384xf32>
    %mul3A_122 = arith.mulf %mul3A_121, %add3A_119 : vector<512x384xf32>
    %div3A_123 = arith.constant 5.000000e+00 : f32
    %div3A_124 = vector.broadcast %div3A_123 : f32 to vector<512x384xf32>
    %div3A_125 = arith.divf %mul3A_122, %div3A_124 : vector<512x384xf32>
    %cos3A = math.cos %div3A_125 : vector<512x384xf32>
    %add3A_126 = arith.constant 1.000000e+00 : f32
    %add3A_127 = vector.broadcast %add3A_126 : f32 to vector<512x384xf32>
    %add3A_128 = arith.addf %cos3A, %add3A_127 : vector<512x384xf32>
    %mul3A_129 = arith.constant 5.000000e-01 : f32
    %mul3A_130 = vector.broadcast %mul3A_129 : f32 to vector<512x384xf32>
    %mul3A_131 = arith.mulf %mul3A_130, %add3A_128 : vector<512x384xf32>
    %lt3A = arith.constant 5.000000e+00 : f32
    %lt3A_132 = vector.broadcast %lt3A : f32 to vector<512x384xf32>
    %lt3A_133 = arith.cmpf olt, %add3A_119, %lt3A_132 : vector<512x384xf32>
    %convert_element_type3A = arith.extui %lt3A_133 : vector<512x384xi1> to vector<512x384xi32>
    %convert_element_type3A_134 = arith.sitofp %convert_element_type3A : vector<512x384xi32> to vector<512x384xf32>
    %mul3A_135 = arith.mulf %mul3A_131, %convert_element_type3A_134 : vector<512x384xf32>
    %slice3A = vector.extract_strided_slice %mul3A_135 {offsets = [0, 0], sizes = [512, 128], strides = [1, 1]} : vector<512x384xf32> to vector<512x128xf32>
    %slice3A_136 = vector.extract_strided_slice %mul3A_135 {offsets = [0, 128], sizes = [512, 128], strides = [1, 1]} : vector<512x384xf32> to vector<512x128xf32>
    %slice3A_137 = vector.extract_strided_slice %mul3A_135 {offsets = [0, 256], sizes = [512, 128], strides = [1, 1]} : vector<512x384xf32> to vector<512x128xf32>
    %get3A_138 = arith.constant 3 : index
    %get3A_139 = arith.constant 0 : index
    %get3A_140 = arith.constant 0 : index
    %get3A_141 = vector.load %arg4[%get3A_138, %get3A_139, %get3A_140] : memref<6x512x128xf32, #tpu.memory_space<vmem>>, vector<1x512x128xf32>
    %get3A_142 = vector.shape_cast %get3A_141 : vector<1x512x128xf32> to vector<512x128xf32>
    %mul3A_143 = arith.mulf %get3A_142, %slice3A : vector<512x128xf32>
    %get3A_144 = arith.constant 4 : index
    %get3A_145 = arith.constant 0 : index
    %get3A_146 = arith.constant 0 : index
    %get3A_147 = vector.load %arg4[%get3A_144, %get3A_145, %get3A_146] : memref<6x512x128xf32, #tpu.memory_space<vmem>>, vector<1x512x128xf32>
    %get3A_148 = vector.shape_cast %get3A_147 : vector<1x512x128xf32> to vector<512x128xf32>
    %mul3A_149 = arith.mulf %get3A_148, %slice3A_136 : vector<512x128xf32>
    %get3A_150 = arith.constant 5 : index
    %get3A_151 = arith.constant 0 : index
    %get3A_152 = arith.constant 0 : index
    %get3A_153 = vector.load %arg4[%get3A_150, %get3A_151, %get3A_152] : memref<6x512x128xf32, #tpu.memory_space<vmem>>, vector<1x512x128xf32>
    %get3A_154 = vector.shape_cast %get3A_153 : vector<1x512x128xf32> to vector<512x128xf32>
    %mul3A_155 = arith.mulf %get3A_154, %slice3A_137 : vector<512x128xf32>
    %get3A_156 = arith.constant 0 : index
    %get3A_157 = arith.constant 0 : index
    %get3A_158 = arith.constant 0 : index
    %get3A_159 = vector.load %arg4[%get3A_156, %get3A_157, %get3A_158] : memref<6x512x128xf32, #tpu.memory_space<vmem>>, vector<1x512x128xf32>
    %get3A_160 = vector.shape_cast %get3A_159 : vector<1x512x128xf32> to vector<512x128xf32>
    %mul3A_161 = arith.mulf %get3A_160, %mul3A_143 : vector<512x128xf32>
    %div3A_162 = arith.divf %get3A_1, %sqrt3A : vector<512x1xf32>
    %mul3A_163 = vector.broadcast %div3A_162 : vector<512x1xf32> to vector<512x128xf32>
    %mul3A_164 = arith.mulf %mul3A_155, %mul3A_163 : vector<512x128xf32>
    %add3A_165 = arith.addf %mul3A_161, %mul3A_164 : vector<512x128xf32>
    %swap3A = arith.constant 0 : index
    %swap3A_166 = arith.constant 0 : index
    %swap3A_167 = arith.constant 0 : index
    %swap3A_168 = vector.load %arg7[%swap3A, %swap3A_166, %swap3A_167] : memref<4x512x128xf32, #tpu.memory_space<vmem>>, vector<1x512x128xf32>
    %swap3A_169 = vector.shape_cast %swap3A_168 : vector<1x512x128xf32> to vector<512x128xf32>
    %swap3A_170 = vector.shape_cast %add3A_165 : vector<512x128xf32> to vector<1x512x128xf32>
    tpu.vector_store %arg7[%swap3A, %swap3A_166, %swap3A_167], %swap3A_170 {strides = array<i32>} : memref<4x512x128xf32, #tpu.memory_space<vmem>>, vector<1x512x128xf32>,
    %get3A_171 = arith.constant 1 : index
    %get3A_172 = arith.constant 0 : index
    %get3A_173 = arith.constant 0 : index
    %get3A_174 = vector.load %arg4[%get3A_171, %get3A_172, %get3A_173] : memref<6x512x128xf32, #tpu.memory_space<vmem>>, vector<1x512x128xf32>
    %get3A_175 = vector.shape_cast %get3A_174 : vector<1x512x128xf32> to vector<512x128xf32>
    %mul3A_176 = arith.mulf %get3A_175, %mul3A_143 : vector<512x128xf32>
    %div3A_177 = arith.divf %get3A_4, %sqrt3A : vector<512x1xf32>
    %mul3A_178 = vector.broadcast %div3A_177 : vector<512x1xf32> to vector<512x128xf32>
    %mul3A_179 = arith.mulf %mul3A_155, %mul3A_178 : vector<512x128xf32>
    %add3A_180 = arith.addf %mul3A_176, %mul3A_179 : vector<512x128xf32>
    %swap3A_181 = arith.constant 1 : index
    %swap3A_182 = arith.constant 0 : index
    %swap3A_183 = arith.constant 0 : index
    %swap3A_184 = vector.load %arg7[%swap3A_181, %swap3A_182, %swap3A_183] : memref<4x512x128xf32, #tpu.memory_space<vmem>>, vector<1x512x128xf32>
    %swap3A_185 = vector.shape_cast %swap3A_184 : vector<1x512x128xf32> to vector<512x128xf32>
    %swap3A_186 = vector.shape_cast %add3A_180 : vector<512x128xf32> to vector<1x512x128xf32>
    tpu.vector_store %arg7[%swap3A_181, %swap3A_182, %swap3A_183], %swap3A_186 {strides = array<i32>} : memref<4x512x128xf32, #tpu.memory_space<vmem>>, vector<1x512x128xf32>,
    %get3A_187 = arith.constant 2 : index
    %get3A_188 = arith.constant 0 : index
    %get3A_189 = arith.constant 0 : index
    %get3A_190 = vector.load %arg4[%get3A_187, %get3A_188, %get3A_189] : memref<6x512x128xf32, #tpu.memory_space<vmem>>, vector<1x512x128xf32>
    %get3A_191 = vector.shape_cast %get3A_190 : vector<1x512x128xf32> to vector<512x128xf32>
    %mul3A_192 = arith.mulf %get3A_191, %mul3A_143 : vector<512x128xf32>
    %div3A_193 = arith.divf %get3A_7, %sqrt3A : vector<512x1xf32>
    %mul3A_194 = vector.broadcast %div3A_193 : vector<512x1xf32> to vector<512x128xf32>
    %mul3A_195 = arith.mulf %mul3A_155, %mul3A_194 : vector<512x128xf32>
    %add3A_196 = arith.addf %mul3A_192, %mul3A_195 : vector<512x128xf32>
    %swap3A_197 = arith.constant 2 : index
    %swap3A_198 = arith.constant 0 : index
    %swap3A_199 = arith.constant 0 : index
    %swap3A_200 = vector.load %arg7[%swap3A_197, %swap3A_198, %swap3A_199] : memref<4x512x128xf32, #tpu.memory_space<vmem>>, vector<1x512x128xf32>
    %swap3A_201 = vector.shape_cast %swap3A_200 : vector<1x512x128xf32> to vector<512x128xf32>
    %swap3A_202 = vector.shape_cast %add3A_196 : vector<512x128xf32> to vector<1x512x128xf32>
    tpu.vector_store %arg7[%swap3A_197, %swap3A_198, %swap3A_199], %swap3A_202 {strides = array<i32>} : memref<4x512x128xf32, #tpu.memory_space<vmem>>, vector<1x512x128xf32>,
    %swap3A_203 = arith.constant 3 : index
    %swap3A_204 = arith.constant 0 : index
    %swap3A_205 = arith.constant 0 : index
    %swap3A_206 = vector.load %arg7[%swap3A_203, %swap3A_204, %swap3A_205] : memref<4x512x128xf32, #tpu.memory_space<vmem>>, vector<1x512x128xf32>
    %swap3A_207 = vector.shape_cast %swap3A_206 : vector<1x512x128xf32> to vector<512x128xf32>
    %swap3A_208 = vector.shape_cast %mul3A_149 : vector<512x128xf32> to vector<1x512x128xf32>
    tpu.vector_store %arg7[%swap3A_203, %swap3A_204, %swap3A_205], %swap3A_208 {strides = array<i32>} : memref<4x512x128xf32, #tpu.memory_space<vmem>>, vector<1x512x128xf32>,
    return
  }
  func.func @transform_0(%arg0: i32) -> (i32, i32) {
    %c0_i32 = arith.constant 0 : i32
    %c0_i32_0 = arith.constant 0 : i32
    return %arg0, %c0_i32 : i32, i32
  }
  func.func @transform_1(%arg0: i32) -> (i32, i32) {
    %c0_i32 = arith.constant 0 : i32
    %c0_i32_0 = arith.constant 0 : i32
    return %arg0, %c0_i32 : i32, i32
  }
  func.func @transform_2(%arg0: i32) -> (i32, i32) {
    %c0_i32 = arith.constant 0 : i32
    %c0_i32_0 = arith.constant 0 : i32
    return %arg0, %c0_i32 : i32, i32
  }
  func.func @transform_3(%arg0: i32) -> (i32, i32, i32) {
    %c0_i32 = arith.constant 0 : i32
    %c0_i32_0 = arith.constant 0 : i32
    %c0_i32_1 = arith.constant 0 : i32
    return %c0_i32, %arg0, %c0_i32_0 : i32, i32, i32
  }
  func.func @transform_4(%arg0: i32) -> (i32, i32) {
    %c0_i32 = arith.constant 0 : i32
    %c0_i32_0 = arith.constant 0 : i32
    %c0_i32_1 = arith.constant 0 : i32
    return %c0_i32, %c0_i32_0 : i32, i32
  }
  func.func @transform_5(%arg0: i32) -> (i32, i32) {
    %c0_i32 = arith.constant 0 : i32
    %c0_i32_0 = arith.constant 0 : i32
    %c0_i32_1 = arith.constant 0 : i32
    return %c0_i32, %c0_i32_0 : i32, i32
  }
  func.func @transform_6(%arg0: i32) -> (i32, i32, i32) {
    %c0_i32 = arith.constant 0 : i32
    %c0_i32_0 = arith.constant 0 : i32
    %c0_i32_1 = arith.constant 0 : i32
    return %c0_i32, %arg0, %c0_i32_0 : i32, i32, i32
  }
}

module attributes {stable_mosaic.version = 14 : i64} {
  func.func @_update_body(%arg0: i32, %arg1: memref<1000x128xf32, #tpu.memory_space<vmem>>, %arg2: memref<1000x128xf32, #tpu.memory_space<vmem>>, %arg3: memref<1000x128xf32, #tpu.memory_space<vmem>>, %arg4: memref<3x1000x128xf32, #tpu.memory_space<vmem>>, %arg5: memref<1000x128xf32, #tpu.memory_space<vmem>>, %arg6: memref<1000x128xf32, #tpu.memory_space<vmem>>, %arg7: memref<128x128xf32, #tpu.memory_space<vmem>>, %arg8: memref<1x128xf32, #tpu.memory_space<vmem>>, %arg9: memref<128x384xf32, #tpu.memory_space<vmem>>, %arg10: memref<1x384xf32, #tpu.memory_space<vmem>>, %arg11: memref<1000x128xf32, #tpu.memory_space<vmem>>, %arg12: memref<1000x128xf32, #tpu.memory_space<vmem>>, %arg13: memref<1000x128xf32, #tpu.memory_space<vmem>>, %arg14: memref<1000x128xf32, #tpu.memory_space<vmem>>, %arg15: memref<1000x384xf32, #tpu.memory_space<vmem>>) attributes {dimension_semantics = [#tpu.dimension_semantics<arbitrary>], iteration_bounds = array<i64: 10>, scalar_prefetch = 0 : i64, scratch_operands = 0 : i64, tpu.core_type = #tpu.core_type<tc>, window_params = [{transform_indices = @transform_0, window_bounds = array<i64: 1000, 128>}, {transform_indices = @transform_1, window_bounds = array<i64: 1000, 128>}, {transform_indices = @transform_2, window_bounds = array<i64: 1000, 128>}, {transform_indices = @transform_3, window_bounds = array<i64: 3, 1000, 128>}, {transform_indices = @transform_4, window_bounds = array<i64: 1000, 128>}, {transform_indices = @transform_5, window_bounds = array<i64: 1000, 128>}, {pipeline_mode = #tpu.pipeline_mode<synchronous>, transform_indices = @transform_6, window_bounds = array<i64: 128, 128>}, {pipeline_mode = #tpu.pipeline_mode<synchronous>, transform_indices = @transform_7, window_bounds = array<i64: 1, 128>}, {pipeline_mode = #tpu.pipeline_mode<synchronous>, transform_indices = @transform_8, window_bounds = array<i64: 128, 384>}, {pipeline_mode = #tpu.pipeline_mode<synchronous>, transform_indices = @transform_9, window_bounds = array<i64: 1, 384>}, {transform_indices = @transform_10, window_bounds = array<i64: 1000, 128>}, {transform_indices = @transform_11, window_bounds = array<i64: 1000, 128>}, {transform_indices = @transform_12, window_bounds = array<i64: 1000, 128>}, {transform_indices = @transform_13, window_bounds = array<i64: 1000, 128>}, {transform_indices = @transform_14, window_bounds = array<i64: 1000, 384>}]} {
    %get3A = arith.constant 0 : index
    %get3A_0 = arith.constant 0 : index
    %get3A_1 = vector.load %arg1[%get3A, %get3A_0] : memref<1000x128xf32, #tpu.memory_space<vmem>>, vector<1000x128xf32>
    %get3A_2 = arith.constant 0 : index
    %get3A_3 = arith.constant 0 : index
    %get3A_4 = arith.constant 0 : index
    %get3A_5 = vector.load %arg4[%get3A_2, %get3A_3, %get3A_4] : memref<3x1000x128xf32, #tpu.memory_space<vmem>>, vector<1x1000x128xf32>
    %get3A_6 = vector.shape_cast %get3A_5 : vector<1x1000x128xf32> to vector<1000x128xf32>
    %add3A = arith.addf %get3A_1, %get3A_6 : vector<1000x128xf32>
    %swap3A = arith.constant 0 : index
    %swap3A_7 = arith.constant 0 : index
    %swap3A_8 = vector.load %arg11[%swap3A, %swap3A_7] : memref<1000x128xf32, #tpu.memory_space<vmem>>, vector<1000x128xf32>
    tpu.vector_store %arg11[%swap3A, %swap3A_7], %add3A {strides = array<i32>} : memref<1000x128xf32, #tpu.memory_space<vmem>>, vector<1000x128xf32>,
    %get3A_9 = arith.constant 0 : index
    %get3A_10 = arith.constant 0 : index
    %get3A_11 = vector.load %arg2[%get3A_9, %get3A_10] : memref<1000x128xf32, #tpu.memory_space<vmem>>, vector<1000x128xf32>
    %get3A_12 = arith.constant 1 : index
    %get3A_13 = arith.constant 0 : index
    %get3A_14 = arith.constant 0 : index
    %get3A_15 = vector.load %arg4[%get3A_12, %get3A_13, %get3A_14] : memref<3x1000x128xf32, #tpu.memory_space<vmem>>, vector<1x1000x128xf32>
    %get3A_16 = vector.shape_cast %get3A_15 : vector<1x1000x128xf32> to vector<1000x128xf32>
    %add3A_17 = arith.addf %get3A_11, %get3A_16 : vector<1000x128xf32>
    %swap3A_18 = arith.constant 0 : index
    %swap3A_19 = arith.constant 0 : index
    %swap3A_20 = vector.load %arg12[%swap3A_18, %swap3A_19] : memref<1000x128xf32, #tpu.memory_space<vmem>>, vector<1000x128xf32>
    tpu.vector_store %arg12[%swap3A_18, %swap3A_19], %add3A_17 {strides = array<i32>} : memref<1000x128xf32, #tpu.memory_space<vmem>>, vector<1000x128xf32>,
    %get3A_21 = arith.constant 0 : index
    %get3A_22 = arith.constant 0 : index
    %get3A_23 = vector.load %arg3[%get3A_21, %get3A_22] : memref<1000x128xf32, #tpu.memory_space<vmem>>, vector<1000x128xf32>
    %get3A_24 = arith.constant 2 : index
    %get3A_25 = arith.constant 0 : index
    %get3A_26 = arith.constant 0 : index
    %get3A_27 = vector.load %arg4[%get3A_24, %get3A_25, %get3A_26] : memref<3x1000x128xf32, #tpu.memory_space<vmem>>, vector<1x1000x128xf32>
    %get3A_28 = vector.shape_cast %get3A_27 : vector<1x1000x128xf32> to vector<1000x128xf32>
    %add3A_29 = arith.addf %get3A_23, %get3A_28 : vector<1000x128xf32>
    %swap3A_30 = arith.constant 0 : index
    %swap3A_31 = arith.constant 0 : index
    %swap3A_32 = vector.load %arg13[%swap3A_30, %swap3A_31] : memref<1000x128xf32, #tpu.memory_space<vmem>>, vector<1000x128xf32>
    tpu.vector_store %arg13[%swap3A_30, %swap3A_31], %add3A_29 {strides = array<i32>} : memref<1000x128xf32, #tpu.memory_space<vmem>>, vector<1000x128xf32>,
    %get3A_33 = arith.constant 0 : index
    %get3A_34 = arith.constant 0 : index
    %get3A_35 = vector.load %arg5[%get3A_33, %get3A_34] : memref<1000x128xf32, #tpu.memory_space<vmem>>, vector<1000x128xf32>
    %get3A_36 = arith.constant 0 : index
    %get3A_37 = arith.constant 0 : index
    %get3A_38 = vector.load %arg6[%get3A_36, %get3A_37] : memref<1000x128xf32, #tpu.memory_space<vmem>>, vector<1000x128xf32>
    %add3A_39 = arith.addf %get3A_35, %get3A_38 : vector<1000x128xf32>
    %swap3A_40 = arith.constant 0 : index
    %swap3A_41 = arith.constant 0 : index
    %swap3A_42 = vector.load %arg14[%swap3A_40, %swap3A_41] : memref<1000x128xf32, #tpu.memory_space<vmem>>, vector<1000x128xf32>
    tpu.vector_store %arg14[%swap3A_40, %swap3A_41], %add3A_39 {strides = array<i32>} : memref<1000x128xf32, #tpu.memory_space<vmem>>, vector<1000x128xf32>,
    %get3A_43 = arith.constant 0 : index
    %get3A_44 = arith.constant 0 : index
    %get3A_45 = vector.load %arg7[%get3A_43, %get3A_44] : memref<128x128xf32, #tpu.memory_space<vmem>>, vector<128x128xf32>
    %dot_general3A = arith.constant dense<0.000000e+00> : vector<1000x128xf32>
    %dot_general3A_46 = tpu.matmul %add3A_39, %get3A_45, %dot_general3A {dimension_numbers = #tpu.dot_dimension_numbers<[1], [0], [0], [1], [0, 0, 1, 1], [], []>, transpose_lhs_hint = false} : vector<1000x128xf32>, vector<128x128xf32>, vector<1000x128xf32> -> vector<1000x128xf32>
    %get3A_47 = arith.constant 0 : index
    %get3A_48 = arith.constant 0 : index
    %get3A_49 = vector.load %arg8[%get3A_47, %get3A_48] : memref<1x128xf32, #tpu.memory_space<vmem>>, vector<1x128xf32>
    %add3A_50 = vector.broadcast %get3A_49 : vector<1x128xf32> to vector<1000x128xf32>
    %add3A_51 = arith.addf %dot_general3A_46, %add3A_50 : vector<1000x128xf32>
    %custom_jvp_call3A = arith.constant 0.000000e+00 : f32
    %max3A = vector.broadcast %custom_jvp_call3A : f32 to vector<1000x128xf32>
    %max3A_52 = arith.maximumf %add3A_51, %max3A : vector<1000x128xf32>
    %sub3A = vector.broadcast %custom_jvp_call3A : f32 to vector<1000x128xf32>
    %sub3A_53 = arith.subf %add3A_51, %sub3A : vector<1000x128xf32>
    %ne3A = arith.cmpf one, %sub3A_53, %sub3A_53 : vector<1000x128xf32>
    %add3A_54 = vector.broadcast %custom_jvp_call3A : f32 to vector<1000x128xf32>
    %add3A_55 = arith.addf %add3A_51, %add3A_54 : vector<1000x128xf32>
    %abs3A = math.absf %sub3A_53 : vector<1000x128xf32>
    %neg3A = arith.constant 0.000000e+00 : f32
    %neg3A_56 = vector.broadcast %neg3A : f32 to vector<1000x128xf32>
    %neg3A_57 = arith.subf %neg3A_56, %abs3A : vector<1000x128xf32>
    %exp3A = math.exp %neg3A_57 : vector<1000x128xf32>
    %log1p3A = math.log1p %exp3A : vector<1000x128xf32>
    %add3A_58 = arith.addf %max3A_52, %log1p3A : vector<1000x128xf32>
    %select_n3A = arith.select %ne3A, %add3A_55, %add3A_58 : vector<1000x128xi1>, vector<1000x128xf32>
    %sub3A_59 = arith.constant 0.693147182 : f32
    %sub3A_60 = vector.broadcast %sub3A_59 : f32 to vector<1000x128xf32>
    %sub3A_61 = arith.subf %select_n3A, %sub3A_60 : vector<1000x128xf32>
    %get3A_62 = arith.constant 0 : index
    %get3A_63 = arith.constant 0 : index
    %get3A_64 = vector.load %arg9[%get3A_62, %get3A_63] : memref<128x384xf32, #tpu.memory_space<vmem>>, vector<128x384xf32>
    %dot_general3A_65 = arith.constant dense<0.000000e+00> : vector<1000x384xf32>
    %dot_general3A_66 = tpu.matmul %sub3A_61, %get3A_64, %dot_general3A_65 {dimension_numbers = #tpu.dot_dimension_numbers<[1], [0], [0], [1], [0, 0, 1, 1], [], []>, transpose_lhs_hint = false} : vector<1000x128xf32>, vector<128x384xf32>, vector<1000x384xf32> -> vector<1000x384xf32>
    %get3A_67 = arith.constant 0 : index
    %get3A_68 = arith.constant 0 : index
    %get3A_69 = vector.load %arg10[%get3A_67, %get3A_68] : memref<1x384xf32, #tpu.memory_space<vmem>>, vector<1x384xf32>
    %add3A_70 = vector.broadcast %get3A_69 : vector<1x384xf32> to vector<1000x384xf32>
    %add3A_71 = arith.addf %dot_general3A_66, %add3A_70 : vector<1000x384xf32>
    %swap3A_72 = arith.constant 0 : index
    %swap3A_73 = arith.constant 0 : index
    %swap3A_74 = vector.load %arg15[%swap3A_72, %swap3A_73] : memref<1000x384xf32, #tpu.memory_space<vmem>>, vector<1000x384xf32>
    tpu.vector_store %arg15[%swap3A_72, %swap3A_73], %add3A_71 {strides = array<i32>} : memref<1000x384xf32, #tpu.memory_space<vmem>>, vector<1000x384xf32>,
    return
  }
  func.func @transform_0(%arg0: i32) -> (i32, i32) {
    %c0_i32 = arith.constant 0 : i32
    %c0_i32_0 = arith.constant 0 : i32
    return %arg0, %c0_i32 : i32, i32
  }
  func.func @transform_1(%arg0: i32) -> (i32, i32) {
    %c0_i32 = arith.constant 0 : i32
    %c0_i32_0 = arith.constant 0 : i32
    return %arg0, %c0_i32 : i32, i32
  }
  func.func @transform_2(%arg0: i32) -> (i32, i32) {
    %c0_i32 = arith.constant 0 : i32
    %c0_i32_0 = arith.constant 0 : i32
    return %arg0, %c0_i32 : i32, i32
  }
  func.func @transform_3(%arg0: i32) -> (i32, i32, i32) {
    %c0_i32 = arith.constant 0 : i32
    %c0_i32_0 = arith.constant 0 : i32
    %c0_i32_1 = arith.constant 0 : i32
    return %c0_i32, %arg0, %c0_i32_0 : i32, i32, i32
  }
  func.func @transform_4(%arg0: i32) -> (i32, i32) {
    %c0_i32 = arith.constant 0 : i32
    %c0_i32_0 = arith.constant 0 : i32
    return %arg0, %c0_i32 : i32, i32
  }
  func.func @transform_5(%arg0: i32) -> (i32, i32) {
    %c0_i32 = arith.constant 0 : i32
    %c0_i32_0 = arith.constant 0 : i32
    return %arg0, %c0_i32 : i32, i32
  }
  func.func @transform_6(%arg0: i32) -> (i32, i32) {
    %c0_i32 = arith.constant 0 : i32
    %c0_i32_0 = arith.constant 0 : i32
    %c0_i32_1 = arith.constant 0 : i32
    return %c0_i32, %c0_i32_0 : i32, i32
  }
  func.func @transform_7(%arg0: i32) -> (i32, i32) {
    %c0_i32 = arith.constant 0 : i32
    %c0_i32_0 = arith.constant 0 : i32
    %c0_i32_1 = arith.constant 0 : i32
    return %c0_i32, %c0_i32_0 : i32, i32
  }
  func.func @transform_8(%arg0: i32) -> (i32, i32) {
    %c0_i32 = arith.constant 0 : i32
    %c0_i32_0 = arith.constant 0 : i32
    %c0_i32_1 = arith.constant 0 : i32
    return %c0_i32, %c0_i32_0 : i32, i32
  }
  func.func @transform_9(%arg0: i32) -> (i32, i32) {
    %c0_i32 = arith.constant 0 : i32
    %c0_i32_0 = arith.constant 0 : i32
    %c0_i32_1 = arith.constant 0 : i32
    return %c0_i32, %c0_i32_0 : i32, i32
  }
  func.func @transform_10(%arg0: i32) -> (i32, i32) {
    %c0_i32 = arith.constant 0 : i32
    %c0_i32_0 = arith.constant 0 : i32
    return %arg0, %c0_i32 : i32, i32
  }
  func.func @transform_11(%arg0: i32) -> (i32, i32) {
    %c0_i32 = arith.constant 0 : i32
    %c0_i32_0 = arith.constant 0 : i32
    return %arg0, %c0_i32 : i32, i32
  }
  func.func @transform_12(%arg0: i32) -> (i32, i32) {
    %c0_i32 = arith.constant 0 : i32
    %c0_i32_0 = arith.constant 0 : i32
    return %arg0, %c0_i32 : i32, i32
  }
  func.func @transform_13(%arg0: i32) -> (i32, i32) {
    %c0_i32 = arith.constant 0 : i32
    %c0_i32_0 = arith.constant 0 : i32
    return %arg0, %c0_i32 : i32, i32
  }
  func.func @transform_14(%arg0: i32) -> (i32, i32) {
    %c0_i32 = arith.constant 0 : i32
    %c0_i32_0 = arith.constant 0 : i32
    return %arg0, %c0_i32 : i32, i32
  }
}

module attributes {stable_mosaic.version = 14 : i64} {
  func.func @_final_body(%arg0: i32, %arg1: memref<400x128xf32, #tpu.memory_space<vmem>>, %arg2: memref<400x128xf32, #tpu.memory_space<vmem>>, %arg3: memref<400x128xf32, #tpu.memory_space<vmem>>, %arg4: memref<400x128xf32, #tpu.memory_space<vmem>>, %arg5: memref<7x400x128xf32, #tpu.memory_space<vmem>>, %arg6: memref<400x128xf32, #tpu.memory_space<vmem>>, %arg7: memref<400x128xf32, #tpu.memory_space<vmem>>, %arg8: memref<400x128xf32, #tpu.memory_space<vmem>>, %arg9: memref<400x128xf32, #tpu.memory_space<vmem>>) attributes {dimension_semantics = [#tpu.dimension_semantics<arbitrary>], iteration_bounds = array<i64: 25>, scalar_prefetch = 0 : i64, scratch_operands = 0 : i64, tpu.core_type = #tpu.core_type<tc>, window_params = [{transform_indices = @transform_0, window_bounds = array<i64: 400, 128>}, {transform_indices = @transform_1, window_bounds = array<i64: 400, 128>}, {transform_indices = @transform_2, window_bounds = array<i64: 400, 128>}, {transform_indices = @transform_3, window_bounds = array<i64: 400, 128>}, {transform_indices = @transform_4, window_bounds = array<i64: 7, 400, 128>}, {transform_indices = @transform_5, window_bounds = array<i64: 400, 128>}, {transform_indices = @transform_6, window_bounds = array<i64: 400, 128>}, {transform_indices = @transform_7, window_bounds = array<i64: 400, 128>}, {transform_indices = @transform_8, window_bounds = array<i64: 400, 128>}]} {
    %get3A = arith.constant 6 : index
    %get3A_0 = arith.constant 0 : index
    %get3A_1 = arith.constant 0 : index
    %get3A_2 = vector.load %arg5[%get3A, %get3A_0, %get3A_1] : memref<7x400x128xf32, #tpu.memory_space<vmem>>, vector<1x400x128xf32>
    %get3A_3 = vector.shape_cast %get3A_2 : vector<1x400x128xf32> to vector<400x128xf32>
    %max3A = arith.constant 1.000000e+00 : f32
    %max3A_4 = vector.broadcast %max3A : f32 to vector<400x128xf32>
    %max3A_5 = arith.maximumf %get3A_3, %max3A_4 : vector<400x128xf32>
    %get3A_6 = arith.constant 0 : index
    %get3A_7 = arith.constant 0 : index
    %get3A_8 = arith.constant 0 : index
    %get3A_9 = vector.load %arg5[%get3A_6, %get3A_7, %get3A_8] : memref<7x400x128xf32, #tpu.memory_space<vmem>>, vector<1x400x128xf32>
    %get3A_10 = vector.shape_cast %get3A_9 : vector<1x400x128xf32> to vector<400x128xf32>
    %div3A = arith.divf %get3A_10, %max3A_5 : vector<400x128xf32>
    %get3A_11 = arith.constant 1 : index
    %get3A_12 = arith.constant 0 : index
    %get3A_13 = arith.constant 0 : index
    %get3A_14 = vector.load %arg5[%get3A_11, %get3A_12, %get3A_13] : memref<7x400x128xf32, #tpu.memory_space<vmem>>, vector<1x400x128xf32>
    %get3A_15 = vector.shape_cast %get3A_14 : vector<1x400x128xf32> to vector<400x128xf32>
    %div3A_16 = arith.divf %get3A_15, %max3A_5 : vector<400x128xf32>
    %get3A_17 = arith.constant 2 : index
    %get3A_18 = arith.constant 0 : index
    %get3A_19 = arith.constant 0 : index
    %get3A_20 = vector.load %arg5[%get3A_17, %get3A_18, %get3A_19] : memref<7x400x128xf32, #tpu.memory_space<vmem>>, vector<1x400x128xf32>
    %get3A_21 = vector.shape_cast %get3A_20 : vector<1x400x128xf32> to vector<400x128xf32>
    %div3A_22 = arith.divf %get3A_21, %max3A_5 : vector<400x128xf32>
    %get3A_23 = arith.constant 3 : index
    %get3A_24 = arith.constant 0 : index
    %get3A_25 = arith.constant 0 : index
    %get3A_26 = vector.load %arg5[%get3A_23, %get3A_24, %get3A_25] : memref<7x400x128xf32, #tpu.memory_space<vmem>>, vector<1x400x128xf32>
    %get3A_27 = vector.shape_cast %get3A_26 : vector<1x400x128xf32> to vector<400x128xf32>
    %div3A_28 = arith.divf %get3A_27, %max3A_5 : vector<400x128xf32>
    %get3A_29 = arith.constant 4 : index
    %get3A_30 = arith.constant 0 : index
    %get3A_31 = arith.constant 0 : index
    %get3A_32 = vector.load %arg5[%get3A_29, %get3A_30, %get3A_31] : memref<7x400x128xf32, #tpu.memory_space<vmem>>, vector<1x400x128xf32>
    %get3A_33 = vector.shape_cast %get3A_32 : vector<1x400x128xf32> to vector<400x128xf32>
    %div3A_34 = arith.divf %get3A_33, %max3A_5 : vector<400x128xf32>
    %get3A_35 = arith.constant 5 : index
    %get3A_36 = arith.constant 0 : index
    %get3A_37 = arith.constant 0 : index
    %get3A_38 = vector.load %arg5[%get3A_35, %get3A_36, %get3A_37] : memref<7x400x128xf32, #tpu.memory_space<vmem>>, vector<1x400x128xf32>
    %get3A_39 = vector.shape_cast %get3A_38 : vector<1x400x128xf32> to vector<400x128xf32>
    %div3A_40 = arith.divf %get3A_39, %max3A_5 : vector<400x128xf32>
    %get3A_41 = arith.constant 0 : index
    %get3A_42 = arith.constant 0 : index
    %get3A_43 = vector.load %arg1[%get3A_41, %get3A_42] : memref<400x128xf32, #tpu.memory_space<vmem>>, vector<400x128xf32>
    %mul3A = arith.mulf %div3A, %div3A_28 : vector<400x128xf32>
    %add3A = arith.addf %get3A_43, %mul3A : vector<400x128xf32>
    %swap3A = arith.constant 0 : index
    %swap3A_44 = arith.constant 0 : index
    %swap3A_45 = vector.load %arg6[%swap3A, %swap3A_44] : memref<400x128xf32, #tpu.memory_space<vmem>>, vector<400x128xf32>
    tpu.vector_store %arg6[%swap3A, %swap3A_44], %add3A {strides = array<i32>} : memref<400x128xf32, #tpu.memory_space<vmem>>, vector<400x128xf32>,
    %get3A_46 = arith.constant 0 : index
    %get3A_47 = arith.constant 0 : index
    %get3A_48 = vector.load %arg2[%get3A_46, %get3A_47] : memref<400x128xf32, #tpu.memory_space<vmem>>, vector<400x128xf32>
    %mul3A_49 = arith.mulf %div3A_16, %div3A_28 : vector<400x128xf32>
    %add3A_50 = arith.addf %get3A_48, %mul3A_49 : vector<400x128xf32>
    %swap3A_51 = arith.constant 0 : index
    %swap3A_52 = arith.constant 0 : index
    %swap3A_53 = vector.load %arg7[%swap3A_51, %swap3A_52] : memref<400x128xf32, #tpu.memory_space<vmem>>, vector<400x128xf32>
    tpu.vector_store %arg7[%swap3A_51, %swap3A_52], %add3A_50 {strides = array<i32>} : memref<400x128xf32, #tpu.memory_space<vmem>>, vector<400x128xf32>,
    %get3A_54 = arith.constant 0 : index
    %get3A_55 = arith.constant 0 : index
    %get3A_56 = vector.load %arg3[%get3A_54, %get3A_55] : memref<400x128xf32, #tpu.memory_space<vmem>>, vector<400x128xf32>
    %mul3A_57 = arith.mulf %div3A_22, %div3A_28 : vector<400x128xf32>
    %add3A_58 = arith.addf %get3A_56, %mul3A_57 : vector<400x128xf32>
    %swap3A_59 = arith.constant 0 : index
    %swap3A_60 = arith.constant 0 : index
    %swap3A_61 = vector.load %arg8[%swap3A_59, %swap3A_60] : memref<400x128xf32, #tpu.memory_space<vmem>>, vector<400x128xf32>
    tpu.vector_store %arg8[%swap3A_59, %swap3A_60], %add3A_58 {strides = array<i32>} : memref<400x128xf32, #tpu.memory_space<vmem>>, vector<400x128xf32>,
    %mul3A_62 = arith.mulf %div3A, %div3A : vector<400x128xf32>
    %mul3A_63 = arith.mulf %div3A_16, %div3A_16 : vector<400x128xf32>
    %add3A_64 = arith.addf %mul3A_62, %mul3A_63 : vector<400x128xf32>
    %mul3A_65 = arith.mulf %div3A_22, %div3A_22 : vector<400x128xf32>
    %add3A_66 = arith.addf %add3A_64, %mul3A_65 : vector<400x128xf32>
    %get3A_67 = arith.constant 0 : index
    %get3A_68 = arith.constant 0 : index
    %get3A_69 = vector.load %arg4[%get3A_67, %get3A_68] : memref<400x128xf32, #tpu.memory_space<vmem>>, vector<400x128xf32>
    %add3A_70 = arith.constant 9.99999974E-6 : f32
    %add3A_71 = vector.broadcast %add3A_70 : f32 to vector<400x128xf32>
    %add3A_72 = arith.addf %add3A_66, %add3A_71 : vector<400x128xf32>
    %div3A_73 = arith.divf %add3A_66, %add3A_72 : vector<400x128xf32>
    %mul3A_74 = arith.mulf %div3A_73, %div3A_34 : vector<400x128xf32>
    %add3A_75 = arith.addf %get3A_69, %mul3A_74 : vector<400x128xf32>
    %add3A_76 = arith.addf %add3A_75, %div3A_40 : vector<400x128xf32>
    %swap3A_77 = arith.constant 0 : index
    %swap3A_78 = arith.constant 0 : index
    %swap3A_79 = vector.load %arg9[%swap3A_77, %swap3A_78] : memref<400x128xf32, #tpu.memory_space<vmem>>, vector<400x128xf32>
    tpu.vector_store %arg9[%swap3A_77, %swap3A_78], %add3A_76 {strides = array<i32>} : memref<400x128xf32, #tpu.memory_space<vmem>>, vector<400x128xf32>,
    return
  }
  func.func @transform_0(%arg0: i32) -> (i32, i32) {
    %c0_i32 = arith.constant 0 : i32
    %c0_i32_0 = arith.constant 0 : i32
    return %arg0, %c0_i32 : i32, i32
  }
  func.func @transform_1(%arg0: i32) -> (i32, i32) {
    %c0_i32 = arith.constant 0 : i32
    %c0_i32_0 = arith.constant 0 : i32
    return %arg0, %c0_i32 : i32, i32
  }
  func.func @transform_2(%arg0: i32) -> (i32, i32) {
    %c0_i32 = arith.constant 0 : i32
    %c0_i32_0 = arith.constant 0 : i32
    return %arg0, %c0_i32 : i32, i32
  }
  func.func @transform_3(%arg0: i32) -> (i32, i32) {
    %c0_i32 = arith.constant 0 : i32
    %c0_i32_0 = arith.constant 0 : i32
    return %arg0, %c0_i32 : i32, i32
  }
  func.func @transform_4(%arg0: i32) -> (i32, i32, i32) {
    %c0_i32 = arith.constant 0 : i32
    %c0_i32_0 = arith.constant 0 : i32
    %c0_i32_1 = arith.constant 0 : i32
    return %c0_i32, %arg0, %c0_i32_0 : i32, i32, i32
  }
  func.func @transform_5(%arg0: i32) -> (i32, i32) {
    %c0_i32 = arith.constant 0 : i32
    %c0_i32_0 = arith.constant 0 : i32
    return %arg0, %c0_i32 : i32, i32
  }
  func.func @transform_6(%arg0: i32) -> (i32, i32) {
    %c0_i32 = arith.constant 0 : i32
    %c0_i32_0 = arith.constant 0 : i32
    return %arg0, %c0_i32 : i32, i32
  }
  func.func @transform_7(%arg0: i32) -> (i32, i32) {
    %c0_i32 = arith.constant 0 : i32
    %c0_i32_0 = arith.constant 0 : i32
    return %arg0, %c0_i32 : i32, i32
  }
  func.func @transform_8(%arg0: i32) -> (i32, i32) {
    %c0_i32 = arith.constant 0 : i32
    %c0_i32_0 = arith.constant 0 : i32
    return %arg0, %c0_i32 : i32, i32
  }
}

</mosaic_0001>

<sc_bundles>
// kernel: kernel.12.cloned.1.call-start
scs
__scs_entry_jumppad:
0x0: {  	(pc) =	sbr.rel $0x88, $3  }
0x1: {  	(tag) =	ssettag $0x0;
	lr =	simm.s32 $0x1  }
0x2: {  	[smem:$0x3F93] =	sst lr;
	_ =	strace $0xD0000000  }
0x3: {  	_ = 	snop  }
0x4: {  	_ = 	snop  }
0x5: {  	_ = 	snop  }
0x6: {  	_ = 	snop  }
0x7: {  	_ = 	snop  }
__scs_overlays_trampoline_lowered:
0x8: {  	[smem:$0x3FA2] =	sst s0  }
0x9: {  	[smem:$0x3FA3] =	sst s1  }
0xa: {  	[smem:$0x3FA4] =	sst s2  }
0xb: {  	[smem:$0x3FA5] =	sst s3  }
0xc: {  	[smem:$0x3FA6] =	sst s4  }
0xd: {  	[smem:$0x3FA7] =	sst s5  }
0xe: {  	[smem:$0x3FA8] =	sst s6  }
0xf: {  	[smem:$0x3FA9] =	sst s7  }
0x10: {  	[smem:$0x3FAA] =	sst s8  }
0x11: {  	[smem:$0x3FAB] =	sst s9;
	s0 =	simm.s32 @!p0 $0x0  }
0x12: {  	s1 =	sld [smem:$0x3F91];
	s0 =	simm.s32 @p0 $0x1  }
0x13: {  	[smem:$0x3FAC] =	sst s0;
	s0 =	simm.s32 @!p1 $0x0  }
0x14: {  	s2 =	sld [smem:$0x3F90];
	s0 =	simm.s32 @p1 $0x1  }
0x15: {  	[smem:$0x3FAD] =	sst s0;
	s0 =	simm.s32 @!p2 $0x0  }
0x16: {  	s3 =	sld [smem:$0x3FDB];
	s0 =	simm.s32 @p2 $0x1  }
0x17: {  	s4 =	simm.s32 $0x1BF5;
	[smem:$0x3FAF] =	sst s0  }
0x18: {  	s0 =	sld [smem:$0x3F92];
	_ =	swait.ge [sflag:s4], $0x0  }
0x19: {  	s7 =	sld [smem:$0x3F93]  }
0x1a: {  	s8 =	sadd.s32 $0xFFFFE003, lr  }
0x1b: {  	s9 =	sadd.s32 $0xFFFFFEF7, lr;
	s5 =	simm.s32 $0xFFFFFFFF;
	p2 =	slt.u32 s8, $0xFFFFF086  }
0x1c: {  	p1 =	slt.u32 s9, $0xF7A;
	s5 =	simm.s32 @!p2 $0x0  }
0x1d: {  	s5 =	simm.s32 @p1 $0x1;
	p0 =	seq.s32 s7, s2  }
0x1e: {  	s7 =	smul.u32 @!p0 $0xF7A, s2;
	p2 =	seq.s32 @!p0 s5, $0x0  }
0x1f: {  	s9 =	smul.u32 $0xF7A, s1;
	s8 =	simm.s32 @!p0 $0x1BF5;
	p2 =	por !p2, p0  }
0x20: {  	[sflag:s8] =	ssyncset.s32 @!p0 $0xFFFFF086;
	s6 =	sadd.s32 @!p0 s3, s7;
	s7 =	simm.s32 @!p0 $0x108  }
0x21: {  	s3 =	sadd.s32 s3, s9;
	s6 =	sadd.s32 @!p0 $0x88, s6;
	s7 =	simm.s32 @p2 $0x1082  }
0x22: {  	[simem:s7], [sflag:s8] =	dma.local @!p0 [hbm:s6], $0xF7A  }
0x23: {  	s9 =	sor.u32 $0xD0000000, s2;
	s6 =	simm.s32 $0x108;
	_ =	swait.ge @!p0 [sflag:s8], $0x0  }
0x24: {  	s3 =	sadd.s32 $0x88, s3;
	s6 =	simm.s32 @!p1 $0x1082;
	[sflag:s4] =	ssyncset.s32 $0xFFFFF086  }
0x25: {  	[simem:s6], [sflag:s4] =	dma.local [hbm:s3], $0xF7A  }
0x26: {  	[smem:$0x3F93] =	sst s1;
	(tag) =	ssettag s2;
	_ =	strace s9  }
0x27: {  	s1 =	sld [smem:$0x3FA3]  }
0x28: {  	s2 =	sld [smem:$0x3FA4]  }
0x29: {  	s4 =	sld [smem:$0x3FA6]  }
0x2a: {  	p0 =	seq.s32 s5, $0x0;
	s5 =	sld [smem:$0x3FA7]  }
0x2b: {  	s6 =	sld [smem:$0x3FA8]  }
0x2c: {  	s7 =	sld [smem:$0x3FA9]  }
0x2d: {  	s3 =	simm.s32 $0x108;
	s8 =	sld [smem:$0x3FAA]  }
0x2e: {  	s3 =	simm.s32 @!p0 $0x1082;
	s9 =	sld [smem:$0x3FAB]  }
0x2f: {  	lr =	sadd.s32 s0, s3;
	s0 =	sld [smem:$0x3FA2]  }
0x30: {  	s3 =	sld [smem:$0x3FA5]  }
0x31: {  	[smem:$0x3FAE] =	sst s10  }
0x32: {  	s10 =	sld [smem:$0x3FAC];
	_ =	sdelay $0x3  }
0x33: {  	p0 =	seq.s32 s10, $0x1;
	s10 =	sld [smem:$0x3FAE];
	_ =	sdelay $0x3  }
0x34: {  	[smem:$0x3FAE] =	sst s10  }
0x35: {  	s10 =	sld [smem:$0x3FAD];
	_ =	sdelay $0x3  }
0x36: {  	p1 =	seq.s32 s10, $0x1;
	s10 =	sld [smem:$0x3FAE];
	_ =	sdelay $0x3  }
0x37: {  	[smem:$0x3FAE] =	sst s10  }
0x38: {  	s10 =	sld [smem:$0x3FAF]  }
0x39: {  	_ = 	snop;
	(pc) =	sbr.ind lr, $3  }
0x3a: {  	_ = 	snop  }
0x3b: {  	_ = 	snop  }
0x3c: {  	p2 =	seq.s32 s10, $0x1;
	s10 =	sld [smem:$0x3FAE]  }
0x3d: {  	_ =	shalt  }
0x3e: {  	_ =	shalt  }
0x3f: {  	_ =	shalt  }
0x40: {  	_ =	shalt  }
0x41: {  	_ =	shalt  }
0x42: {  	_ =	shalt  }
0x43: {  	_ =	shalt  }
0x44: {  	_ =	shalt  }
0x45: {  	_ =	shalt  }
0x46: {  	_ =	shalt  }
0x47: {  	_ =	shalt  }
0x48: {  	_ =	shalt  }
0x49: {  	_ =	shalt  }
0x4a: {  	_ =	shalt  }
0x4b: {  	_ =	shalt  }
0x4c: {  	_ =	shalt  }
0x4d: {  	_ =	shalt  }
0x4e: {  	_ =	shalt  }
0x4f: {  	_ =	shalt  }
0x50: {  	_ =	shalt  }
0x51: {  	_ =	shalt  }
0x52: {  	_ =	shalt  }
0x53: {  	_ =	shalt  }
0x54: {  	_ =	shalt  }
0x55: {  	_ =	shalt  }
0x56: {  	_ =	shalt  }
0x57: {  	_ =	shalt  }
0x58: {  	_ =	shalt  }
0x59: {  	_ =	shalt  }
0x5a: {  	_ =	shalt  }
0x5b: {  	_ =	shalt  }
0x5c: {  	_ =	shalt  }
0x5d: {  	_ =	shalt  }
0x5e: {  	_ =	shalt  }
0x5f: {  	_ =	shalt  }
0x60: {  	_ =	shalt  }
0x61: {  	_ =	shalt  }
0x62: {  	_ =	shalt  }
0x63: {  	_ =	shalt  }
0x64: {  	_ =	shalt  }
0x65: {  	_ =	shalt  }
0x66: {  	_ =	shalt  }
0x67: {  	_ =	shalt  }
0x68: {  	_ =	shalt  }
0x69: {  	_ =	shalt  }
0x6a: {  	_ =	shalt  }
0x6b: {  	_ =	shalt  }
0x6c: {  	_ =	shalt  }
0x6d: {  	_ =	shalt  }
0x6e: {  	_ =	shalt  }
0x6f: {  	_ =	shalt  }
0x70: {  	_ =	shalt  }
0x71: {  	_ =	shalt  }
0x72: {  	_ =	shalt  }
0x73: {  	_ =	shalt  }
0x74: {  	_ =	shalt  }
0x75: {  	_ =	shalt  }
0x76: {  	_ =	shalt  }
0x77: {  	_ =	shalt  }
0x78: {  	_ =	shalt  }
0x79: {  	_ =	shalt  }
0x7a: {  	_ =	shalt  }
0x7b: {  	_ =	shalt  }
0x7c: {  	_ =	shalt  }
0x7d: {  	_ =	shalt  }
0x7e: {  	_ =	shalt  }
0x7f: {  	_ =	shalt  }
0x80: {  	_ =	shalt  }
0x81: {  	_ =	shalt  }
0x82: {  	_ =	shalt  }
0x83: {  	_ =	shalt  }
0x84: {  	_ =	shalt  }
0x85: {  	_ =	shalt  }
0x86: {  	_ =	shalt  }
0x87: {  	_ =	shalt  }
.Lfunc_end0:
.L_simem_size_0:
called_computation.1_lowered:
.L_overlay_start_0:
0x88: {  	s2 =	sld [smem:$0x3FD9]  }
0x89: {  	s3 =	sld [smem:$0x3FFE];
	_ =	sdelay $0x1  }
0x8a: {  	s1 =	srdreg.scid  }
0x8b: {  	s0 =	sand.u32 $0x1, s1  }
0x8c: {  	s16 =	sshll.u32 s0, $0xA;
	s2 =	sadd.s32 s3, s2  }
0x8d: {  	s2 =	sadd.s32 s2, s16  }
0x8e: {  	[smem:$0x3FBA] =	sst s2  }
0x8f: {  	_ = 	snop  }
0x90: {  	(tm) =	ssettm $0x1  }
0x91: {  	s17 =	sld [smem:$0x3FFB];
	_ =	sdelay $0x3  }
0x92: {  	_ =	strace s17  }
0x93: {  	s2 =	sld [smem:$0x3FFC];
	_ =	sdelay $0x3  }
0x94: {  	_ =	strace s2  }
0x95: {  	s2 =	sld [smem:$0x3FFD];
	_ =	sdelay $0x3  }
0x96: {  	_ =	strace s2  }
0x97: {  	_ =	strace $0x8FFFFFFF  }
0x98: {  	s18 =	sld [smem:$0x3FDB];
	_ =	sdelay $0x1  }
0x99: {  	s19 =	simm.s32 $_scs_section_size  }
0x9a: {  	s4 =	simm.s32 $_size__tile_overlayer_lowered;
	s5 =	simm.s32 $_tile_overlayer_lowered  }
0x9b: {  	s22 =	simm.s32 $0x1BFF;
	s21 =	sshll.u32 s5, $0x1;
	s2 =	sadd.s32 s19, s18  }
0x9c: {  	s6 =	simm.s32 $0x0;
	s20 =	sshll.u32 s4, $0x1;
	s4 =	sadd.s32 s21, s2  }
0x9d: {  	[timem:s6], [sflag:s22] =	dma.local [hbm:s4], s20  }
0x9e: {  	_ =	swait.ge [sflag:s22], s20  }
0x9f: {  	s3 =	ssub.s32 $0x0, s20;
	[sflag:s22] =	ssyncset.done $0x0  }
0xa0: {  	[sflag:s22] =	ssyncadd.s32 s3;
	_ =	sdelay $0x1  }
0xa1: {  	s23 =	simm.s32 $0x1B8B  }
0xa2: {  	_ =	swait.ge [sflag:s23], $0x1  }
0xa3: {  	[sflag:s23] =	ssyncset.done $0x0  }
0xa4: {  	s25 =	simm.s32 $0x1B8E;
	s24 =	sld [smem:$0x3FFE];
	[sflag:s23] =	ssyncadd.s32 $0xFFFFFFFF  }
0xa5: {  	s26 =	simm.s32 $execute0_lowered;
	[smem:$0x3FD2] =	sst s25  }
0xa6: {  	s4 =	sshll.u32 s26, $0x1;
	_ =	strace $0x80000049;
	[dreg:$0x1] =	wrdreg $0xFFFFFFFF  }
0xa7: {  	s28 =	simm.s32 $_size_execute0_lowered;
	s2 =	sadd.s32 s2, s4;
	[dreg:$0x0] =	wrdreg $0x0  }
0xa8: {  	s4 =	sshll.u32 s28, $0x1;
	[dreg:$0x2] =	wrdreg s2  }
0xa9: {  	[dreg:$0x3] =	wrdreg s4  }
0xaa: {  	[dreg:$0x4] =	wrdreg $0xC0  }
0xab: {  	_ =	task [dreg:s6], $0x5FFFF  }
0xac: {  	[dreg:$0x1] =	wrdreg $0xFFFFFFFF  }
0xad: {  	[dreg:$0x0] =	wrdreg $0x60  }
0xae: {  	[dreg:$0x2] =	wrdreg s24  }
0xaf: {  	[dreg:$0x3] =	wrdreg $0x40800  }
0xb0: {  	[dreg:$0x4] =	wrdreg $0x9  }
0xb1: {  	_ =	task.clear_ibuf [dreg:s6], $0x5FFFF;
	_ =	strace $0x90000049  }
0xb2: {  	s29 =	simm.s32 $0x9;
	_ =	strace $0x8000004B  }
0xb3: {  	_ =	swait.ge [sflag:s29], $0x1  }
0xb4: {  	[sflag:s29] =	ssyncadd.s32 $0xFFFFFFFF  }
0xb5: {  	_ =	strace $0x9000004B  }
0xb6: {  	_ =	sfence  }
0xb7: {  	s30 =	sld [smem:$0x0];
	_ =	sdelay $0x2  }
0xb8: {  	s31 =	sshll.u32 s1, $0xD;
	s1 =	sshrl.u32 s1, $0x2  }
0xb9: {  	s3 =	sand.u32 $0x4000, s31;
	s1 =	sadd.s32 s1, s30  }
0xba: {  	s0 =	sor.u32 s3, s0;
	s1 =	sshll.u32 s1, $0x11  }
0xbb: {  	s0 =	sor.u32 s1, s0  }
0xbc: {  	s0 =	sadd.s32 $0x8F2B, s0  }
0xbd: {  	[sflag:s0] =	ssyncadd.remote.s32 $0x1  }
0xbe: {  	_ =	sfence.sel $0xFFFF  }
0xbf: {  	[dreg:$0x0] =	wrdreg $0xFFFFFFFF;
	(pc) =	sbr.abs _section_cstart, $3  }
0xc0: {  	[dreg:$0x1] =	wrdreg $0xFFFFFFFF  }
0xc1: {  	_ =	task.clear_ibuf [dreg:s6], $0x2FFFF;
	_ =	strace $0x9FFFFFFF  }
0xc2: {  	(tm) =	ssettm $0x7FFFFFFF  }
0xc3: {  	_ =	shalt  }
tec
execute0_lowered:
.L_overlay_start_1:
0x0: {  	(tag) =	ssettag $0x1  }
0x1: {  	s0 =	rddreg [dreg:$0x0]  }
0x2: {  	s1 =	rddreg [dreg:$0x1];
	s2 =	srdreg.scid;
	s3 =	simm.s32 $0x0  }
0x3: {  	s25 =	stileid.u32;
	s28 =	simm.s32 $0x2;
	s29 =	simm.s32 $0x0  }
0x4: {  	s2 =	sand.u32 $0x1, s2;
	[smem:$0x7FF] =	sst s3;
	s5 =	smul.u32 $0x500, s25  }
0x5: {  	s14 =	sshll.u32 s25, $0xE;
	s30 =	sshll.u32 s25, $0x6;
	p0 =	seq.s32 s25, $0xF  }
0x6: {  	s4 =	smul.u32 $0x500000, s2;
	_ =	strace $0x8000004A;
	s6 =	ssub.s32 $0x2, s2  }
0x7: {  	s13 =	smul.u32 $0x278000, s2;
	s2 =	sshllo.u32 s2, $0x1;
	s17 =	sor.u32 $0x40000, s14  }
0x8: {  	s18 =	sor.u32 $0x80000, s14;
	s19 =	sor.u32 $0xC0000, s14;
	s20 =	sor.u32 $0x100000, s14  }
0x9: {  	s5 =	sadd.s32 s5, s0;
	s7 =	sshrl.u32 s6, $0x1;
	s2 =	smul.u32 $0x13C000, s2  }
0xa: {  	s8 =	sadd.s32 s17, s1;
	s9 =	sadd.s32 s18, s1;
	s10 =	sadd.s32 s19, s1  }
0xb: {  	s11 =	sadd.s32 s20, s1;
	s12 =	sadd.s32 s4, s0;
	s4 =	sadd.s32 $0x126EA00, s0  }
0xc: {  	s0 =	sadd.s32 $0x126F200, s0;
	s6 =	ssub.s32 s6, s7;
	s7 =	sor.u32 $0x1C01, s30  }
0xd: {  	s15 =	sadd.s32 s13, s14;
	s16 =	sadd.s32 s13, s17;
	s21 =	sadd.s32 s13, s19  }
0xe: {  	s6 =	smax.u32 s6, $0x1;
	s15 =	sshrl.u32 s15, $0x3;
	s16 =	sshrl.u32 s16, $0x3  }
0xf: {  	s22 =	sshrl.u32 s21, $0x3;
	s23 =	sadd.s32 s2, s14;
	s24 =	sadd.s32 s2, s17  }
0x10: {  	s21 =	sadd.s32 s2, s19;
	[dreg:$0x3] =	wrdreg s6;
	s6 =	sadd.s32 s14, s1  }
0x11: {  	s15 =	sadd.s32 s0, s15;
	s31 =	sadd.s32 s0, s16;
	s16 =	sadd.s32 s13, s18  }
0x12: {  	s13 =	sadd.s32 s13, s20;
	s18 =	sadd.s32 s2, s18;
	[dreg:$0x4] =	wrdreg s15  }
0x13: {  	s26 =	sshrl.u32 s24, $0x3;
	s2 =	sadd.s32 s2, s20;
	[dreg:$0x5] =	wrdreg s31  }
0x14: {  	s15 =	sshrl.u32 s16, $0x3;
	s13 =	sshrl.u32 s13, $0x3;
	s30 =	sshrl.u32 s18, $0x3  }
0x15: {  	s18 =	sadd.s32 s0, s26;
	s31 =	sshrl.u32 s21, $0x3;
	s2 =	sshrl.u32 s2, $0x3  }
0x16: {  	s26 =	simm.s32 $0x80;
	s15 =	sadd.s32 s0, s15;
	s13 =	sadd.s32 s0, s13  }
0x17: {  	s19 =	sadd.s32 s0, s30;
	s20 =	sadd.s32 s0, s31;
	s21 =	sadd.s32 s0, s2  }
0x18: {  	[dreg:$0x6] =	wrdreg s15;
	s15 =	sadd.s32 s0, s22;
	s22 =	smul.u32 $0x28000, s25  }
0x19: {  	[dreg:$0x8] =	wrdreg s13;
	s13 =	sshrl.u32 s23, $0x3;
	s25 =	simm.s32 $0x1  }
0x1a: {  	[dreg:$0x7] =	wrdreg s15;
	s12 =	sadd.s32 s22, s12;
	s22 =	sadd.s32 $0x1269A00, s5  }
0x1b: {  	s17 =	sadd.s32 s0, s13;
	s23 =	sadd.s32 $0x19EEA00, s12;
	s24 =	sadd.s32 $0x1C6EA00, s12  }
.LBB2_1:
0x1c: {  	s30 =	sshrl.u32 s6, $0x3  }
0x1d: {  	[spmem:s30], [sflag:s7] =	dma.local [hbm:s4], $0x800  }
0x1e: {  	_ =	swait.ge [sflag:s25], $0x800  }
0x1f: {  	[sflag:s25] =	ssyncset.done $0x0  }
0x20: {  	s31 =	sshrl.u32 s8, $0x3;
	[sflag:s25] =	ssyncadd.s32 $0xFFFFF800  }
0x21: {  	[spmem:s31], [sflag:s7] =	dma.local [hbm:s4], $0x800  }
0x22: {  	_ =	swait.ge [sflag:s25], $0x800  }
0x23: {  	[sflag:s25] =	ssyncset.done $0x0  }
0x24: {  	s0 =	sshrl.u32 s9, $0x3;
	[sflag:s25] =	ssyncadd.s32 $0xFFFFF800  }
0x25: {  	[spmem:s0], [sflag:s7] =	dma.local [hbm:s4], $0x800  }
0x26: {  	_ =	swait.ge [sflag:s25], $0x800  }
0x27: {  	[sflag:s25] =	ssyncset.done $0x0  }
0x28: {  	s2 =	sshrl.u32 s10, $0x3;
	[sflag:s25] =	ssyncadd.s32 $0xFFFFF800  }
0x29: {  	[spmem:s2], [sflag:s7] =	dma.local [hbm:s4], $0x800  }
0x2a: {  	_ =	swait.ge [sflag:s25], $0x800  }
0x2b: {  	[sflag:s25] =	ssyncset.done $0x0  }
0x2c: {  	s5 =	sshrl.u32 @!p0 s11, $0x3;
	s12 =	simm.s32 @!p0 $0x1;
	[sflag:s25] =	ssyncadd.s32 $0xFFFFF800  }
0x2d: {  	[spmem:s5], [sflag:s7] =	dma.local @!p0 [hbm:s4], $0x800  }
0x2e: {  	_ =	swait.ge @!p0 [sflag:s12], $0x800  }
0x2f: {  	[sflag:s12] =	ssyncset.done @!p0 $0x0  }
0x30: {  	[sflag:s12] =	ssyncadd.s32 @!p0 $0xFFFFF800  }
0x31: {  	s16 =	sadd.s32 $0x0, s22;
	[bflag:$0x0] =	sbarrier.arrive $0xFFFF  }
0x32: {  	[tilespmem:s3], [sflag:$0x1] =	stream.linear.gather [hbm4b:s16+s3], $0x80, $0x38;
	[tilespmem:$0x17C80] =	vst v63  }
0x33: {  	_ =	swait.ge [sflag:s25], $0x80  }
0x34: {  	[sflag:s25] =	ssyncset.done $0x0  }
0x35: {  	[sflag:s25] =	ssyncadd.s32 $0xFFFFFF80  }
0x36: {  	[tilespmem:s26], [sflag:$0x1] =	stream.linear.gather [hbm4b:s23+s3], $0x4000, $0x38;
	[tilespmem:$0x17C80] =	vst v63  }
0x37: {  	_ =	swait.ge [sflag:s25], $0x4000  }
0x38: {  	[sflag:s25] =	ssyncset.done $0x0  }
0x39: {  	[sflag:s25] =	ssyncadd.s32 $0xFFFFC000  }
0x3a: {  	[spmem:s1] =	stream.indirect.scatter.add.f32 [tilespmem:s26], [sflag:$0x1], $0x80, s3, s26, $0xb8;
	[tilespmem:$0x17C80] =	vst v63  }
0x3b: {  	s13 =	simm.s32 $0x10;
	_ =	swait.ge [sflag:s25], $0x4000  }
0x3c: {  	s14 =	simm.s32 $0x20;
	s12 =	sadd.s32 $0x800, s23;
	[sflag:s25] =	ssyncset.done $0x0  }
.LBB2_2:
0x3d: {  	s15 =	sadd.s32 s13, s22  }
0x3e: {  	[sflag:s25] =	ssyncadd.s32 $0xFFFFC000;
	s13 =	smov.u32 s14;
	s16 =	sadd.s32 $0x10, s14  }
0x3f: {  	[tilespmem:s3], [sflag:$0x1] =	stream.linear.gather [hbm4b:s15+s3], $0x80, $0x38;
	[tilespmem:$0x17C80] =	vst v63  }
0x40: {  	p1 =	sne.s32 s14, $0x4F0;
	_ =	swait.ge [sflag:s25], $0x80  }
0x41: {  	[sflag:s25] =	ssyncset.done $0x0  }
0x42: {  	[sflag:s25] =	ssyncadd.s32 $0xFFFFFF80  }
0x43: {  	[tilespmem:s26], [sflag:$0x1] =	stream.linear.gather [hbm4b:s12+s3], $0x4000, $0x38;
	[tilespmem:$0x17C80] =	vst v63  }
0x44: {  	_ =	swait.ge [sflag:s25], $0x4000  }
.Ltmp0:
0x45: {  	[sflag:s25] =	ssyncset.done $0x0;
	(pc) =	sbr.rel @p1 .LBB2_2-.Ltmp0, $4  }
0x46: {  	[sflag:s25] =	ssyncadd.s32 $0xFFFFC000  }
0x47: {  	[spmem:s1] =	stream.indirect.scatter.add.f32 [tilespmem:s26], [sflag:$0x1], $0x80, s3, s26, $0xb8;
	[tilespmem:$0x17C80] =	vst v63  }
0x48: {  	_ =	swait.ge [sflag:s25], $0x4000  }
0x49: {  	s14 =	smov.u32 s16;
	s12 =	sadd.s32 $0x800, s12;
	[sflag:s25] =	ssyncset.done $0x0  }
0x4a: {  	s13 =	sadd.s32 s13, s22;
	[sflag:s25] =	ssyncadd.s32 $0xFFFFC000  }
0x4b: {  	[tilespmem:s3], [sflag:$0x1] =	stream.linear.gather [hbm4b:s13+s3], $0x80, $0x38;
	[tilespmem:$0x17C80] =	vst v63  }
0x4c: {  	_ =	swait.ge [sflag:s25], $0x80  }
0x4d: {  	[sflag:s25] =	ssyncset.done $0x0  }
0x4e: {  	[sflag:s25] =	ssyncadd.s32 $0xFFFFFF80  }
0x4f: {  	[tilespmem:s26], [sflag:$0x1] =	stream.linear.gather [hbm4b:s12+s3], $0x4000, $0x38;
	[tilespmem:$0x17C80] =	vst v63  }
0x50: {  	_ =	swait.ge [sflag:s25], $0x4000  }
0x51: {  	[sflag:s25] =	ssyncset.done $0x0  }
0x52: {  	[sflag:s25] =	ssyncadd.s32 $0xFFFFC000  }
0x53: {  	[spmem:s1] =	stream.indirect.scatter.add.f32 [tilespmem:s26], [sflag:$0x1], $0x80, s3, s26, $0xb8;
	[tilespmem:$0x17C80] =	vst v63  }
0x54: {  	_ =	swait.ge [sflag:s25], $0x4000  }
0x55: {  	[sflag:s25] =	ssyncset.done $0x0  }
0x56: {  	[sflag:s25] =	ssyncadd.s32 $0xFFFFC000  }
0x57: {  	[bflag:$0x0] =	sbarrier.arrive $0xFFFF  }
0x58: {  	[tilespmem:s26], [sflag:$0x2] =	stream.linear.gather [spmem:s6], $0x4000, $0x38;
	[tilespmem:$0x17C80] =	vst v63  }
0x59: {  	_ =	swait.ge [sflag:s28], $0x4000  }
0x5a: {  	[sflag:s28] =	ssyncset.done $0x0  }
0x5b: {  	s13 =	rddreg [dreg:$0x4];
	[sflag:s28] =	ssyncadd.s32 $0xFFFFC000  }
0x5c: {  	[hbm4b:s13+s3] =	stream.linear.scatter [tilespmem:s26], [sflag:$0x1], $0x4000, $0x38;
	[tilespmem:$0x17C80] =	vst v63  }
0x5d: {  	_ =	swait.ge [sflag:s25], $0x4000  }
0x5e: {  	[sflag:s25] =	ssyncset.done $0x0  }
0x5f: {  	[sflag:s25] =	ssyncadd.s32 $0xFFFFC000  }
0x60: {  	[tilespmem:s26], [sflag:$0x2] =	stream.linear.gather [spmem:s8], $0x4000, $0x38;
	[tilespmem:$0x17C80] =	vst v63  }
0x61: {  	_ =	swait.ge [sflag:s28], $0x4000  }
0x62: {  	[sflag:s28] =	ssyncset.done $0x0  }
0x63: {  	s14 =	rddreg [dreg:$0x5];
	[sflag:s28] =	ssyncadd.s32 $0xFFFFC000  }
0x64: {  	[hbm4b:s14+s3] =	stream.linear.scatter [tilespmem:s26], [sflag:$0x1], $0x4000, $0x38;
	[tilespmem:$0x17C80] =	vst v63  }
0x65: {  	_ =	swait.ge [sflag:s25], $0x4000  }
0x66: {  	[sflag:s25] =	ssyncset.done $0x0  }
0x67: {  	[sflag:s25] =	ssyncadd.s32 $0xFFFFC000  }
0x68: {  	[tilespmem:s26], [sflag:$0x2] =	stream.linear.gather [spmem:s9], $0x4000, $0x38;
	[tilespmem:$0x17C80] =	vst v63  }
0x69: {  	_ =	swait.ge [sflag:s28], $0x4000  }
0x6a: {  	[sflag:s28] =	ssyncset.done $0x0  }
0x6b: {  	s15 =	rddreg [dreg:$0x6];
	[sflag:s28] =	ssyncadd.s32 $0xFFFFC000  }
0x6c: {  	[hbm4b:s15+s3] =	stream.linear.scatter [tilespmem:s26], [sflag:$0x1], $0x4000, $0x38;
	[tilespmem:$0x17C80] =	vst v63  }
0x6d: {  	_ =	swait.ge [sflag:s25], $0x4000  }
0x6e: {  	[sflag:s25] =	ssyncset.done $0x0  }
0x6f: {  	[sflag:s25] =	ssyncadd.s32 $0xFFFFC000  }
0x70: {  	[tilespmem:s26], [sflag:$0x2] =	stream.linear.gather [spmem:s10], $0x4000, $0x38;
	[tilespmem:$0x17C80] =	vst v63  }
0x71: {  	_ =	swait.ge [sflag:s28], $0x4000  }
0x72: {  	[sflag:s28] =	ssyncset.done $0x0  }
0x73: {  	s16 =	rddreg [dreg:$0x7];
	[sflag:s28] =	ssyncadd.s32 $0xFFFFC000  }
0x74: {  	[hbm4b:s16+s3] =	stream.linear.scatter [tilespmem:s26], [sflag:$0x1], $0x4000, $0x38;
	[tilespmem:$0x17C80] =	vst v63  }
0x75: {  	_ =	swait.ge [sflag:s25], $0x4000  }
0x76: {  	[sflag:s25] =	ssyncset.done $0x0  }
0x77: {  	s12 =	simm.s32 @!p0 $0x80;
	s13 =	simm.s32 @!p0 $0x2;
	[sflag:s25] =	ssyncadd.s32 $0xFFFFC000  }
0x78: {  	[tilespmem:s12], [sflag:$0x2] =	stream.linear.gather @!p0 [spmem:s11], $0x4000, $0x38;
	[tilespmem:$0x17C80] =	vst v63  }
0x79: {  	_ =	swait.ge @!p0 [sflag:s13], $0x4000  }
0x7a: {  	[sflag:s13] =	ssyncset.done @!p0 $0x0  }
0x7b: {  	s14 =	rddreg [dreg:$0x8];
	[sflag:s13] =	ssyncadd.s32 @!p0 $0xFFFFC000;
	s13 =	simm.s32 @!p0 $0x0  }
0x7c: {  	[hbm4b:s14+s13] =	stream.linear.scatter @!p0 [tilespmem:s12], [sflag:$0x1], $0x4000, $0x38;
	[tilespmem:$0x17C80] =	vst v63  }
0x7d: {  	s12 =	simm.s32 @!p0 $0x1  }
0x7e: {  	_ =	swait.ge @!p0 [sflag:s12], $0x4000  }
0x7f: {  	[sflag:s12] =	ssyncset.done @!p0 $0x0  }
0x80: {  	[sflag:s12] =	ssyncadd.s32 @!p0 $0xFFFFC000  }
0x81: {  	[bflag:$0x0] =	sbarrier.arrive $0xFFFF  }
0x82: {  	[spmem:s30], [sflag:s7] =	dma.local [hbm:s4], $0x800  }
0x83: {  	_ =	swait.ge [sflag:s25], $0x800  }
0x84: {  	[sflag:s25] =	ssyncset.done $0x0  }
0x85: {  	[sflag:s25] =	ssyncadd.s32 $0xFFFFF800  }
0x86: {  	[spmem:s31], [sflag:s7] =	dma.local [hbm:s4], $0x800  }
0x87: {  	_ =	swait.ge [sflag:s25], $0x800  }
0x88: {  	[sflag:s25] =	ssyncset.done $0x0  }
0x89: {  	[sflag:s25] =	ssyncadd.s32 $0xFFFFF800  }
0x8a: {  	[spmem:s0], [sflag:s7] =	dma.local [hbm:s4], $0x800  }
0x8b: {  	_ =	swait.ge [sflag:s25], $0x800  }
0x8c: {  	[sflag:s25] =	ssyncset.done $0x0  }
0x8d: {  	[sflag:s25] =	ssyncadd.s32 $0xFFFFF800  }
0x8e: {  	[spmem:s2], [sflag:s7] =	dma.local [hbm:s4], $0x800  }
0x8f: {  	_ =	swait.ge [sflag:s25], $0x800  }
0x90: {  	[sflag:s25] =	ssyncset.done $0x0  }
0x91: {  	[sflag:s25] =	ssyncadd.s32 $0xFFFFF800  }
0x92: {  	[spmem:s5], [sflag:s7] =	dma.local @!p0 [hbm:s4], $0x800  }
0x93: {  	_ =	swait.ge @!p0 [sflag:s12], $0x800  }
0x94: {  	[sflag:s12] =	ssyncset.done @!p0 $0x0  }
0x95: {  	[sflag:s12] =	ssyncadd.s32 @!p0 $0xFFFFF800  }
0x96: {  	s31 =	sadd.s32 $0x0, s22;
	[bflag:$0x0] =	sbarrier.arrive $0xFFFF  }
0x97: {  	[tilespmem:s3], [sflag:$0x1] =	stream.linear.gather [hbm4b:s31+s3], $0x80, $0x38;
	[tilespmem:$0x17C80] =	vst v63  }
0x98: {  	_ =	swait.ge [sflag:s25], $0x80  }
0x99: {  	[sflag:s25] =	ssyncset.done $0x0  }
0x9a: {  	[sflag:s25] =	ssyncadd.s32 $0xFFFFFF80  }
0x9b: {  	[tilespmem:s26], [sflag:$0x1] =	stream.linear.gather [hbm4b:s24+s3], $0x4000, $0x38;
	[tilespmem:$0x17C80] =	vst v63  }
0x9c: {  	_ =	swait.ge [sflag:s25], $0x4000  }
0x9d: {  	[sflag:s25] =	ssyncset.done $0x0  }
0x9e: {  	[sflag:s25] =	ssyncadd.s32 $0xFFFFC000  }
0x9f: {  	[spmem:s1] =	stream.indirect.scatter.add.f32 [tilespmem:s26], [sflag:$0x1], $0x80, s3, s26, $0xb8;
	[tilespmem:$0x17C80] =	vst v63  }
0xa0: {  	s0 =	sadd.s32 $0x800, s24;
	_ =	swait.ge [sflag:s25], $0x4000  }
0xa1: {  	s2 =	simm.s32 $0x10;
	s5 =	simm.s32 $0x20;
	[sflag:s25] =	ssyncset.done $0x0  }
.LBB2_4:
0xa2: {  	s12 =	sadd.s32 s2, s22  }
0xa3: {  	[sflag:s25] =	ssyncadd.s32 $0xFFFFC000;
	s2 =	smov.u32 s5;
	s13 =	sadd.s32 $0x10, s5  }
0xa4: {  	[tilespmem:s3], [sflag:$0x1] =	stream.linear.gather [hbm4b:s12+s3], $0x80, $0x38;
	[tilespmem:$0x17C80] =	vst v63  }
0xa5: {  	p1 =	sne.s32 s5, $0x4F0;
	_ =	swait.ge [sflag:s25], $0x80  }
0xa6: {  	[sflag:s25] =	ssyncset.done $0x0  }
0xa7: {  	[sflag:s25] =	ssyncadd.s32 $0xFFFFFF80  }
0xa8: {  	[tilespmem:s26], [sflag:$0x1] =	stream.linear.gather [hbm4b:s0+s3], $0x4000, $0x38;
	[tilespmem:$0x17C80] =	vst v63  }
0xa9: {  	_ =	swait.ge [sflag:s25], $0x4000  }
.Ltmp1:
0xaa: {  	[sflag:s25] =	ssyncset.done $0x0;
	(pc) =	sbr.rel @p1 .LBB2_4-.Ltmp1, $4  }
0xab: {  	[sflag:s25] =	ssyncadd.s32 $0xFFFFC000  }
0xac: {  	[spmem:s1] =	stream.indirect.scatter.add.f32 [tilespmem:s26], [sflag:$0x1], $0x80, s3, s26, $0xb8;
	[tilespmem:$0x17C80] =	vst v63  }
0xad: {  	_ =	swait.ge [sflag:s25], $0x4000  }
0xae: {  	s5 =	smov.u32 s13;
	s0 =	sadd.s32 $0x800, s0;
	[sflag:s25] =	ssyncset.done $0x0  }
0xaf: {  	s2 =	sadd.s32 s2, s22;
	[sflag:s25] =	ssyncadd.s32 $0xFFFFC000  }
0xb0: {  	[tilespmem:s3], [sflag:$0x1] =	stream.linear.gather [hbm4b:s2+s3], $0x80, $0x38;
	[tilespmem:$0x17C80] =	vst v63  }
0xb1: {  	_ =	swait.ge [sflag:s25], $0x80  }
0xb2: {  	[sflag:s25] =	ssyncset.done $0x0  }
0xb3: {  	[sflag:s25] =	ssyncadd.s32 $0xFFFFFF80  }
0xb4: {  	[tilespmem:s26], [sflag:$0x1] =	stream.linear.gather [hbm4b:s0+s3], $0x4000, $0x38;
	[tilespmem:$0x17C80] =	vst v63  }
0xb5: {  	_ =	swait.ge [sflag:s25], $0x4000  }
0xb6: {  	[sflag:s25] =	ssyncset.done $0x0  }
0xb7: {  	[sflag:s25] =	ssyncadd.s32 $0xFFFFC000  }
0xb8: {  	[spmem:s1] =	stream.indirect.scatter.add.f32 [tilespmem:s26], [sflag:$0x1], $0x80, s3, s26, $0xb8;
	[tilespmem:$0x17C80] =	vst v63  }
0xb9: {  	_ =	swait.ge [sflag:s25], $0x4000  }
0xba: {  	[sflag:s25] =	ssyncset.done $0x0  }
0xbb: {  	[sflag:s25] =	ssyncadd.s32 $0xFFFFC000  }
0xbc: {  	[bflag:$0x0] =	sbarrier.arrive $0xFFFF  }
0xbd: {  	[tilespmem:s26], [sflag:$0x2] =	stream.linear.gather [spmem:s6], $0x4000, $0x38;
	[tilespmem:$0x17C80] =	vst v63  }
0xbe: {  	_ =	swait.ge [sflag:s28], $0x4000  }
0xbf: {  	[sflag:s28] =	ssyncset.done $0x0  }
0xc0: {  	[sflag:s28] =	ssyncadd.s32 $0xFFFFC000  }
0xc1: {  	[hbm4b:s17+s3] =	stream.linear.scatter [tilespmem:s26], [sflag:$0x1], $0x4000, $0x38;
	[tilespmem:$0x17C80] =	vst v63  }
0xc2: {  	_ =	swait.ge [sflag:s25], $0x4000  }
0xc3: {  	[sflag:s25] =	ssyncset.done $0x0  }
0xc4: {  	[sflag:s25] =	ssyncadd.s32 $0xFFFFC000  }
0xc5: {  	[tilespmem:s26], [sflag:$0x2] =	stream.linear.gather [spmem:s8], $0x4000, $0x38;
	[tilespmem:$0x17C80] =	vst v63  }
0xc6: {  	_ =	swait.ge [sflag:s28], $0x4000  }
0xc7: {  	[sflag:s28] =	ssyncset.done $0x0  }
0xc8: {  	[sflag:s28] =	ssyncadd.s32 $0xFFFFC000  }
0xc9: {  	[hbm4b:s18+s3] =	stream.linear.scatter [tilespmem:s26], [sflag:$0x1], $0x4000, $0x38;
	[tilespmem:$0x17C80] =	vst v63  }
0xca: {  	_ =	swait.ge [sflag:s25], $0x4000  }
0xcb: {  	[sflag:s25] =	ssyncset.done $0x0  }
0xcc: {  	[sflag:s25] =	ssyncadd.s32 $0xFFFFC000  }
0xcd: {  	[tilespmem:s26], [sflag:$0x2] =	stream.linear.gather [spmem:s9], $0x4000, $0x38;
	[tilespmem:$0x17C80] =	vst v63  }
0xce: {  	_ =	swait.ge [sflag:s28], $0x4000  }
0xcf: {  	[sflag:s28] =	ssyncset.done $0x0  }
0xd0: {  	[sflag:s28] =	ssyncadd.s32 $0xFFFFC000  }
0xd1: {  	[hbm4b:s19+s3] =	stream.linear.scatter [tilespmem:s26], [sflag:$0x1], $0x4000, $0x38;
	[tilespmem:$0x17C80] =	vst v63  }
0xd2: {  	_ =	swait.ge [sflag:s25], $0x4000  }
0xd3: {  	[sflag:s25] =	ssyncset.done $0x0  }
0xd4: {  	[sflag:s25] =	ssyncadd.s32 $0xFFFFC000  }
0xd5: {  	[tilespmem:s26], [sflag:$0x2] =	stream.linear.gather [spmem:s10], $0x4000, $0x38;
	[tilespmem:$0x17C80] =	vst v63  }
0xd6: {  	_ =	swait.ge [sflag:s28], $0x4000  }
0xd7: {  	[sflag:s28] =	ssyncset.done $0x0  }
0xd8: {  	[sflag:s28] =	ssyncadd.s32 $0xFFFFC000  }
0xd9: {  	[hbm4b:s20+s3] =	stream.linear.scatter [tilespmem:s26], [sflag:$0x1], $0x4000, $0x38;
	[tilespmem:$0x17C80] =	vst v63  }
0xda: {  	_ =	swait.ge [sflag:s25], $0x4000  }
0xdb: {  	[sflag:s25] =	ssyncset.done $0x0  }
0xdc: {  	s2 =	simm.s32 @!p0 $0x2;
	s0 =	simm.s32 @!p0 $0x80;
	[sflag:s25] =	ssyncadd.s32 $0xFFFFC000  }
0xdd: {  	[tilespmem:s0], [sflag:$0x2] =	stream.linear.gather @!p0 [spmem:s11], $0x4000, $0x38;
	[tilespmem:$0x17C80] =	vst v63  }
0xde: {  	_ =	swait.ge @!p0 [sflag:s2], $0x4000  }
0xdf: {  	[sflag:s2] =	ssyncset.done @!p0 $0x0  }
0xe0: {  	[sflag:s2] =	ssyncadd.s32 @!p0 $0xFFFFC000;
	s2 =	simm.s32 @!p0 $0x0  }
0xe1: {  	[hbm4b:s21+s2] =	stream.linear.scatter @!p0 [tilespmem:s0], [sflag:$0x1], $0x4000, $0x38;
	[tilespmem:$0x17C80] =	vst v63  }
0xe2: {  	s0 =	simm.s32 @!p0 $0x1  }
0xe3: {  	_ =	swait.ge @!p0 [sflag:s0], $0x4000  }
0xe4: {  	s29 =	sadd.s32 $0x1, s29;
	s31 =	rddreg [dreg:$0x3]  }
0xe5: {  	p1 =	sne.s32 s29, s31  }
.Ltmp2:
0xe6: {  	_ = 	snop;
	(pc) =	sbr.rel @p1 .LBB2_1-.Ltmp2, $3  }
0xe7: {  	[sflag:s0] =	ssyncset.done @!p0 $0x0  }
0xe8: {  	[sflag:s0] =	ssyncadd.s32 @!p0 $0xFFFFC000  }
0xe9: {  	[bflag:$0x0] =	sbarrier.arrive $0xFFFF;
	_ =	sdelay $0x1  }
0xea: {  	_ =	sfence.sel $0x180000  }
0xeb: {  	[bflag:$0x0] =	sbarrier.arrive $0xFFFF  }
0xec: {  	_ =	strace $0x9000004A  }
0xed: {  	s0 =	stileid.u32;
	[bflag:$0x2] =	sbarrier.arrive $0xFFFF  }
0xee: {  	p0 =	sne.s32 s0, $0x0;
	s0 =	rddreg [dreg:$0x2]  }
0xef: {  	s0 =	sadd.s32 @!p0 $0x100000, s0  }
0xf0: {  	[sflag:s0] =	ssyncadd.tile.s32 @!p0 $0x1;
	_ =	shalt  }
.Lfunc_end2:
_tile_overlayer_lowered:
.L_overlay_start_2:
0xf1: {  	(tag) =	ssettag $0x2  }
0xf2: {  	s0 =	rddreg [dreg:$0x0];
	s2 =	stileid.u32  }
0xf3: {  	s1 =	rddreg [dreg:$0x1];
	p0 =	sne.s32 s2, $0x0  }
0xf4: {  	s3 =	rddreg [dreg:$0x2];
	[bflag:$0x3] =	sbarrier.arrive $0xFFFF;
	s2 =	simm.s32 @!p0 $0x1C01  }
0xf5: {  	[timem:s3], [sflag:s2] =	dma.local @!p0 [hbm:s0], s1  }
0xf6: {  	s0 =	simm.s32 @!p0 $0x1  }
0xf7: {  	_ =	swait.ge @!p0 [sflag:s0], s1  }
0xf8: {  	s1 =	ssub.s32 @!p0 $0x0, s1;
	[sflag:s0] =	ssyncset.done @!p0 $0x0  }
0xf9: {  	[sflag:s0] =	ssyncadd.s32 @!p0 s1  }
0xfa: {  	[bflag:$0x3] =	sbarrier.arrive $0xFFFF  }
0xfb: {  	_ =	shalt  }

// kernel: kernel.15.cloned.1.call-start
scs
__scs_entry_jumppad:
0x0: {  	(pc) =	sbr.rel $0x88, $3  }
0x1: {  	(tag) =	ssettag $0x0;
	lr =	simm.s32 $0x1  }
0x2: {  	[smem:$0x3F93] =	sst lr;
	_ =	strace $0xD0000000  }
0x3: {  	_ = 	snop  }
0x4: {  	_ = 	snop  }
0x5: {  	_ = 	snop  }
0x6: {  	_ = 	snop  }
0x7: {  	_ = 	snop  }
__scs_overlays_trampoline_lowered:
0x8: {  	[smem:$0x3FA2] =	sst s0  }
0x9: {  	[smem:$0x3FA3] =	sst s1  }
0xa: {  	[smem:$0x3FA4] =	sst s2  }
0xb: {  	[smem:$0x3FA5] =	sst s3  }
0xc: {  	[smem:$0x3FA6] =	sst s4  }
0xd: {  	[smem:$0x3FA7] =	sst s5  }
0xe: {  	[smem:$0x3FA8] =	sst s6  }
0xf: {  	[smem:$0x3FA9] =	sst s7  }
0x10: {  	[smem:$0x3FAA] =	sst s8  }
0x11: {  	[smem:$0x3FAB] =	sst s9;
	s0 =	simm.s32 @!p0 $0x0  }
0x12: {  	s1 =	sld [smem:$0x3F91];
	s0 =	simm.s32 @p0 $0x1  }
0x13: {  	[smem:$0x3FAC] =	sst s0;
	s0 =	simm.s32 @!p1 $0x0  }
0x14: {  	s2 =	sld [smem:$0x3F90];
	s0 =	simm.s32 @p1 $0x1  }
0x15: {  	[smem:$0x3FAD] =	sst s0;
	s0 =	simm.s32 @!p2 $0x0  }
0x16: {  	s3 =	sld [smem:$0x3FDB];
	s0 =	simm.s32 @p2 $0x1  }
0x17: {  	s4 =	simm.s32 $0x1BF5;
	[smem:$0x3FAF] =	sst s0  }
0x18: {  	s0 =	sld [smem:$0x3F92];
	_ =	swait.ge [sflag:s4], $0x0  }
0x19: {  	s7 =	sld [smem:$0x3F93]  }
0x1a: {  	s8 =	sadd.s32 $0xFFFFE003, lr  }
0x1b: {  	s9 =	sadd.s32 $0xFFFFFEF7, lr;
	s5 =	simm.s32 $0xFFFFFFFF;
	p2 =	slt.u32 s8, $0xFFFFF086  }
0x1c: {  	p1 =	slt.u32 s9, $0xF7A;
	s5 =	simm.s32 @!p2 $0x0  }
0x1d: {  	s5 =	simm.s32 @p1 $0x1;
	p0 =	seq.s32 s7, s2  }
0x1e: {  	s7 =	smul.u32 @!p0 $0xF7A, s2;
	p2 =	seq.s32 @!p0 s5, $0x0  }
0x1f: {  	s9 =	smul.u32 $0xF7A, s1;
	s8 =	simm.s32 @!p0 $0x1BF5;
	p2 =	por !p2, p0  }
0x20: {  	[sflag:s8] =	ssyncset.s32 @!p0 $0xFFFFF086;
	s6 =	sadd.s32 @!p0 s3, s7;
	s7 =	simm.s32 @!p0 $0x108  }
0x21: {  	s3 =	sadd.s32 s3, s9;
	s6 =	sadd.s32 @!p0 $0x88, s6;
	s7 =	simm.s32 @p2 $0x1082  }
0x22: {  	[simem:s7], [sflag:s8] =	dma.local @!p0 [hbm:s6], $0xF7A  }
0x23: {  	s9 =	sor.u32 $0xD0000000, s2;
	s6 =	simm.s32 $0x108;
	_ =	swait.ge @!p0 [sflag:s8], $0x0  }
0x24: {  	s3 =	sadd.s32 $0x88, s3;
	s6 =	simm.s32 @!p1 $0x1082;
	[sflag:s4] =	ssyncset.s32 $0xFFFFF086  }
0x25: {  	[simem:s6], [sflag:s4] =	dma.local [hbm:s3], $0xF7A  }
0x26: {  	[smem:$0x3F93] =	sst s1;
	(tag) =	ssettag s2;
	_ =	strace s9  }
0x27: {  	s1 =	sld [smem:$0x3FA3]  }
0x28: {  	s2 =	sld [smem:$0x3FA4]  }
0x29: {  	s4 =	sld [smem:$0x3FA6]  }
0x2a: {  	p0 =	seq.s32 s5, $0x0;
	s5 =	sld [smem:$0x3FA7]  }
0x2b: {  	s6 =	sld [smem:$0x3FA8]  }
0x2c: {  	s7 =	sld [smem:$0x3FA9]  }
0x2d: {  	s3 =	simm.s32 $0x108;
	s8 =	sld [smem:$0x3FAA]  }
0x2e: {  	s3 =	simm.s32 @!p0 $0x1082;
	s9 =	sld [smem:$0x3FAB]  }
0x2f: {  	lr =	sadd.s32 s0, s3;
	s0 =	sld [smem:$0x3FA2]  }
0x30: {  	s3 =	sld [smem:$0x3FA5]  }
0x31: {  	[smem:$0x3FAE] =	sst s10  }
0x32: {  	s10 =	sld [smem:$0x3FAC];
	_ =	sdelay $0x3  }
0x33: {  	p0 =	seq.s32 s10, $0x1;
	s10 =	sld [smem:$0x3FAE];
	_ =	sdelay $0x3  }
0x34: {  	[smem:$0x3FAE] =	sst s10  }
0x35: {  	s10 =	sld [smem:$0x3FAD];
	_ =	sdelay $0x3  }
0x36: {  	p1 =	seq.s32 s10, $0x1;
	s10 =	sld [smem:$0x3FAE];
	_ =	sdelay $0x3  }
0x37: {  	[smem:$0x3FAE] =	sst s10  }
0x38: {  	s10 =	sld [smem:$0x3FAF]  }
0x39: {  	_ = 	snop;
	(pc) =	sbr.ind lr, $3  }
0x3a: {  	_ = 	snop  }
0x3b: {  	_ = 	snop  }
0x3c: {  	p2 =	seq.s32 s10, $0x1;
	s10 =	sld [smem:$0x3FAE]  }
0x3d: {  	_ =	shalt  }
0x3e: {  	_ =	shalt  }
0x3f: {  	_ =	shalt  }
0x40: {  	_ =	shalt  }
0x41: {  	_ =	shalt  }
0x42: {  	_ =	shalt  }
0x43: {  	_ =	shalt  }
0x44: {  	_ =	shalt  }
0x45: {  	_ =	shalt  }
0x46: {  	_ =	shalt  }
0x47: {  	_ =	shalt  }
0x48: {  	_ =	shalt  }
0x49: {  	_ =	shalt  }
0x4a: {  	_ =	shalt  }
0x4b: {  	_ =	shalt  }
0x4c: {  	_ =	shalt  }
0x4d: {  	_ =	shalt  }
0x4e: {  	_ =	shalt  }
0x4f: {  	_ =	shalt  }
0x50: {  	_ =	shalt  }
0x51: {  	_ =	shalt  }
0x52: {  	_ =	shalt  }
0x53: {  	_ =	shalt  }
0x54: {  	_ =	shalt  }
0x55: {  	_ =	shalt  }
0x56: {  	_ =	shalt  }
0x57: {  	_ =	shalt  }
0x58: {  	_ =	shalt  }
0x59: {  	_ =	shalt  }
0x5a: {  	_ =	shalt  }
0x5b: {  	_ =	shalt  }
0x5c: {  	_ =	shalt  }
0x5d: {  	_ =	shalt  }
0x5e: {  	_ =	shalt  }
0x5f: {  	_ =	shalt  }
0x60: {  	_ =	shalt  }
0x61: {  	_ =	shalt  }
0x62: {  	_ =	shalt  }
0x63: {  	_ =	shalt  }
0x64: {  	_ =	shalt  }
0x65: {  	_ =	shalt  }
0x66: {  	_ =	shalt  }
0x67: {  	_ =	shalt  }
0x68: {  	_ =	shalt  }
0x69: {  	_ =	shalt  }
0x6a: {  	_ =	shalt  }
0x6b: {  	_ =	shalt  }
0x6c: {  	_ =	shalt  }
0x6d: {  	_ =	shalt  }
0x6e: {  	_ =	shalt  }
0x6f: {  	_ =	shalt  }
0x70: {  	_ =	shalt  }
0x71: {  	_ =	shalt  }
0x72: {  	_ =	shalt  }
0x73: {  	_ =	shalt  }
0x74: {  	_ =	shalt  }
0x75: {  	_ =	shalt  }
0x76: {  	_ =	shalt  }
0x77: {  	_ =	shalt  }
0x78: {  	_ =	shalt  }
0x79: {  	_ =	shalt  }
0x7a: {  	_ =	shalt  }
0x7b: {  	_ =	shalt  }
0x7c: {  	_ =	shalt  }
0x7d: {  	_ =	shalt  }
0x7e: {  	_ =	shalt  }
0x7f: {  	_ =	shalt  }
0x80: {  	_ =	shalt  }
0x81: {  	_ =	shalt  }
0x82: {  	_ =	shalt  }
0x83: {  	_ =	shalt  }
0x84: {  	_ =	shalt  }
0x85: {  	_ =	shalt  }
0x86: {  	_ =	shalt  }
0x87: {  	_ =	shalt  }
.Lfunc_end0:
.L_simem_size_0:
called_computation.2_lowered:
.L_overlay_start_0:
0x88: {  	s2 =	sld [smem:$0x3FD9]  }
0x89: {  	s3 =	sld [smem:$0x3FFE];
	_ =	sdelay $0x1  }
0x8a: {  	s1 =	srdreg.scid  }
0x8b: {  	s0 =	sand.u32 $0x1, s1  }
0x8c: {  	s16 =	sshll.u32 s0, $0xA;
	s2 =	sadd.s32 s3, s2  }
0x8d: {  	s2 =	sadd.s32 s2, s16  }
0x8e: {  	[smem:$0x3FBA] =	sst s2  }
0x8f: {  	_ = 	snop  }
0x90: {  	(tm) =	ssettm $0x1  }
0x91: {  	s17 =	sld [smem:$0x3FFB];
	_ =	sdelay $0x3  }
0x92: {  	_ =	strace s17  }
0x93: {  	s2 =	sld [smem:$0x3FFC];
	_ =	sdelay $0x3  }
0x94: {  	_ =	strace s2  }
0x95: {  	s2 =	sld [smem:$0x3FFD];
	_ =	sdelay $0x3  }
0x96: {  	_ =	strace s2  }
0x97: {  	_ =	strace $0x8FFFFFFF  }
0x98: {  	s18 =	sld [smem:$0x3FDB];
	_ =	sdelay $0x1  }
0x99: {  	s19 =	simm.s32 $_scs_section_size  }
0x9a: {  	s4 =	simm.s32 $_size__tile_overlayer_lowered;
	s5 =	simm.s32 $_tile_overlayer_lowered  }
0x9b: {  	s22 =	simm.s32 $0x1BFF;
	s21 =	sshll.u32 s5, $0x1;
	s2 =	sadd.s32 s19, s18  }
0x9c: {  	s6 =	simm.s32 $0x0;
	s20 =	sshll.u32 s4, $0x1;
	s4 =	sadd.s32 s21, s2  }
0x9d: {  	[timem:s6], [sflag:s22] =	dma.local [hbm:s4], s20  }
0x9e: {  	_ =	swait.ge [sflag:s22], s20  }
0x9f: {  	s3 =	ssub.s32 $0x0, s20;
	[sflag:s22] =	ssyncset.done $0x0  }
0xa0: {  	[sflag:s22] =	ssyncadd.s32 s3;
	_ =	sdelay $0x1  }
0xa1: {  	s23 =	simm.s32 $0x1B8B  }
0xa2: {  	_ =	swait.ge [sflag:s23], $0x1  }
0xa3: {  	[sflag:s23] =	ssyncset.done $0x0  }
0xa4: {  	s25 =	simm.s32 $0x1B8E;
	s24 =	sld [smem:$0x3FFE];
	[sflag:s23] =	ssyncadd.s32 $0xFFFFFFFF  }
0xa5: {  	s26 =	simm.s32 $execute0_lowered;
	[smem:$0x3FD2] =	sst s25  }
0xa6: {  	s4 =	sshll.u32 s26, $0x1;
	_ =	strace $0x8000004C;
	[dreg:$0x1] =	wrdreg $0xFFFFFFFF  }
0xa7: {  	s28 =	simm.s32 $_size_execute0_lowered;
	s2 =	sadd.s32 s2, s4;
	[dreg:$0x0] =	wrdreg $0x0  }
0xa8: {  	s4 =	sshll.u32 s28, $0x1;
	[dreg:$0x2] =	wrdreg s2  }
0xa9: {  	[dreg:$0x3] =	wrdreg s4  }
0xaa: {  	[dreg:$0x4] =	wrdreg $0xC0  }
0xab: {  	_ =	task [dreg:s6], $0x5FFFF  }
0xac: {  	[dreg:$0x1] =	wrdreg $0xFFFFFFFF  }
0xad: {  	[dreg:$0x0] =	wrdreg $0x60  }
0xae: {  	[dreg:$0x2] =	wrdreg s24  }
0xaf: {  	[dreg:$0x3] =	wrdreg $0x41000  }
0xb0: {  	[dreg:$0x4] =	wrdreg $0x9  }
0xb1: {  	_ =	task.clear_ibuf [dreg:s6], $0x5FFFF;
	_ =	strace $0x9000004C  }
0xb2: {  	s29 =	simm.s32 $0x9;
	_ =	strace $0x8000004E  }
0xb3: {  	_ =	swait.ge [sflag:s29], $0x1  }
0xb4: {  	[sflag:s29] =	ssyncadd.s32 $0xFFFFFFFF  }
0xb5: {  	_ =	strace $0x9000004E  }
0xb6: {  	_ =	sfence  }
0xb7: {  	s30 =	sld [smem:$0x0];
	_ =	sdelay $0x2  }
0xb8: {  	s31 =	sshll.u32 s1, $0xD;
	s1 =	sshrl.u32 s1, $0x2  }
0xb9: {  	s3 =	sand.u32 $0x4000, s31;
	s1 =	sadd.s32 s1, s30  }
0xba: {  	s0 =	sor.u32 s3, s0;
	s1 =	sshll.u32 s1, $0x11  }
0xbb: {  	s0 =	sor.u32 s1, s0  }
0xbc: {  	s0 =	sadd.s32 $0x8F2B, s0  }
0xbd: {  	[sflag:s0] =	ssyncadd.remote.s32 $0x1  }
0xbe: {  	_ =	sfence.sel $0xFFFF  }
0xbf: {  	[dreg:$0x0] =	wrdreg $0xFFFFFFFF;
	(pc) =	sbr.abs _section_cstart, $3  }
0xc0: {  	[dreg:$0x1] =	wrdreg $0xFFFFFFFF  }
0xc1: {  	_ =	task.clear_ibuf [dreg:s6], $0x2FFFF;
	_ =	strace $0x9FFFFFFF  }
0xc2: {  	(tm) =	ssettm $0x7FFFFFFF  }
0xc3: {  	_ =	shalt  }
tec
execute0_lowered:
.L_overlay_start_1:
0x0: {  	(tag) =	ssettag $0x1  }
0x1: {  	s1 =	srdreg.scid;
	s0 =	rddreg [dreg:$0x0]  }
0x2: {  	s15 =	stileid.u32;
	s1 =	sand.u32 $0x1, s1;
	s8 =	sadd.s32 $0x13CE00, s0  }
0x3: {  	s29 =	sadd.s32 $0x2B600, s0;
	s30 =	sadd.s32 $0x126EA00, s0;
	p1 =	seq.s32 s15, $0xF  }
0x4: {  	s2 =	ssub.s32 $0x2, s1;
	s3 =	sshll.u32 s1, $0x2;
	s10 =	smul.u32 $0x4F0000, s1  }
0x5: {  	s21 =	sshllo.u32 s1, $0x2;
	p0 =	sne.s32 s1, $0x0;
	s4 =	sshrl.u32 s2, $0x1  }
0x6: {  	s5 =	sor.u32 $0x1, s3;
	s20 =	sor.u32 $0x2, s3;
	s3 =	sshll.u32 s15, $0xE  }
0x7: {  	s9 =	smin.u32 s21, $0x6;
	p2 =	seq.s32 @!p0 s15, $0xF;
	s11 =	smul.u32 $0x13C000, s5  }
0x8: {  	s2 =	ssub.s32 s2, s4;
	s12 =	smul.u32 $0x13C000, s20;
	s4 =	sor.u32 $0x40000, s3  }
0x9: {  	s5 =	sor.u32 $0x80000, s3;
	s6 =	sor.u32 $0xC0000, s3;
	s13 =	sadd.s32 s10, s3  }
0xa: {  	s7 =	sor.u32 $0x100000, s3;
	p2 =	por p2, p0;
	s13 =	sshrl.u32 s13, $0x3  }
0xb: {  	s14 =	sadd.s32 s10, s4;
	s23 =	sadd.s32 s10, s5;
	s25 =	sadd.s32 s10, s6  }
0xc: {  	s10 =	sadd.s32 s10, s7;
	s13 =	sadd.s32 s8, s13;
	s22 =	sshrl.u32 s14, $0x3  }
0xd: {  	s24 =	sshrl.u32 s23, $0x3;
	s26 =	sshrl.u32 s25, $0x3;
	s10 =	sshrl.u32 s10, $0x3  }
0xe: {  	s31 =	sadd.s32 s11, s3;
	s14 =	sadd.s32 s11, s4;
	s17 =	sadd.s32 s11, s5  }
0xf: {  	s19 =	sadd.s32 s11, s6;
	s11 =	sadd.s32 s11, s7;
	[dreg:$0x3] =	wrdreg s13  }
0x10: {  	s13 =	sadd.s32 s8, s22;
	s10 =	sadd.s32 s8, s10;
	s16 =	sshrl.u32 s14, $0x3  }
0x11: {  	s18 =	sshrl.u32 s17, $0x3;
	s20 =	sshrl.u32 s19, $0x3;
	s21 =	sshrl.u32 s11, $0x3  }
0x12: {  	s22 =	sadd.s32 s12, s3;
	s14 =	smul.u32 $0x13C000, s9;
	[dreg:$0x4] =	wrdreg s13  }
0x13: {  	s9 =	smul.u32 $0x28000, s9;
	s13 =	sadd.s32 s8, s24;
	[dreg:$0x7] =	wrdreg s10  }
0x14: {  	s23 =	sshrl.u32 s22, $0x3;
	s24 =	sadd.s32 s12, s4;
	[dreg:$0x5] =	wrdreg s13  }
0x15: {  	s13 =	sadd.s32 s8, s26;
	s25 =	sshrl.u32 s24, $0x3;
	s26 =	sadd.s32 s12, s5  }
0x16: {  	s19 =	sadd.s32 s14, s4;
	s24 =	sadd.s32 s14, s6;
	[dreg:$0x6] =	wrdreg s13  }
0x17: {  	s13 =	sshrl.u32 s31, $0x3;
	s31 =	sshrl.u32 s26, $0x3;
	s26 =	smul.u32 $0xA0000, s1  }
0x18: {  	s10 =	sadd.s32 s8, s13;
	s13 =	sadd.s32 s12, s6;
	s12 =	sadd.s32 s12, s7  }
0x19: {  	[dreg:$0x8] =	wrdreg s10;
	s10 =	sadd.s32 s8, s16;
	s11 =	sshrl.u32 s13, $0x3  }
0x1a: {  	s17 =	sshrl.u32 s12, $0x3;
	[dreg:$0x9] =	wrdreg s10;
	s10 =	sadd.s32 s8, s18  }
0x1b: {  	s16 =	sadd.s32 s8, s11;
	s18 =	sadd.s32 s14, s3;
	s11 =	sshrl.u32 s19, $0x3  }
0x1c: {  	s19 =	smul.u32 $0x500, s15;
	[dreg:$0xa] =	wrdreg s10;
	s10 =	sadd.s32 s8, s20  }
0x1d: {  	[dreg:$0x10] =	wrdreg s16;
	s20 =	sadd.s32 s14, s5;
	s16 =	sadd.s32 $0x130D200, s0  }
0x1e: {  	[dreg:$0xb] =	wrdreg s10;
	s10 =	sadd.s32 s8, s21;
	s21 =	sadd.s32 s8, s11  }
0x1f: {  	s22 =	sshrl.u32 s20, $0x3;
	s11 =	sshrl.u32 s24, $0x3;
	[dreg:$0xc] =	wrdreg s10  }
0x20: {  	s20 =	sadd.s32 s19, s0;
	s10 =	sadd.s32 s8, s23;
	[dreg:$0x13] =	wrdreg s21  }
0x21: {  	s23 =	smul.u32 $0x2800, s15;
	s11 =	sadd.s32 s8, s11;
	[dreg:$0xd] =	wrdreg s10  }
0x22: {  	s21 =	simm.s32 $0x0;
	s10 =	sadd.s32 s8, s25;
	[dreg:$0x15] =	wrdreg s11  }
0x23: {  	s25 =	sadd.s32 s14, s7;
	[smem:$0x7FF] =	sst s21;
	s11 =	simm.s32 $0x0  }
0x24: {  	[dreg:$0xe] =	wrdreg s10;
	s10 =	sadd.s32 s8, s31;
	s31 =	sshrl.u32 s25, $0x3  }
0x25: {  	s12 =	sadd.s32 s23, s26;
	s9 =	sadd.s32 s23, s9;
	s26 =	rddreg [dreg:$0x1]  }
0x26: {  	s23 =	smax.u32 s2, $0x1;
	[dreg:$0xf] =	wrdreg s10;
	s10 =	sadd.s32 s8, s17  }
0x27: {  	s13 =	sshrl.u32 s12, $0x3;
	s14 =	sadd.s32 $0x28000, s12;
	s1 =	sadd.s32 s4, s26  }
0x28: {  	s2 =	sadd.s32 s5, s26;
	s4 =	sadd.s32 s7, s26;
	s5 =	sadd.s32 $0x1269A00, s20  }
0x29: {  	s7 =	simm.s32 $0x80;
	[dreg:$0x11] =	wrdreg s10;
	s10 =	sshrl.u32 s18, $0x3  }
0x2a: {  	s17 =	sshrl.u32 s14, $0x3;
	s18 =	sshrl.u32 s9, $0x3;
	s9 =	simm.s32 $0x1  }
0x2b: {  	s10 =	sadd.s32 s8, s10;
	s24 =	sadd.s32 s17, s16;
	s28 =	sadd.s32 s18, s16  }
0x2c: {  	[dreg:$0x12] =	wrdreg s10;
	s10 =	sadd.s32 s8, s22;
	s8 =	sadd.s32 s8, s31  }
0x2d: {  	s22 =	sadd.s32 s13, s16;
	s31 =	sshll.u32 s15, $0x6;
	[dreg:$0x14] =	wrdreg s10  }
0x2e: {  	[dreg:$0x16] =	wrdreg s8;
	s8 =	sadd.s32 $0x50000, s12;
	s0 =	sor.u32 $0x1C02, s31  }
0x2f: {  	s10 =	simm.s32 $0x3;
	s8 =	sshrl.u32 s8, $0x3;
	_ =	strace $0x8000004D  }
0x30: {  	[dreg:$0x17] =	wrdreg s23;
	s23 =	sadd.s32 s3, s26;
	s3 =	sadd.s32 s6, s26  }
0x31: {  	s6 =	simm.s32 $0x2;
	s25 =	sadd.s32 s8, s16;
	s8 =	simm.s32 $0x100  }
.LBB2_1:
0x32: {  	s12 =	sshrl.u32 s23, $0x3  }
0x33: {  	[spmem:s12], [sflag:s0] =	dma.local [hbm:s30], $0x800  }
0x34: {  	_ =	swait.ge [sflag:s6], $0x800  }
0x35: {  	[sflag:s6] =	ssyncset.done $0x0  }
0x36: {  	s13 =	sshrl.u32 s1, $0x3;
	[sflag:s6] =	ssyncadd.s32 $0xFFFFF800  }
0x37: {  	[spmem:s13], [sflag:s0] =	dma.local [hbm:s30], $0x800  }
0x38: {  	_ =	swait.ge [sflag:s6], $0x800  }
0x39: {  	[sflag:s6] =	ssyncset.done $0x0  }
0x3a: {  	s14 =	sshrl.u32 s2, $0x3;
	[sflag:s6] =	ssyncadd.s32 $0xFFFFF800  }
0x3b: {  	[spmem:s14], [sflag:s0] =	dma.local [hbm:s30], $0x800  }
0x3c: {  	_ =	swait.ge [sflag:s6], $0x800  }
0x3d: {  	[sflag:s6] =	ssyncset.done $0x0  }
0x3e: {  	s15 =	sshrl.u32 s3, $0x3;
	[sflag:s6] =	ssyncadd.s32 $0xFFFFF800  }
0x3f: {  	[spmem:s15], [sflag:s0] =	dma.local [hbm:s30], $0x800  }
0x40: {  	_ =	swait.ge [sflag:s6], $0x800  }
0x41: {  	[sflag:s6] =	ssyncset.done $0x0  }
0x42: {  	s16 =	sshrl.u32 @!p1 s4, $0x3;
	s17 =	simm.s32 @!p1 $0x2;
	[sflag:s6] =	ssyncadd.s32 $0xFFFFF800  }
0x43: {  	[spmem:s16], [sflag:s0] =	dma.local @!p1 [hbm:s30], $0x800  }
0x44: {  	_ =	swait.ge @!p1 [sflag:s17], $0x800  }
0x45: {  	[sflag:s17] =	ssyncset.done @!p1 $0x0  }
0x46: {  	[sflag:s17] =	ssyncadd.s32 @!p1 $0xFFFFF800  }
0x47: {  	s20 =	sadd.s32 $0x0, s22;
	[bflag:$0x0] =	sbarrier.arrive $0xFFFF  }
0x48: {  	[tilespmem:s21], [sflag:$0x2] =	stream.linear.gather [hbm4b:s20+s21], $0x80, $0x38;
	[tilespmem:$0x17D00] =	vst v63  }
0x49: {  	_ =	swait.ge [sflag:s6], $0x80  }
0x4a: {  	[sflag:s6] =	ssyncset.done $0x0  }
0x4b: {  	[sflag:s6] =	ssyncadd.s32 $0xFFFFFF80  }
0x4c: {  	[tilespmem:s8], [sflag:$0x1] =	stream.indirect.gather [hbm4b:s29+s7], $0x80, s21, s7, $0xb8;
	[tilespmem:$0x17D00] =	vst v63  }
0x4d: {  	_ =	swait.ge [sflag:s9], $0x4000  }
0x4e: {  	[sflag:s9] =	ssyncset.done $0x0  }
0x4f: {  	s31 =	sadd.s32 $0x0, s5;
	[sflag:s9] =	ssyncadd.s32 $0xFFFFC000  }
0x50: {  	[tilespmem:s7], [sflag:$0x2] =	stream.linear.gather [hbm4b:s31+s21], $0x80, $0x38;
	[tilespmem:$0x17D00] =	vst v63  }
0x51: {  	_ =	swait.ge [sflag:s6], $0x80  }
0x52: {  	[sflag:s6] =	ssyncset.done $0x0  }
0x53: {  	[sflag:s6] =	ssyncadd.s32 $0xFFFFFF80  }
0x54: {  	[spmem:s26] =	stream.indirect.scatter.add.f32 [tilespmem:s8], [sflag:$0x2], $0x80, s7, s7, $0xb8;
	[tilespmem:$0x17D00] =	vst v63  }
0x55: {  	_ =	swait.ge [sflag:s6], $0x4000  }
0x56: {  	s18 =	simm.s32 $0x20;
	s17 =	simm.s32 $0x10;
	[sflag:s6] =	ssyncset.done $0x0  }
.LBB2_2:
0x57: {  	s19 =	sadd.s32 s17, s22  }
0x58: {  	[sflag:s6] =	ssyncadd.s32 $0xFFFFC000;
	s20 =	smov.u32 s18;
	s31 =	sadd.s32 $0x10, s18  }
0x59: {  	[tilespmem:s21], [sflag:$0x2] =	stream.linear.gather [hbm4b:s19+s21], $0x80, $0x38;
	[tilespmem:$0x17D00] =	vst v63  }
0x5a: {  	p3 =	sne.s32 s18, $0x4F0;
	_ =	swait.ge [sflag:s6], $0x80  }
0x5b: {  	[sflag:s6] =	ssyncset.done $0x0  }
0x5c: {  	[sflag:s6] =	ssyncadd.s32 $0xFFFFFF80  }
0x5d: {  	[tilespmem:s8], [sflag:$0x1] =	stream.indirect.gather [hbm4b:s29+s7], $0x80, s21, s7, $0xb8;
	[tilespmem:$0x17D00] =	vst v63  }
0x5e: {  	_ =	swait.ge [sflag:s9], $0x4000  }
0x5f: {  	[sflag:s9] =	ssyncset.done $0x0  }
0x60: {  	s18 =	sadd.s32 s17, s5;
	s17 =	smov.u32 s20;
	[sflag:s9] =	ssyncadd.s32 $0xFFFFC000  }
0x61: {  	[tilespmem:s7], [sflag:$0x2] =	stream.linear.gather [hbm4b:s18+s21], $0x80, $0x38;
	[tilespmem:$0x17D00] =	vst v63  }
0x62: {  	_ =	swait.ge [sflag:s6], $0x80  }
.Ltmp0:
0x63: {  	[sflag:s6] =	ssyncset.done $0x0;
	(pc) =	sbr.rel @p3 .LBB2_2-.Ltmp0, $4  }
0x64: {  	[sflag:s6] =	ssyncadd.s32 $0xFFFFFF80  }
0x65: {  	[spmem:s26] =	stream.indirect.scatter.add.f32 [tilespmem:s8], [sflag:$0x2], $0x80, s7, s7, $0xb8;
	[tilespmem:$0x17D00] =	vst v63  }
0x66: {  	_ =	swait.ge [sflag:s6], $0x4000  }
0x67: {  	s18 =	smov.u32 s31;
	[sflag:s6] =	ssyncset.done $0x0  }
0x68: {  	s18 =	sadd.s32 s17, s22;
	[sflag:s6] =	ssyncadd.s32 $0xFFFFC000  }
0x69: {  	[tilespmem:s21], [sflag:$0x2] =	stream.linear.gather [hbm4b:s18+s21], $0x80, $0x38;
	[tilespmem:$0x17D00] =	vst v63  }
0x6a: {  	_ =	swait.ge [sflag:s6], $0x80  }
0x6b: {  	[sflag:s6] =	ssyncset.done $0x0  }
0x6c: {  	[sflag:s6] =	ssyncadd.s32 $0xFFFFFF80  }
0x6d: {  	[tilespmem:s8], [sflag:$0x1] =	stream.indirect.gather [hbm4b:s29+s7], $0x80, s21, s7, $0xb8;
	[tilespmem:$0x17D00] =	vst v63  }
0x6e: {  	_ =	swait.ge [sflag:s9], $0x4000  }
0x6f: {  	[sflag:s9] =	ssyncset.done $0x0  }
0x70: {  	s19 =	sadd.s32 s17, s5;
	[sflag:s9] =	ssyncadd.s32 $0xFFFFC000  }
0x71: {  	[tilespmem:s7], [sflag:$0x2] =	stream.linear.gather [hbm4b:s19+s21], $0x80, $0x38;
	[tilespmem:$0x17D00] =	vst v63  }
0x72: {  	_ =	swait.ge [sflag:s6], $0x80  }
0x73: {  	[sflag:s6] =	ssyncset.done $0x0  }
0x74: {  	[sflag:s6] =	ssyncadd.s32 $0xFFFFFF80  }
0x75: {  	[spmem:s26] =	stream.indirect.scatter.add.f32 [tilespmem:s8], [sflag:$0x2], $0x80, s7, s7, $0xb8;
	[tilespmem:$0x17D00] =	vst v63  }
0x76: {  	_ =	swait.ge [sflag:s6], $0x4000  }
0x77: {  	[sflag:s6] =	ssyncset.done $0x0  }
0x78: {  	[sflag:s6] =	ssyncadd.s32 $0xFFFFC000  }
0x79: {  	[bflag:$0x0] =	sbarrier.arrive $0xFFFF  }
0x7a: {  	[tilespmem:s8], [sflag:$0x3] =	stream.linear.gather [spmem:s23], $0x4000, $0x38;
	[tilespmem:$0x17D00] =	vst v63  }
0x7b: {  	_ =	swait.ge [sflag:s10], $0x4000  }
0x7c: {  	[sflag:s10] =	ssyncset.done $0x0  }
0x7d: {  	s20 =	rddreg [dreg:$0x3];
	[sflag:s10] =	ssyncadd.s32 $0xFFFFC000  }
0x7e: {  	[hbm4b:s20+s21] =	stream.linear.scatter [tilespmem:s8], [sflag:$0x2], $0x4000, $0x38;
	[tilespmem:$0x17D00] =	vst v63  }
0x7f: {  	_ =	swait.ge [sflag:s6], $0x4000  }
0x80: {  	[sflag:s6] =	ssyncset.done $0x0  }
0x81: {  	[sflag:s6] =	ssyncadd.s32 $0xFFFFC000  }
0x82: {  	[tilespmem:s8], [sflag:$0x3] =	stream.linear.gather [spmem:s1], $0x4000, $0x38;
	[tilespmem:$0x17D00] =	vst v63  }
0x83: {  	_ =	swait.ge [sflag:s10], $0x4000  }
0x84: {  	[sflag:s10] =	ssyncset.done $0x0  }
0x85: {  	s31 =	rddreg [dreg:$0x4];
	[sflag:s10] =	ssyncadd.s32 $0xFFFFC000  }
0x86: {  	[hbm4b:s31+s21] =	stream.linear.scatter [tilespmem:s8], [sflag:$0x2], $0x4000, $0x38;
	[tilespmem:$0x17D00] =	vst v63  }
0x87: {  	_ =	swait.ge [sflag:s6], $0x4000  }
0x88: {  	[sflag:s6] =	ssyncset.done $0x0  }
0x89: {  	[sflag:s6] =	ssyncadd.s32 $0xFFFFC000  }
0x8a: {  	[tilespmem:s8], [sflag:$0x3] =	stream.linear.gather [spmem:s2], $0x4000, $0x38;
	[tilespmem:$0x17D00] =	vst v63  }
0x8b: {  	_ =	swait.ge [sflag:s10], $0x4000  }
0x8c: {  	[sflag:s10] =	ssyncset.done $0x0  }
0x8d: {  	s18 =	rddreg [dreg:$0x5];
	[sflag:s10] =	ssyncadd.s32 $0xFFFFC000  }
0x8e: {  	[hbm4b:s18+s21] =	stream.linear.scatter [tilespmem:s8], [sflag:$0x2], $0x4000, $0x38;
	[tilespmem:$0x17D00] =	vst v63  }
0x8f: {  	_ =	swait.ge [sflag:s6], $0x4000  }
0x90: {  	[sflag:s6] =	ssyncset.done $0x0  }
0x91: {  	[sflag:s6] =	ssyncadd.s32 $0xFFFFC000  }
0x92: {  	[tilespmem:s8], [sflag:$0x3] =	stream.linear.gather [spmem:s3], $0x4000, $0x38;
	[tilespmem:$0x17D00] =	vst v63  }
0x93: {  	_ =	swait.ge [sflag:s10], $0x4000  }
0x94: {  	[sflag:s10] =	ssyncset.done $0x0  }
0x95: {  	s19 =	rddreg [dreg:$0x6];
	[sflag:s10] =	ssyncadd.s32 $0xFFFFC000  }
0x96: {  	[hbm4b:s19+s21] =	stream.linear.scatter [tilespmem:s8], [sflag:$0x2], $0x4000, $0x38;
	[tilespmem:$0x17D00] =	vst v63  }
0x97: {  	_ =	swait.ge [sflag:s6], $0x4000  }
0x98: {  	[sflag:s6] =	ssyncset.done $0x0  }
0x99: {  	s17 =	simm.s32 @!p1 $0x100;
	s18 =	simm.s32 @!p1 $0x3;
	[sflag:s6] =	ssyncadd.s32 $0xFFFFC000  }
0x9a: {  	[tilespmem:s17], [sflag:$0x3] =	stream.linear.gather @!p1 [spmem:s4], $0x4000, $0x38;
	[tilespmem:$0x17D00] =	vst v63  }
0x9b: {  	_ =	swait.ge @!p1 [sflag:s18], $0x4000  }
0x9c: {  	[sflag:s18] =	ssyncset.done @!p1 $0x0  }
0x9d: {  	s19 =	rddreg [dreg:$0x7];
	[sflag:s18] =	ssyncadd.s32 @!p1 $0xFFFFC000;
	s18 =	simm.s32 @!p1 $0x0  }
0x9e: {  	[hbm4b:s19+s18] =	stream.linear.scatter @!p1 [tilespmem:s17], [sflag:$0x2], $0x4000, $0x38;
	[tilespmem:$0x17D00] =	vst v63  }
0x9f: {  	s17 =	simm.s32 @!p1 $0x2  }
0xa0: {  	_ =	swait.ge @!p1 [sflag:s17], $0x4000  }
0xa1: {  	[sflag:s17] =	ssyncset.done @!p1 $0x0  }
0xa2: {  	[sflag:s17] =	ssyncadd.s32 @!p1 $0xFFFFC000  }
0xa3: {  	[bflag:$0x0] =	sbarrier.arrive $0xFFFF  }
0xa4: {  	[spmem:s12], [sflag:s0] =	dma.local [hbm:s30], $0x800  }
0xa5: {  	_ =	swait.ge [sflag:s6], $0x800  }
0xa6: {  	[sflag:s6] =	ssyncset.done $0x0  }
0xa7: {  	[sflag:s6] =	ssyncadd.s32 $0xFFFFF800  }
0xa8: {  	[spmem:s13], [sflag:s0] =	dma.local [hbm:s30], $0x800  }
0xa9: {  	_ =	swait.ge [sflag:s6], $0x800  }
0xaa: {  	[sflag:s6] =	ssyncset.done $0x0  }
0xab: {  	[sflag:s6] =	ssyncadd.s32 $0xFFFFF800  }
0xac: {  	[spmem:s14], [sflag:s0] =	dma.local [hbm:s30], $0x800  }
0xad: {  	_ =	swait.ge [sflag:s6], $0x800  }
0xae: {  	[sflag:s6] =	ssyncset.done $0x0  }
0xaf: {  	[sflag:s6] =	ssyncadd.s32 $0xFFFFF800  }
0xb0: {  	[spmem:s15], [sflag:s0] =	dma.local [hbm:s30], $0x800  }
0xb1: {  	_ =	swait.ge [sflag:s6], $0x800  }
0xb2: {  	[sflag:s6] =	ssyncset.done $0x0  }
0xb3: {  	[sflag:s6] =	ssyncadd.s32 $0xFFFFF800  }
0xb4: {  	[spmem:s16], [sflag:s0] =	dma.local @!p1 [hbm:s30], $0x800  }
0xb5: {  	_ =	swait.ge @!p1 [sflag:s17], $0x800  }
0xb6: {  	[sflag:s17] =	ssyncset.done @!p1 $0x0  }
0xb7: {  	[sflag:s17] =	ssyncadd.s32 @!p1 $0xFFFFF800  }
0xb8: {  	s20 =	sadd.s32 $0x0, s24;
	[bflag:$0x0] =	sbarrier.arrive $0xFFFF  }
0xb9: {  	[tilespmem:s21], [sflag:$0x2] =	stream.linear.gather [hbm4b:s20+s21], $0x80, $0x38;
	[tilespmem:$0x17D00] =	vst v63  }
0xba: {  	_ =	swait.ge [sflag:s6], $0x80  }
0xbb: {  	[sflag:s6] =	ssyncset.done $0x0  }
0xbc: {  	[sflag:s6] =	ssyncadd.s32 $0xFFFFFF80  }
0xbd: {  	[tilespmem:s8], [sflag:$0x1] =	stream.indirect.gather [hbm4b:s29+s7], $0x80, s21, s7, $0xb8;
	[tilespmem:$0x17D00] =	vst v63  }
0xbe: {  	_ =	swait.ge [sflag:s9], $0x4000  }
0xbf: {  	[sflag:s9] =	ssyncset.done $0x0  }
0xc0: {  	s31 =	sadd.s32 $0x0, s5;
	[sflag:s9] =	ssyncadd.s32 $0xFFFFC000  }
0xc1: {  	[tilespmem:s7], [sflag:$0x2] =	stream.linear.gather [hbm4b:s31+s21], $0x80, $0x38;
	[tilespmem:$0x17D00] =	vst v63  }
0xc2: {  	_ =	swait.ge [sflag:s6], $0x80  }
0xc3: {  	[sflag:s6] =	ssyncset.done $0x0  }
0xc4: {  	[sflag:s6] =	ssyncadd.s32 $0xFFFFFF80  }
0xc5: {  	[spmem:s26] =	stream.indirect.scatter.add.f32 [tilespmem:s8], [sflag:$0x2], $0x80, s7, s7, $0xb8;
	[tilespmem:$0x17D00] =	vst v63  }
0xc6: {  	_ =	swait.ge [sflag:s6], $0x4000  }
0xc7: {  	s18 =	simm.s32 $0x20;
	s17 =	simm.s32 $0x10;
	[sflag:s6] =	ssyncset.done $0x0  }
.LBB2_4:
0xc8: {  	s19 =	sadd.s32 s17, s24  }
0xc9: {  	[sflag:s6] =	ssyncadd.s32 $0xFFFFC000;
	s20 =	smov.u32 s18;
	s31 =	sadd.s32 $0x10, s18  }
0xca: {  	[tilespmem:s21], [sflag:$0x2] =	stream.linear.gather [hbm4b:s19+s21], $0x80, $0x38;
	[tilespmem:$0x17D00] =	vst v63  }
0xcb: {  	p3 =	sne.s32 s18, $0x4F0;
	_ =	swait.ge [sflag:s6], $0x80  }
0xcc: {  	[sflag:s6] =	ssyncset.done $0x0  }
0xcd: {  	[sflag:s6] =	ssyncadd.s32 $0xFFFFFF80  }
0xce: {  	[tilespmem:s8], [sflag:$0x1] =	stream.indirect.gather [hbm4b:s29+s7], $0x80, s21, s7, $0xb8;
	[tilespmem:$0x17D00] =	vst v63  }
0xcf: {  	_ =	swait.ge [sflag:s9], $0x4000  }
0xd0: {  	[sflag:s9] =	ssyncset.done $0x0  }
0xd1: {  	s18 =	sadd.s32 s17, s5;
	s17 =	smov.u32 s20;
	[sflag:s9] =	ssyncadd.s32 $0xFFFFC000  }
0xd2: {  	[tilespmem:s7], [sflag:$0x2] =	stream.linear.gather [hbm4b:s18+s21], $0x80, $0x38;
	[tilespmem:$0x17D00] =	vst v63  }
0xd3: {  	_ =	swait.ge [sflag:s6], $0x80  }
.Ltmp1:
0xd4: {  	[sflag:s6] =	ssyncset.done $0x0;
	(pc) =	sbr.rel @p3 .LBB2_4-.Ltmp1, $4  }
0xd5: {  	[sflag:s6] =	ssyncadd.s32 $0xFFFFFF80  }
0xd6: {  	[spmem:s26] =	stream.indirect.scatter.add.f32 [tilespmem:s8], [sflag:$0x2], $0x80, s7, s7, $0xb8;
	[tilespmem:$0x17D00] =	vst v63  }
0xd7: {  	_ =	swait.ge [sflag:s6], $0x4000  }
0xd8: {  	s18 =	smov.u32 s31;
	[sflag:s6] =	ssyncset.done $0x0  }
0xd9: {  	s18 =	sadd.s32 s17, s24;
	[sflag:s6] =	ssyncadd.s32 $0xFFFFC000  }
0xda: {  	[tilespmem:s21], [sflag:$0x2] =	stream.linear.gather [hbm4b:s18+s21], $0x80, $0x38;
	[tilespmem:$0x17D00] =	vst v63  }
0xdb: {  	_ =	swait.ge [sflag:s6], $0x80  }
0xdc: {  	[sflag:s6] =	ssyncset.done $0x0  }
0xdd: {  	[sflag:s6] =	ssyncadd.s32 $0xFFFFFF80  }
0xde: {  	[tilespmem:s8], [sflag:$0x1] =	stream.indirect.gather [hbm4b:s29+s7], $0x80, s21, s7, $0xb8;
	[tilespmem:$0x17D00] =	vst v63  }
0xdf: {  	_ =	swait.ge [sflag:s9], $0x4000  }
0xe0: {  	[sflag:s9] =	ssyncset.done $0x0  }
0xe1: {  	s19 =	sadd.s32 s17, s5;
	[sflag:s9] =	ssyncadd.s32 $0xFFFFC000  }
0xe2: {  	[tilespmem:s7], [sflag:$0x2] =	stream.linear.gather [hbm4b:s19+s21], $0x80, $0x38;
	[tilespmem:$0x17D00] =	vst v63  }
0xe3: {  	_ =	swait.ge [sflag:s6], $0x80  }
0xe4: {  	[sflag:s6] =	ssyncset.done $0x0  }
0xe5: {  	[sflag:s6] =	ssyncadd.s32 $0xFFFFFF80  }
0xe6: {  	[spmem:s26] =	stream.indirect.scatter.add.f32 [tilespmem:s8], [sflag:$0x2], $0x80, s7, s7, $0xb8;
	[tilespmem:$0x17D00] =	vst v63  }
0xe7: {  	_ =	swait.ge [sflag:s6], $0x4000  }
0xe8: {  	[sflag:s6] =	ssyncset.done $0x0  }
0xe9: {  	[sflag:s6] =	ssyncadd.s32 $0xFFFFC000  }
0xea: {  	[bflag:$0x0] =	sbarrier.arrive $0xFFFF  }
0xeb: {  	[tilespmem:s8], [sflag:$0x3] =	stream.linear.gather [spmem:s23], $0x4000, $0x38;
	[tilespmem:$0x17D00] =	vst v63  }
0xec: {  	_ =	swait.ge [sflag:s10], $0x4000  }
0xed: {  	[sflag:s10] =	ssyncset.done $0x0  }
0xee: {  	s20 =	rddreg [dreg:$0x8];
	[sflag:s10] =	ssyncadd.s32 $0xFFFFC000  }
0xef: {  	[hbm4b:s20+s21] =	stream.linear.scatter [tilespmem:s8], [sflag:$0x2], $0x4000, $0x38;
	[tilespmem:$0x17D00] =	vst v63  }
0xf0: {  	_ =	swait.ge [sflag:s6], $0x4000  }
0xf1: {  	[sflag:s6] =	ssyncset.done $0x0  }
0xf2: {  	[sflag:s6] =	ssyncadd.s32 $0xFFFFC000  }
0xf3: {  	[tilespmem:s8], [sflag:$0x3] =	stream.linear.gather [spmem:s1], $0x4000, $0x38;
	[tilespmem:$0x17D00] =	vst v63  }
0xf4: {  	_ =	swait.ge [sflag:s10], $0x4000  }
0xf5: {  	[sflag:s10] =	ssyncset.done $0x0  }
0xf6: {  	s31 =	rddreg [dreg:$0x9];
	[sflag:s10] =	ssyncadd.s32 $0xFFFFC000  }
0xf7: {  	[hbm4b:s31+s21] =	stream.linear.scatter [tilespmem:s8], [sflag:$0x2], $0x4000, $0x38;
	[tilespmem:$0x17D00] =	vst v63  }
0xf8: {  	_ =	swait.ge [sflag:s6], $0x4000  }
0xf9: {  	[sflag:s6] =	ssyncset.done $0x0  }
0xfa: {  	[sflag:s6] =	ssyncadd.s32 $0xFFFFC000  }
0xfb: {  	[tilespmem:s8], [sflag:$0x3] =	stream.linear.gather [spmem:s2], $0x4000, $0x38;
	[tilespmem:$0x17D00] =	vst v63  }
0xfc: {  	_ =	swait.ge [sflag:s10], $0x4000  }
0xfd: {  	[sflag:s10] =	ssyncset.done $0x0  }
0xfe: {  	s18 =	rddreg [dreg:$0xa];
	[sflag:s10] =	ssyncadd.s32 $0xFFFFC000  }
0xff: {  	[hbm4b:s18+s21] =	stream.linear.scatter [tilespmem:s8], [sflag:$0x2], $0x4000, $0x38;
	[tilespmem:$0x17D00] =	vst v63  }
0x100: {  	_ =	swait.ge [sflag:s6], $0x4000  }
0x101: {  	[sflag:s6] =	ssyncset.done $0x0  }
0x102: {  	[sflag:s6] =	ssyncadd.s32 $0xFFFFC000  }
0x103: {  	[tilespmem:s8], [sflag:$0x3] =	stream.linear.gather [spmem:s3], $0x4000, $0x38;
	[tilespmem:$0x17D00] =	vst v63  }
0x104: {  	_ =	swait.ge [sflag:s10], $0x4000  }
0x105: {  	[sflag:s10] =	ssyncset.done $0x0  }
0x106: {  	s19 =	rddreg [dreg:$0xb];
	[sflag:s10] =	ssyncadd.s32 $0xFFFFC000  }
0x107: {  	[hbm4b:s19+s21] =	stream.linear.scatter [tilespmem:s8], [sflag:$0x2], $0x4000, $0x38;
	[tilespmem:$0x17D00] =	vst v63  }
0x108: {  	_ =	swait.ge [sflag:s6], $0x4000  }
0x109: {  	[sflag:s6] =	ssyncset.done $0x0  }
0x10a: {  	s17 =	simm.s32 @!p1 $0x100;
	s18 =	simm.s32 @!p1 $0x3;
	[sflag:s6] =	ssyncadd.s32 $0xFFFFC000  }
0x10b: {  	[tilespmem:s17], [sflag:$0x3] =	stream.linear.gather @!p1 [spmem:s4], $0x4000, $0x38;
	[tilespmem:$0x17D00] =	vst v63  }
0x10c: {  	_ =	swait.ge @!p1 [sflag:s18], $0x4000  }
0x10d: {  	[sflag:s18] =	ssyncset.done @!p1 $0x0  }
0x10e: {  	s19 =	rddreg [dreg:$0xc];
	[sflag:s18] =	ssyncadd.s32 @!p1 $0xFFFFC000;
	s18 =	simm.s32 @!p1 $0x0  }
0x10f: {  	[hbm4b:s19+s18] =	stream.linear.scatter @!p1 [tilespmem:s17], [sflag:$0x2], $0x4000, $0x38;
	[tilespmem:$0x17D00] =	vst v63  }
0x110: {  	s17 =	simm.s32 @!p1 $0x2  }
0x111: {  	_ =	swait.ge @!p1 [sflag:s17], $0x4000  }
0x112: {  	[sflag:s17] =	ssyncset.done @!p1 $0x0  }
0x113: {  	[sflag:s17] =	ssyncadd.s32 @!p1 $0xFFFFC000  }
0x114: {  	[bflag:$0x0] =	sbarrier.arrive $0xFFFF  }
0x115: {  	[spmem:s12], [sflag:s0] =	dma.local [hbm:s30], $0x800  }
0x116: {  	_ =	swait.ge [sflag:s6], $0x800  }
0x117: {  	[sflag:s6] =	ssyncset.done $0x0  }
0x118: {  	[sflag:s6] =	ssyncadd.s32 $0xFFFFF800  }
0x119: {  	[spmem:s13], [sflag:s0] =	dma.local [hbm:s30], $0x800  }
0x11a: {  	_ =	swait.ge [sflag:s6], $0x800  }
0x11b: {  	[sflag:s6] =	ssyncset.done $0x0  }
0x11c: {  	[sflag:s6] =	ssyncadd.s32 $0xFFFFF800  }
0x11d: {  	[spmem:s14], [sflag:s0] =	dma.local [hbm:s30], $0x800  }
0x11e: {  	_ =	swait.ge [sflag:s6], $0x800  }
0x11f: {  	[sflag:s6] =	ssyncset.done $0x0  }
0x120: {  	[sflag:s6] =	ssyncadd.s32 $0xFFFFF800  }
0x121: {  	[spmem:s15], [sflag:s0] =	dma.local [hbm:s30], $0x800  }
0x122: {  	_ =	swait.ge [sflag:s6], $0x800  }
0x123: {  	[sflag:s6] =	ssyncset.done $0x0  }
0x124: {  	[sflag:s6] =	ssyncadd.s32 $0xFFFFF800  }
0x125: {  	[spmem:s16], [sflag:s0] =	dma.local @!p1 [hbm:s30], $0x800  }
0x126: {  	_ =	swait.ge @!p1 [sflag:s17], $0x800  }
0x127: {  	[sflag:s17] =	ssyncset.done @!p1 $0x0  }
0x128: {  	[sflag:s17] =	ssyncadd.s32 @!p1 $0xFFFFF800  }
0x129: {  	s20 =	sadd.s32 $0x0, s25;
	[bflag:$0x0] =	sbarrier.arrive $0xFFFF  }
0x12a: {  	[tilespmem:s21], [sflag:$0x2] =	stream.linear.gather [hbm4b:s20+s21], $0x80, $0x38;
	[tilespmem:$0x17D00] =	vst v63  }
0x12b: {  	_ =	swait.ge [sflag:s6], $0x80  }
0x12c: {  	[sflag:s6] =	ssyncset.done $0x0  }
0x12d: {  	[sflag:s6] =	ssyncadd.s32 $0xFFFFFF80  }
0x12e: {  	[tilespmem:s8], [sflag:$0x1] =	stream.indirect.gather [hbm4b:s29+s7], $0x80, s21, s7, $0xb8;
	[tilespmem:$0x17D00] =	vst v63  }
0x12f: {  	_ =	swait.ge [sflag:s9], $0x4000  }
0x130: {  	[sflag:s9] =	ssyncset.done $0x0  }
0x131: {  	s31 =	sadd.s32 $0x0, s5;
	[sflag:s9] =	ssyncadd.s32 $0xFFFFC000  }
0x132: {  	[tilespmem:s7], [sflag:$0x2] =	stream.linear.gather [hbm4b:s31+s21], $0x80, $0x38;
	[tilespmem:$0x17D00] =	vst v63  }
0x133: {  	_ =	swait.ge [sflag:s6], $0x80  }
0x134: {  	[sflag:s6] =	ssyncset.done $0x0  }
0x135: {  	[sflag:s6] =	ssyncadd.s32 $0xFFFFFF80  }
0x136: {  	[spmem:s26] =	stream.indirect.scatter.add.f32 [tilespmem:s8], [sflag:$0x2], $0x80, s7, s7, $0xb8;
	[tilespmem:$0x17D00] =	vst v63  }
0x137: {  	_ =	swait.ge [sflag:s6], $0x4000  }
0x138: {  	s18 =	simm.s32 $0x20;
	s17 =	simm.s32 $0x10;
	[sflag:s6] =	ssyncset.done $0x0  }
.LBB2_6:
0x139: {  	s19 =	sadd.s32 s17, s25  }
0x13a: {  	[sflag:s6] =	ssyncadd.s32 $0xFFFFC000;
	s20 =	smov.u32 s18;
	s31 =	sadd.s32 $0x10, s18  }
0x13b: {  	[tilespmem:s21], [sflag:$0x2] =	stream.linear.gather [hbm4b:s19+s21], $0x80, $0x38;
	[tilespmem:$0x17D00] =	vst v63  }
0x13c: {  	p3 =	sne.s32 s18, $0x4F0;
	_ =	swait.ge [sflag:s6], $0x80  }
0x13d: {  	[sflag:s6] =	ssyncset.done $0x0  }
0x13e: {  	[sflag:s6] =	ssyncadd.s32 $0xFFFFFF80  }
0x13f: {  	[tilespmem:s8], [sflag:$0x1] =	stream.indirect.gather [hbm4b:s29+s7], $0x80, s21, s7, $0xb8;
	[tilespmem:$0x17D00] =	vst v63  }
0x140: {  	_ =	swait.ge [sflag:s9], $0x4000  }
0x141: {  	[sflag:s9] =	ssyncset.done $0x0  }
0x142: {  	s18 =	sadd.s32 s17, s5;
	s17 =	smov.u32 s20;
	[sflag:s9] =	ssyncadd.s32 $0xFFFFC000  }
0x143: {  	[tilespmem:s7], [sflag:$0x2] =	stream.linear.gather [hbm4b:s18+s21], $0x80, $0x38;
	[tilespmem:$0x17D00] =	vst v63  }
0x144: {  	_ =	swait.ge [sflag:s6], $0x80  }
.Ltmp2:
0x145: {  	[sflag:s6] =	ssyncset.done $0x0;
	(pc) =	sbr.rel @p3 .LBB2_6-.Ltmp2, $4  }
0x146: {  	[sflag:s6] =	ssyncadd.s32 $0xFFFFFF80  }
0x147: {  	[spmem:s26] =	stream.indirect.scatter.add.f32 [tilespmem:s8], [sflag:$0x2], $0x80, s7, s7, $0xb8;
	[tilespmem:$0x17D00] =	vst v63  }
0x148: {  	_ =	swait.ge [sflag:s6], $0x4000  }
0x149: {  	s18 =	smov.u32 s31;
	[sflag:s6] =	ssyncset.done $0x0  }
0x14a: {  	s18 =	sadd.s32 s17, s25;
	[sflag:s6] =	ssyncadd.s32 $0xFFFFC000  }
0x14b: {  	[tilespmem:s21], [sflag:$0x2] =	stream.linear.gather [hbm4b:s18+s21], $0x80, $0x38;
	[tilespmem:$0x17D00] =	vst v63  }
0x14c: {  	_ =	swait.ge [sflag:s6], $0x80  }
0x14d: {  	[sflag:s6] =	ssyncset.done $0x0  }
0x14e: {  	[sflag:s6] =	ssyncadd.s32 $0xFFFFFF80  }
0x14f: {  	[tilespmem:s8], [sflag:$0x1] =	stream.indirect.gather [hbm4b:s29+s7], $0x80, s21, s7, $0xb8;
	[tilespmem:$0x17D00] =	vst v63  }
0x150: {  	_ =	swait.ge [sflag:s9], $0x4000  }
0x151: {  	[sflag:s9] =	ssyncset.done $0x0  }
0x152: {  	s19 =	sadd.s32 s17, s5;
	[sflag:s9] =	ssyncadd.s32 $0xFFFFC000  }
0x153: {  	[tilespmem:s7], [sflag:$0x2] =	stream.linear.gather [hbm4b:s19+s21], $0x80, $0x38;
	[tilespmem:$0x17D00] =	vst v63  }
0x154: {  	_ =	swait.ge [sflag:s6], $0x80  }
0x155: {  	[sflag:s6] =	ssyncset.done $0x0  }
0x156: {  	[sflag:s6] =	ssyncadd.s32 $0xFFFFFF80  }
0x157: {  	[spmem:s26] =	stream.indirect.scatter.add.f32 [tilespmem:s8], [sflag:$0x2], $0x80, s7, s7, $0xb8;
	[tilespmem:$0x17D00] =	vst v63  }
0x158: {  	_ =	swait.ge [sflag:s6], $0x4000  }
0x159: {  	[sflag:s6] =	ssyncset.done $0x0  }
0x15a: {  	[sflag:s6] =	ssyncadd.s32 $0xFFFFC000  }
0x15b: {  	[bflag:$0x0] =	sbarrier.arrive $0xFFFF  }
0x15c: {  	[tilespmem:s8], [sflag:$0x3] =	stream.linear.gather [spmem:s23], $0x4000, $0x38;
	[tilespmem:$0x17D00] =	vst v63  }
0x15d: {  	_ =	swait.ge [sflag:s10], $0x4000  }
0x15e: {  	[sflag:s10] =	ssyncset.done $0x0  }
0x15f: {  	s20 =	rddreg [dreg:$0xd];
	[sflag:s10] =	ssyncadd.s32 $0xFFFFC000  }
0x160: {  	[hbm4b:s20+s21] =	stream.linear.scatter [tilespmem:s8], [sflag:$0x2], $0x4000, $0x38;
	[tilespmem:$0x17D00] =	vst v63  }
0x161: {  	_ =	swait.ge [sflag:s6], $0x4000  }
0x162: {  	[sflag:s6] =	ssyncset.done $0x0  }
0x163: {  	[sflag:s6] =	ssyncadd.s32 $0xFFFFC000  }
0x164: {  	[tilespmem:s8], [sflag:$0x3] =	stream.linear.gather [spmem:s1], $0x4000, $0x38;
	[tilespmem:$0x17D00] =	vst v63  }
0x165: {  	_ =	swait.ge [sflag:s10], $0x4000  }
0x166: {  	[sflag:s10] =	ssyncset.done $0x0  }
0x167: {  	s31 =	rddreg [dreg:$0xe];
	[sflag:s10] =	ssyncadd.s32 $0xFFFFC000  }
0x168: {  	[hbm4b:s31+s21] =	stream.linear.scatter [tilespmem:s8], [sflag:$0x2], $0x4000, $0x38;
	[tilespmem:$0x17D00] =	vst v63  }
0x169: {  	_ =	swait.ge [sflag:s6], $0x4000  }
0x16a: {  	[sflag:s6] =	ssyncset.done $0x0  }
0x16b: {  	[sflag:s6] =	ssyncadd.s32 $0xFFFFC000  }
0x16c: {  	[tilespmem:s8], [sflag:$0x3] =	stream.linear.gather [spmem:s2], $0x4000, $0x38;
	[tilespmem:$0x17D00] =	vst v63  }
0x16d: {  	_ =	swait.ge [sflag:s10], $0x4000  }
0x16e: {  	[sflag:s10] =	ssyncset.done $0x0  }
0x16f: {  	s18 =	rddreg [dreg:$0xf];
	[sflag:s10] =	ssyncadd.s32 $0xFFFFC000  }
0x170: {  	[hbm4b:s18+s21] =	stream.linear.scatter [tilespmem:s8], [sflag:$0x2], $0x4000, $0x38;
	[tilespmem:$0x17D00] =	vst v63  }
0x171: {  	_ =	swait.ge [sflag:s6], $0x4000  }
0x172: {  	[sflag:s6] =	ssyncset.done $0x0  }
0x173: {  	[sflag:s6] =	ssyncadd.s32 $0xFFFFC000  }
0x174: {  	[tilespmem:s8], [sflag:$0x3] =	stream.linear.gather [spmem:s3], $0x4000, $0x38;
	[tilespmem:$0x17D00] =	vst v63  }
0x175: {  	_ =	swait.ge [sflag:s10], $0x4000  }
0x176: {  	[sflag:s10] =	ssyncset.done $0x0  }
0x177: {  	s19 =	rddreg [dreg:$0x10];
	[sflag:s10] =	ssyncadd.s32 $0xFFFFC000  }
0x178: {  	[hbm4b:s19+s21] =	stream.linear.scatter [tilespmem:s8], [sflag:$0x2], $0x4000, $0x38;
	[tilespmem:$0x17D00] =	vst v63  }
0x179: {  	_ =	swait.ge [sflag:s6], $0x4000  }
0x17a: {  	[sflag:s6] =	ssyncset.done $0x0  }
0x17b: {  	s17 =	simm.s32 @!p1 $0x100;
	s18 =	simm.s32 @!p1 $0x3;
	[sflag:s6] =	ssyncadd.s32 $0xFFFFC000  }
0x17c: {  	[tilespmem:s17], [sflag:$0x3] =	stream.linear.gather @!p1 [spmem:s4], $0x4000, $0x38;
	[tilespmem:$0x17D00] =	vst v63  }
0x17d: {  	_ =	swait.ge @!p1 [sflag:s18], $0x4000  }
0x17e: {  	[sflag:s18] =	ssyncset.done @!p1 $0x0  }
0x17f: {  	s19 =	rddreg [dreg:$0x11];
	[sflag:s18] =	ssyncadd.s32 @!p1 $0xFFFFC000;
	s18 =	simm.s32 @!p1 $0x0  }
0x180: {  	[hbm4b:s19+s18] =	stream.linear.scatter @!p1 [tilespmem:s17], [sflag:$0x2], $0x4000, $0x38;
	[tilespmem:$0x17D00] =	vst v63  }
0x181: {  	s17 =	simm.s32 @!p1 $0x2  }
0x182: {  	_ =	swait.ge @!p1 [sflag:s17], $0x4000  }
0x183: {  	[sflag:s17] =	ssyncset.done @!p1 $0x0  }
0x184: {  	[sflag:s17] =	ssyncadd.s32 @!p1 $0xFFFFC000  }
0x185: {  	[bflag:$0x0] =	sbarrier.arrive $0xFFFF  }
0x186: {  	[spmem:s12], [sflag:s0] =	dma.local [hbm:s30], $0x800  }
0x187: {  	_ =	swait.ge [sflag:s6], $0x800  }
0x188: {  	[sflag:s6] =	ssyncset.done $0x0  }
0x189: {  	[sflag:s6] =	ssyncadd.s32 $0xFFFFF800  }
0x18a: {  	[spmem:s13], [sflag:s0] =	dma.local [hbm:s30], $0x800  }
0x18b: {  	_ =	swait.ge [sflag:s6], $0x800  }
0x18c: {  	[sflag:s6] =	ssyncset.done $0x0  }
0x18d: {  	[sflag:s6] =	ssyncadd.s32 $0xFFFFF800  }
0x18e: {  	[spmem:s14], [sflag:s0] =	dma.local [hbm:s30], $0x800  }
0x18f: {  	_ =	swait.ge [sflag:s6], $0x800  }
0x190: {  	[sflag:s6] =	ssyncset.done $0x0  }
0x191: {  	[sflag:s6] =	ssyncadd.s32 $0xFFFFF800  }
0x192: {  	[spmem:s15], [sflag:s0] =	dma.local [hbm:s30], $0x800  }
0x193: {  	_ =	swait.ge [sflag:s6], $0x800  }
0x194: {  	[sflag:s6] =	ssyncset.done $0x0  }
0x195: {  	[sflag:s6] =	ssyncadd.s32 $0xFFFFF800  }
0x196: {  	[spmem:s16], [sflag:s0] =	dma.local @!p1 [hbm:s30], $0x800  }
0x197: {  	_ =	swait.ge @!p1 [sflag:s17], $0x800  }
0x198: {  	[sflag:s17] =	ssyncset.done @!p1 $0x0  }
0x199: {  	[sflag:s17] =	ssyncadd.s32 @!p1 $0xFFFFF800  }
0x19a: {  	s20 =	sadd.s32 $0x0, s28;
	[bflag:$0x0] =	sbarrier.arrive $0xFFFF  }
0x19b: {  	[tilespmem:s21], [sflag:$0x2] =	stream.linear.gather [hbm4b:s20+s21], $0x80, $0x38;
	[tilespmem:$0x17D00] =	vst v63  }
0x19c: {  	_ =	swait.ge [sflag:s6], $0x80  }
0x19d: {  	[sflag:s6] =	ssyncset.done $0x0  }
0x19e: {  	[sflag:s6] =	ssyncadd.s32 $0xFFFFFF80  }
0x19f: {  	[tilespmem:s8], [sflag:$0x1] =	stream.indirect.gather [hbm4b:s29+s7], $0x80, s21, s7, $0xb8;
	[tilespmem:$0x17D00] =	vst v63  }
0x1a0: {  	_ =	swait.ge [sflag:s9], $0x4000  }
0x1a1: {  	[sflag:s9] =	ssyncset.done $0x0  }
0x1a2: {  	s31 =	sadd.s32 $0x0, s5;
	[sflag:s9] =	ssyncadd.s32 $0xFFFFC000  }
0x1a3: {  	[tilespmem:s7], [sflag:$0x2] =	stream.linear.gather [hbm4b:s31+s21], $0x80, $0x38;
	[tilespmem:$0x17D00] =	vst v63  }
0x1a4: {  	_ =	swait.ge [sflag:s6], $0x80  }
0x1a5: {  	[sflag:s6] =	ssyncset.done $0x0  }
0x1a6: {  	[sflag:s6] =	ssyncadd.s32 $0xFFFFFF80  }
0x1a7: {  	[spmem:s26] =	stream.indirect.scatter.add.f32 [tilespmem:s8], [sflag:$0x2], $0x80, s7, s7, $0xb8;
	[tilespmem:$0x17D00] =	vst v63  }
0x1a8: {  	_ =	swait.ge [sflag:s6], $0x4000  }
0x1a9: {  	s12 =	simm.s32 $0x10;
	s13 =	simm.s32 $0x20;
	[sflag:s6] =	ssyncset.done $0x0  }
.LBB2_8:
0x1aa: {  	s14 =	sadd.s32 s12, s28  }
0x1ab: {  	[sflag:s6] =	ssyncadd.s32 $0xFFFFC000;
	s15 =	smov.u32 s13;
	s16 =	sadd.s32 $0x10, s13  }
0x1ac: {  	[tilespmem:s21], [sflag:$0x2] =	stream.linear.gather [hbm4b:s14+s21], $0x80, $0x38;
	[tilespmem:$0x17D00] =	vst v63  }
0x1ad: {  	p3 =	sne.s32 s13, $0x4F0;
	_ =	swait.ge [sflag:s6], $0x80  }
0x1ae: {  	[sflag:s6] =	ssyncset.done $0x0  }
0x1af: {  	[sflag:s6] =	ssyncadd.s32 $0xFFFFFF80  }
0x1b0: {  	[tilespmem:s8], [sflag:$0x1] =	stream.indirect.gather [hbm4b:s29+s7], $0x80, s21, s7, $0xb8;
	[tilespmem:$0x17D00] =	vst v63  }
0x1b1: {  	_ =	swait.ge [sflag:s9], $0x4000  }
0x1b2: {  	[sflag:s9] =	ssyncset.done $0x0  }
0x1b3: {  	s13 =	sadd.s32 s12, s5;
	s12 =	smov.u32 s15;
	[sflag:s9] =	ssyncadd.s32 $0xFFFFC000  }
0x1b4: {  	[tilespmem:s7], [sflag:$0x2] =	stream.linear.gather [hbm4b:s13+s21], $0x80, $0x38;
	[tilespmem:$0x17D00] =	vst v63  }
0x1b5: {  	_ =	swait.ge [sflag:s6], $0x80  }
.Ltmp3:
0x1b6: {  	[sflag:s6] =	ssyncset.done $0x0;
	(pc) =	sbr.rel @p3 .LBB2_8-.Ltmp3, $4  }
0x1b7: {  	[sflag:s6] =	ssyncadd.s32 $0xFFFFFF80  }
0x1b8: {  	[spmem:s26] =	stream.indirect.scatter.add.f32 [tilespmem:s8], [sflag:$0x2], $0x80, s7, s7, $0xb8;
	[tilespmem:$0x17D00] =	vst v63  }
0x1b9: {  	_ =	swait.ge [sflag:s6], $0x4000  }
0x1ba: {  	s13 =	smov.u32 s16;
	[sflag:s6] =	ssyncset.done $0x0  }
0x1bb: {  	s13 =	sadd.s32 s12, s28;
	[sflag:s6] =	ssyncadd.s32 $0xFFFFC000  }
0x1bc: {  	[tilespmem:s21], [sflag:$0x2] =	stream.linear.gather [hbm4b:s13+s21], $0x80, $0x38;
	[tilespmem:$0x17D00] =	vst v63  }
0x1bd: {  	_ =	swait.ge [sflag:s6], $0x80  }
0x1be: {  	[sflag:s6] =	ssyncset.done $0x0  }
0x1bf: {  	[sflag:s6] =	ssyncadd.s32 $0xFFFFFF80  }
0x1c0: {  	[tilespmem:s8], [sflag:$0x1] =	stream.indirect.gather [hbm4b:s29+s7], $0x80, s21, s7, $0xb8;
	[tilespmem:$0x17D00] =	vst v63  }
0x1c1: {  	_ =	swait.ge [sflag:s9], $0x4000  }
0x1c2: {  	[sflag:s9] =	ssyncset.done $0x0  }
0x1c3: {  	s20 =	sadd.s32 s12, s5;
	[sflag:s9] =	ssyncadd.s32 $0xFFFFC000  }
0x1c4: {  	[tilespmem:s7], [sflag:$0x2] =	stream.linear.gather [hbm4b:s20+s21], $0x80, $0x38;
	[tilespmem:$0x17D00] =	vst v63  }
0x1c5: {  	_ =	swait.ge [sflag:s6], $0x80  }
0x1c6: {  	[sflag:s6] =	ssyncset.done $0x0  }
0x1c7: {  	[sflag:s6] =	ssyncadd.s32 $0xFFFFFF80  }
0x1c8: {  	[spmem:s26] =	stream.indirect.scatter.add.f32 [tilespmem:s8], [sflag:$0x2], $0x80, s7, s7, $0xb8;
	[tilespmem:$0x17D00] =	vst v63  }
0x1c9: {  	_ =	swait.ge [sflag:s6], $0x4000  }
0x1ca: {  	[sflag:s6] =	ssyncset.done $0x0  }
0x1cb: {  	[sflag:s6] =	ssyncadd.s32 $0xFFFFC000  }
0x1cc: {  	s12 =	simm.s32 @!p0 $0x100;
	s13 =	simm.s32 @!p0 $0x3;
	[bflag:$0x0] =	sbarrier.arrive $0xFFFF  }
0x1cd: {  	[tilespmem:s12], [sflag:$0x3] =	stream.linear.gather @!p0 [spmem:s23], $0x4000, $0x38;
	[tilespmem:$0x17D00] =	vst v63  }
0x1ce: {  	_ =	swait.ge @!p0 [sflag:s13], $0x4000  }
0x1cf: {  	[sflag:s13] =	ssyncset.done @!p0 $0x0  }
0x1d0: {  	s14 =	simm.s32 @!p0 $0x0;
	s15 =	rddreg [dreg:$0x12];
	[sflag:s13] =	ssyncadd.s32 @!p0 $0xFFFFC000  }
0x1d1: {  	[hbm4b:s15+s14] =	stream.linear.scatter @!p0 [tilespmem:s12], [sflag:$0x2], $0x4000, $0x38;
	[tilespmem:$0x17D00] =	vst v63  }
0x1d2: {  	s15 =	simm.s32 @!p0 $0x2  }
0x1d3: {  	_ =	swait.ge @!p0 [sflag:s15], $0x4000  }
0x1d4: {  	[sflag:s15] =	ssyncset.done @!p0 $0x0  }
0x1d5: {  	[sflag:s15] =	ssyncadd.s32 @!p0 $0xFFFFC000  }
0x1d6: {  	[tilespmem:s12], [sflag:$0x3] =	stream.linear.gather @!p0 [spmem:s1], $0x4000, $0x38;
	[tilespmem:$0x17D00] =	vst v63  }
0x1d7: {  	_ =	swait.ge @!p0 [sflag:s13], $0x4000  }
0x1d8: {  	[sflag:s13] =	ssyncset.done @!p0 $0x0  }
0x1d9: {  	s16 =	rddreg [dreg:$0x13];
	[sflag:s13] =	ssyncadd.s32 @!p0 $0xFFFFC000  }
0x1da: {  	[hbm4b:s16+s14] =	stream.linear.scatter @!p0 [tilespmem:s12], [sflag:$0x2], $0x4000, $0x38;
	[tilespmem:$0x17D00] =	vst v63  }
0x1db: {  	_ =	swait.ge @!p0 [sflag:s15], $0x4000  }
0x1dc: {  	[sflag:s15] =	ssyncset.done @!p0 $0x0  }
0x1dd: {  	[sflag:s15] =	ssyncadd.s32 @!p0 $0xFFFFC000  }
0x1de: {  	[tilespmem:s12], [sflag:$0x3] =	stream.linear.gather @!p0 [spmem:s2], $0x4000, $0x38;
	[tilespmem:$0x17D00] =	vst v63  }
0x1df: {  	_ =	swait.ge @!p0 [sflag:s13], $0x4000  }
0x1e0: {  	[sflag:s13] =	ssyncset.done @!p0 $0x0  }
0x1e1: {  	s16 =	rddreg [dreg:$0x14];
	[sflag:s13] =	ssyncadd.s32 @!p0 $0xFFFFC000  }
0x1e2: {  	[hbm4b:s16+s14] =	stream.linear.scatter @!p0 [tilespmem:s12], [sflag:$0x2], $0x4000, $0x38;
	[tilespmem:$0x17D00] =	vst v63  }
0x1e3: {  	_ =	swait.ge @!p0 [sflag:s15], $0x4000  }
0x1e4: {  	[sflag:s15] =	ssyncset.done @!p0 $0x0  }
0x1e5: {  	[sflag:s15] =	ssyncadd.s32 @!p0 $0xFFFFC000  }
0x1e6: {  	[tilespmem:s12], [sflag:$0x3] =	stream.linear.gather @!p0 [spmem:s3], $0x4000, $0x38;
	[tilespmem:$0x17D00] =	vst v63  }
0x1e7: {  	_ =	swait.ge @!p0 [sflag:s13], $0x4000  }
0x1e8: {  	[sflag:s13] =	ssyncset.done @!p0 $0x0  }
0x1e9: {  	[sflag:s13] =	ssyncadd.s32 @!p0 $0xFFFFC000;
	s13 =	rddreg [dreg:$0x15]  }
0x1ea: {  	[hbm4b:s13+s14] =	stream.linear.scatter @!p0 [tilespmem:s12], [sflag:$0x2], $0x4000, $0x38;
	[tilespmem:$0x17D00] =	vst v63  }
0x1eb: {  	_ =	swait.ge @!p0 [sflag:s15], $0x4000  }
0x1ec: {  	[sflag:s15] =	ssyncset.done @!p0 $0x0  }
0x1ed: {  	s12 =	simm.s32 @!p2 $0x100;
	s13 =	simm.s32 @!p2 $0x3;
	[sflag:s15] =	ssyncadd.s32 @!p0 $0xFFFFC000  }
0x1ee: {  	[tilespmem:s12], [sflag:$0x3] =	stream.linear.gather @!p2 [spmem:s4], $0x4000, $0x38;
	[tilespmem:$0x17D00] =	vst v63  }
0x1ef: {  	_ =	swait.ge @!p2 [sflag:s13], $0x4000  }
0x1f0: {  	[sflag:s13] =	ssyncset.done @!p2 $0x0  }
0x1f1: {  	s14 =	rddreg [dreg:$0x16];
	[sflag:s13] =	ssyncadd.s32 @!p2 $0xFFFFC000;
	s13 =	simm.s32 @!p2 $0x0  }
0x1f2: {  	[hbm4b:s14+s13] =	stream.linear.scatter @!p2 [tilespmem:s12], [sflag:$0x2], $0x4000, $0x38;
	[tilespmem:$0x17D00] =	vst v63  }
0x1f3: {  	s12 =	simm.s32 @!p2 $0x2  }
0x1f4: {  	_ =	swait.ge @!p2 [sflag:s12], $0x4000  }
0x1f5: {  	s11 =	sadd.s32 $0x1, s11;
	s31 =	rddreg [dreg:$0x17]  }
0x1f6: {  	p3 =	sne.s32 s11, s31  }
.Ltmp4:
0x1f7: {  	_ = 	snop;
	(pc) =	sbr.rel @p3 .LBB2_1-.Ltmp4, $3  }
0x1f8: {  	[sflag:s12] =	ssyncset.done @!p2 $0x0  }
0x1f9: {  	[sflag:s12] =	ssyncadd.s32 @!p2 $0xFFFFC000  }
0x1fa: {  	[bflag:$0x0] =	sbarrier.arrive $0xFFFF;
	_ =	sdelay $0x1  }
0x1fb: {  	_ =	sfence.sel $0x180000  }
0x1fc: {  	[bflag:$0x0] =	sbarrier.arrive $0xFFFF  }
0x1fd: {  	_ =	strace $0x9000004D  }
0x1fe: {  	s0 =	stileid.u32;
	[bflag:$0x2] =	sbarrier.arrive $0xFFFF  }
0x1ff: {  	p0 =	sne.s32 s0, $0x0;
	s0 =	rddreg [dreg:$0x2]  }
0x200: {  	s0 =	sadd.s32 @!p0 $0x100000, s0  }
0x201: {  	[sflag:s0] =	ssyncadd.tile.s32 @!p0 $0x1;
	_ =	shalt  }
.Lfunc_end2:
_tile_overlayer_lowered:
.L_overlay_start_2:
0x202: {  	(tag) =	ssettag $0x2  }
0x203: {  	s0 =	rddreg [dreg:$0x0];
	s2 =	stileid.u32  }
0x204: {  	s1 =	rddreg [dreg:$0x1];
	p0 =	sne.s32 s2, $0x0  }
0x205: {  	s3 =	rddreg [dreg:$0x2];
	[bflag:$0x3] =	sbarrier.arrive $0xFFFF;
	s2 =	simm.s32 @!p0 $0x1C02  }
0x206: {  	[timem:s3], [sflag:s2] =	dma.local @!p0 [hbm:s0], s1  }
0x207: {  	s0 =	simm.s32 @!p0 $0x2  }
0x208: {  	_ =	swait.ge @!p0 [sflag:s0], s1  }
0x209: {  	s1 =	ssub.s32 @!p0 $0x0, s1;
	[sflag:s0] =	ssyncset.done @!p0 $0x0  }
0x20a: {  	[sflag:s0] =	ssyncadd.s32 @!p0 s1  }
0x20b: {  	[bflag:$0x3] =	sbarrier.arrive $0xFFFF  }
0x20c: {  	_ =	shalt  }

// kernel: kernel.9.cloned.1.call-start
scs
__scs_entry_jumppad:
0x0: {  	(pc) =	sbr.rel $0x88, $3  }
0x1: {  	(tag) =	ssettag $0x0;
	lr =	simm.s32 $0x1  }
0x2: {  	[smem:$0x3F93] =	sst lr;
	_ =	strace $0xD0000000  }
0x3: {  	_ = 	snop  }
0x4: {  	_ = 	snop  }
0x5: {  	_ = 	snop  }
0x6: {  	_ = 	snop  }
0x7: {  	_ = 	snop  }
__scs_overlays_trampoline_lowered:
0x8: {  	[smem:$0x3FA2] =	sst s0  }
0x9: {  	[smem:$0x3FA3] =	sst s1  }
0xa: {  	[smem:$0x3FA4] =	sst s2  }
0xb: {  	[smem:$0x3FA5] =	sst s3  }
0xc: {  	[smem:$0x3FA6] =	sst s4  }
0xd: {  	[smem:$0x3FA7] =	sst s5  }
0xe: {  	[smem:$0x3FA8] =	sst s6  }
0xf: {  	[smem:$0x3FA9] =	sst s7  }
0x10: {  	[smem:$0x3FAA] =	sst s8  }
0x11: {  	[smem:$0x3FAB] =	sst s9;
	s0 =	simm.s32 @!p0 $0x0  }
0x12: {  	s1 =	sld [smem:$0x3F91];
	s0 =	simm.s32 @p0 $0x1  }
0x13: {  	[smem:$0x3FAC] =	sst s0;
	s0 =	simm.s32 @!p1 $0x0  }
0x14: {  	s2 =	sld [smem:$0x3F90];
	s0 =	simm.s32 @p1 $0x1  }
0x15: {  	[smem:$0x3FAD] =	sst s0;
	s0 =	simm.s32 @!p2 $0x0  }
0x16: {  	s3 =	sld [smem:$0x3FDB];
	s0 =	simm.s32 @p2 $0x1  }
0x17: {  	s4 =	simm.s32 $0x1BF5;
	[smem:$0x3FAF] =	sst s0  }
0x18: {  	s0 =	sld [smem:$0x3F92];
	_ =	swait.ge [sflag:s4], $0x0  }
0x19: {  	s7 =	sld [smem:$0x3F93]  }
0x1a: {  	s8 =	sadd.s32 $0xFFFFE003, lr  }
0x1b: {  	s9 =	sadd.s32 $0xFFFFFEF7, lr;
	s5 =	simm.s32 $0xFFFFFFFF;
	p2 =	slt.u32 s8, $0xFFFFF086  }
0x1c: {  	p1 =	slt.u32 s9, $0xF7A;
	s5 =	simm.s32 @!p2 $0x0  }
0x1d: {  	s5 =	simm.s32 @p1 $0x1;
	p0 =	seq.s32 s7, s2  }
0x1e: {  	s7 =	smul.u32 @!p0 $0xF7A, s2;
	p2 =	seq.s32 @!p0 s5, $0x0  }
0x1f: {  	s9 =	smul.u32 $0xF7A, s1;
	s8 =	simm.s32 @!p0 $0x1BF5;
	p2 =	por !p2, p0  }
0x20: {  	[sflag:s8] =	ssyncset.s32 @!p0 $0xFFFFF086;
	s6 =	sadd.s32 @!p0 s3, s7;
	s7 =	simm.s32 @!p0 $0x108  }
0x21: {  	s3 =	sadd.s32 s3, s9;
	s6 =	sadd.s32 @!p0 $0x88, s6;
	s7 =	simm.s32 @p2 $0x1082  }
0x22: {  	[simem:s7], [sflag:s8] =	dma.local @!p0 [hbm:s6], $0xF7A  }
0x23: {  	s9 =	sor.u32 $0xD0000000, s2;
	s6 =	simm.s32 $0x108;
	_ =	swait.ge @!p0 [sflag:s8], $0x0  }
0x24: {  	s3 =	sadd.s32 $0x88, s3;
	s6 =	simm.s32 @!p1 $0x1082;
	[sflag:s4] =	ssyncset.s32 $0xFFFFF086  }
0x25: {  	[simem:s6], [sflag:s4] =	dma.local [hbm:s3], $0xF7A  }
0x26: {  	[smem:$0x3F93] =	sst s1;
	(tag) =	ssettag s2;
	_ =	strace s9  }
0x27: {  	s1 =	sld [smem:$0x3FA3]  }
0x28: {  	s2 =	sld [smem:$0x3FA4]  }
0x29: {  	s4 =	sld [smem:$0x3FA6]  }
0x2a: {  	p0 =	seq.s32 s5, $0x0;
	s5 =	sld [smem:$0x3FA7]  }
0x2b: {  	s6 =	sld [smem:$0x3FA8]  }
0x2c: {  	s7 =	sld [smem:$0x3FA9]  }
0x2d: {  	s3 =	simm.s32 $0x108;
	s8 =	sld [smem:$0x3FAA]  }
0x2e: {  	s3 =	simm.s32 @!p0 $0x1082;
	s9 =	sld [smem:$0x3FAB]  }
0x2f: {  	lr =	sadd.s32 s0, s3;
	s0 =	sld [smem:$0x3FA2]  }
0x30: {  	s3 =	sld [smem:$0x3FA5]  }
0x31: {  	[smem:$0x3FAE] =	sst s10  }
0x32: {  	s10 =	sld [smem:$0x3FAC];
	_ =	sdelay $0x3  }
0x33: {  	p0 =	seq.s32 s10, $0x1;
	s10 =	sld [smem:$0x3FAE];
	_ =	sdelay $0x3  }
0x34: {  	[smem:$0x3FAE] =	sst s10  }
0x35: {  	s10 =	sld [smem:$0x3FAD];
	_ =	sdelay $0x3  }
0x36: {  	p1 =	seq.s32 s10, $0x1;
	s10 =	sld [smem:$0x3FAE];
	_ =	sdelay $0x3  }
0x37: {  	[smem:$0x3FAE] =	sst s10  }
0x38: {  	s10 =	sld [smem:$0x3FAF]  }
0x39: {  	_ = 	snop;
	(pc) =	sbr.ind lr, $3  }
0x3a: {  	_ = 	snop  }
0x3b: {  	_ = 	snop  }
0x3c: {  	p2 =	seq.s32 s10, $0x1;
	s10 =	sld [smem:$0x3FAE]  }
0x3d: {  	_ =	shalt  }
0x3e: {  	_ =	shalt  }
0x3f: {  	_ =	shalt  }
0x40: {  	_ =	shalt  }
0x41: {  	_ =	shalt  }
0x42: {  	_ =	shalt  }
0x43: {  	_ =	shalt  }
0x44: {  	_ =	shalt  }
0x45: {  	_ =	shalt  }
0x46: {  	_ =	shalt  }
0x47: {  	_ =	shalt  }
0x48: {  	_ =	shalt  }
0x49: {  	_ =	shalt  }
0x4a: {  	_ =	shalt  }
0x4b: {  	_ =	shalt  }
0x4c: {  	_ =	shalt  }
0x4d: {  	_ =	shalt  }
0x4e: {  	_ =	shalt  }
0x4f: {  	_ =	shalt  }
0x50: {  	_ =	shalt  }
0x51: {  	_ =	shalt  }
0x52: {  	_ =	shalt  }
0x53: {  	_ =	shalt  }
0x54: {  	_ =	shalt  }
0x55: {  	_ =	shalt  }
0x56: {  	_ =	shalt  }
0x57: {  	_ =	shalt  }
0x58: {  	_ =	shalt  }
0x59: {  	_ =	shalt  }
0x5a: {  	_ =	shalt  }
0x5b: {  	_ =	shalt  }
0x5c: {  	_ =	shalt  }
0x5d: {  	_ =	shalt  }
0x5e: {  	_ =	shalt  }
0x5f: {  	_ =	shalt  }
0x60: {  	_ =	shalt  }
0x61: {  	_ =	shalt  }
0x62: {  	_ =	shalt  }
0x63: {  	_ =	shalt  }
0x64: {  	_ =	shalt  }
0x65: {  	_ =	shalt  }
0x66: {  	_ =	shalt  }
0x67: {  	_ =	shalt  }
0x68: {  	_ =	shalt  }
0x69: {  	_ =	shalt  }
0x6a: {  	_ =	shalt  }
0x6b: {  	_ =	shalt  }
0x6c: {  	_ =	shalt  }
0x6d: {  	_ =	shalt  }
0x6e: {  	_ =	shalt  }
0x6f: {  	_ =	shalt  }
0x70: {  	_ =	shalt  }
0x71: {  	_ =	shalt  }
0x72: {  	_ =	shalt  }
0x73: {  	_ =	shalt  }
0x74: {  	_ =	shalt  }
0x75: {  	_ =	shalt  }
0x76: {  	_ =	shalt  }
0x77: {  	_ =	shalt  }
0x78: {  	_ =	shalt  }
0x79: {  	_ =	shalt  }
0x7a: {  	_ =	shalt  }
0x7b: {  	_ =	shalt  }
0x7c: {  	_ =	shalt  }
0x7d: {  	_ =	shalt  }
0x7e: {  	_ =	shalt  }
0x7f: {  	_ =	shalt  }
0x80: {  	_ =	shalt  }
0x81: {  	_ =	shalt  }
0x82: {  	_ =	shalt  }
0x83: {  	_ =	shalt  }
0x84: {  	_ =	shalt  }
0x85: {  	_ =	shalt  }
0x86: {  	_ =	shalt  }
0x87: {  	_ =	shalt  }
.Lfunc_end0:
.L_simem_size_0:
called_computation_lowered:
.L_overlay_start_0:
0x88: {  	s2 =	sld [smem:$0x3FD9]  }
0x89: {  	s3 =	sld [smem:$0x3FFE];
	_ =	sdelay $0x1  }
0x8a: {  	s1 =	srdreg.scid  }
0x8b: {  	s0 =	sand.u32 $0x1, s1  }
0x8c: {  	s14 =	sshll.u32 s0, $0xA;
	s2 =	sadd.s32 s3, s2  }
0x8d: {  	s2 =	sadd.s32 s2, s14  }
0x8e: {  	[smem:$0x3FBA] =	sst s2  }
0x8f: {  	_ = 	snop  }
0x90: {  	s2 =	sld [smem:$0x3FD0];
	_ =	sdelay $0x2  }
0x91: {  	s15 =	simm.s32 $0xA;
	s4 =	simm.s32 $0x10  }
0x92: {  	[smem:s4], [sflag:s15] =	dma.local [hbm:s2], $0x1  }
0x93: {  	_ =	swait.eq [sflag:s15], $0x1  }
0x94: {  	[sflag:s15] =	ssyncset.done $0x0  }
0x95: {  	[sflag:s15] =	ssyncadd.s32 $0xFFFFFFFF  }
0x96: {  	s16 =	sld [smem:$0x11];
	(tm) =	ssettm $0x1  }
0x97: {  	s17 =	sld [smem:$0x3FFB];
	_ =	sdelay $0x3  }
0x98: {  	_ =	strace s17  }
0x99: {  	s3 =	sld [smem:$0x3FFC];
	_ =	sdelay $0x3  }
0x9a: {  	_ =	strace s3  }
0x9b: {  	s3 =	sld [smem:$0x3FFD];
	_ =	sdelay $0x3  }
0x9c: {  	_ =	strace s3  }
0x9d: {  	_ =	strace $0x8FFFFFFF  }
0x9e: {  	s18 =	sld [smem:$0x3FDB];
	_ =	sdelay $0x1  }
0x9f: {  	s19 =	simm.s32 $_scs_section_size  }
0xa0: {  	s5 =	simm.s32 $_size__tile_overlayer_lowered;
	s6 =	simm.s32 $_tile_overlayer_lowered  }
0xa1: {  	s22 =	simm.s32 $0x1BFF;
	s21 =	sshll.u32 s6, $0x1;
	s3 =	sadd.s32 s19, s18  }
0xa2: {  	s7 =	simm.s32 $0x0;
	s20 =	sshll.u32 s5, $0x1;
	s5 =	sadd.s32 s21, s3  }
0xa3: {  	[timem:s7], [sflag:s22] =	dma.local [hbm:s5], s20  }
0xa4: {  	_ =	swait.ge [sflag:s22], s20  }
0xa5: {  	s4 =	ssub.s32 $0x0, s20;
	[sflag:s22] =	ssyncset.done $0x0  }
0xa6: {  	[sflag:s22] =	ssyncadd.s32 s4;
	_ =	sdelay $0x1  }
0xa7: {  	s23 =	simm.s32 $0x1B8B  }
0xa8: {  	_ =	swait.ge [sflag:s23], $0x1  }
0xa9: {  	[sflag:s23] =	ssyncset.done $0x0  }
0xaa: {  	s25 =	simm.s32 $0x1B8E;
	s24 =	sld [smem:$0x3FFE];
	[sflag:s23] =	ssyncadd.s32 $0xFFFFFFFF  }
0xab: {  	s26 =	simm.s32 $execute0_lowered;
	[smem:$0x3FD2] =	sst s25  }
0xac: {  	s5 =	sshll.u32 s26, $0x1;
	_ =	strace $0x80000046;
	[dreg:$0x1] =	wrdreg $0xFFFFFFFF  }
0xad: {  	s28 =	simm.s32 $_size_execute0_lowered;
	s3 =	sadd.s32 s3, s5;
	[dreg:$0x0] =	wrdreg $0x0  }
0xae: {  	s5 =	sshll.u32 s28, $0x1;
	[dreg:$0x2] =	wrdreg s3  }
0xaf: {  	[dreg:$0x3] =	wrdreg s5  }
0xb0: {  	[dreg:$0x4] =	wrdreg $0xC0  }
0xb1: {  	_ =	task [dreg:s7], $0x5FFFF  }
0xb2: {  	[dreg:$0x1] =	wrdreg $0xFFFFFFFF  }
0xb3: {  	[dreg:$0x0] =	wrdreg $0x60  }
0xb4: {  	[dreg:$0x2] =	wrdreg s24  }
0xb5: {  	[dreg:$0x3] =	wrdreg s16  }
0xb6: {  	[dreg:$0x4] =	wrdreg $0x9  }
0xb7: {  	_ =	task.clear_ibuf [dreg:s7], $0x5FFFF;
	_ =	strace $0x90000046  }
0xb8: {  	s29 =	simm.s32 $0x9;
	_ =	strace $0x80000048  }
0xb9: {  	_ =	swait.ge [sflag:s29], $0x1  }
0xba: {  	[sflag:s29] =	ssyncadd.s32 $0xFFFFFFFF  }
0xbb: {  	_ =	strace $0x90000048  }
0xbc: {  	_ =	sfence  }
0xbd: {  	s30 =	sld [smem:$0x0];
	_ =	sdelay $0x2  }
0xbe: {  	s31 =	sshll.u32 s1, $0xD;
	s1 =	sshrl.u32 s1, $0x2  }
0xbf: {  	s3 =	sand.u32 $0x4000, s31;
	s1 =	sadd.s32 s1, s30  }
0xc0: {  	s0 =	sor.u32 s3, s0;
	s1 =	sshll.u32 s1, $0x11  }
0xc1: {  	s0 =	sor.u32 s1, s0  }
0xc2: {  	s0 =	sadd.s32 $0x8F2B, s0  }
0xc3: {  	[sflag:s0] =	ssyncadd.remote.s32 $0x1  }
0xc4: {  	_ =	sfence.sel $0xFFFF  }
0xc5: {  	[dreg:$0x0] =	wrdreg $0xFFFFFFFF;
	(pc) =	sbr.abs _section_cstart, $3  }
0xc6: {  	[dreg:$0x1] =	wrdreg $0xFFFFFFFF  }
0xc7: {  	_ =	task.clear_ibuf [dreg:s7], $0x2FFFF;
	_ =	strace $0x9FFFFFFF  }
0xc8: {  	(tm) =	ssettm $0x7FFFFFFF  }
0xc9: {  	_ =	shalt  }
tec
execute0_lowered:
.L_overlay_start_1:
0x0: {  	(tag) =	ssettag $0x1  }
0x1: {  	s4 =	rddreg [dreg:$0x0];
	s2 =	srdreg.scid  }
0x2: {  	s1 =	rddreg [dreg:$0x1];
	s5 =	sand.u32 $0x1, s2  }
0x3: {  	s2 =	stileid.u32;
	s6 =	smul.u32 $0x140000, s5  }
0x4: {  	s0 =	rddreg [dreg:$0x2];
	s8 =	smul.u32 $0x14000, s2  }
0x5: {  	s3 =	simm.s32 $0x0;
	s11 =	simm.s32 $0x0;
	s10 =	smul.u32 $0x14000, s5  }
0x6: {  	[smem:$0x7FF] =	sst s3;
	s7 =	ssub.s32 $0x2, s5;
	s31 =	smul.u32 $0x1400, s2  }
0x7: {  	_ =	strace $0x80000047;
	s9 =	sshrl.u32 s7, $0x1;
	s6 =	sadd.s32 s6, s4  }
0x8: {  	s30 =	ssub.s32 s7, s9;
	s4 =	sadd.s32 $0x4400, s4;
	s7 =	sadd.s32 s31, s10  }
0x9: {  	s9 =	simm.s32 $0x80;
	s10 =	simm.s32 $0x1;
	s6 =	sadd.s32 s8, s6  }
0xa: {  	s5 =	smax.u32 s30, $0x1;
	s8 =	simm.s32 $0x2;
	s6 =	sadd.s32 $0xF3A00, s6  }
.LBB2_1:
0xb: {  	s12 =	smulhi.u32 $0xCCCCCCCD, s3;
	_ =	sdelay $0x1  }
0xc: {  	s12 =	sshrl.u32 s12, $0x5  }
0xd: {  	s13 =	smul.u32 $0x26C00, s12;
	_ =	sdelay $0x1  }
0xe: {  	s13 =	sadd.s32 s13, s7  }
0xf: {  	s13 =	sshrl.u32 s13, $0x3  }
0x10: {  	s13 =	sadd.s32 s1, s13  }
0x11: {  	[tilespmem:s3], [sflag:$0x2] =	stream.linear.gather [hbm4b:s13+s3], $0x80, $0x38;
	[tilespmem:$0x4080] =	vst v63  }
0x12: {  	s15 =	simm.s32 $0x1;
	s14 =	smul.u32 $0x26C000, s12;
	_ =	swait.ge [sflag:s8], $0x80  }
0x13: {  	s12 =	smov.u32 s6;
	s13 =	smov.u32 s7;
	[sflag:s8] =	ssyncset.done $0x0  }
.LBB2_2:
0x14: {  	s17 =	smov.u32 s15  }
0x15: {  	s16 =	smulhi.u32 $0xCCCCCCCD, s15;
	[sflag:s8] =	ssyncadd.s32 $0xFFFFFF80;
	s17 =	sadd.s32 $0x1, s15  }
0x16: {  	[tilespmem:s9], [sflag:$0x1] =	stream.indirect.gather [hbm4b:s4+s9], $0x80, s3, s9, $0xb8;
	[tilespmem:$0x4080] =	vst v63  }
0x17: {  	p0 =	sne.s32 s15, $0xEF;
	s16 =	sshrl.u32 s16, $0x5;
	_ =	swait.ge [sflag:s10], $0x4000  }
0x18: {  	s14 =	sadd.s32 s14, s12;
	[sflag:s10] =	ssyncset.done $0x0  }
0x19: {  	s13 =	sadd.s32 $0x80, s13;
	s15 =	smul.u32 $0x26C00, s16;
	[sflag:s10] =	ssyncadd.s32 $0xFFFFC000  }
0x1a: {  	[hbm4b:s14+s3] =	stream.linear.scatter [tilespmem:s9], [sflag:$0x2], $0x4000, $0x38;
	[tilespmem:$0x4080] =	vst v63  }
0x1b: {  	s14 =	sadd.s32 s15, s13;
	_ =	swait.ge [sflag:s8], $0x4000  }
.Ltmp0:
0x1c: {  	s14 =	sshrl.u32 s14, $0x3;
	[sflag:s8] =	ssyncset.done $0x0;
	(pc) =	sbr.rel @p0 .LBB2_2-.Ltmp0, $4  }
0x1d: {  	s14 =	sadd.s32 s1, s14;
	[sflag:s8] =	ssyncadd.s32 $0xFFFFC000  }
0x1e: {  	[tilespmem:s3], [sflag:$0x2] =	stream.linear.gather [hbm4b:s14+s3], $0x80, $0x38;
	[tilespmem:$0x4080] =	vst v63  }
0x1f: {  	s12 =	sadd.s32 $0x800, s12;
	_ =	swait.ge [sflag:s8], $0x80  }
0x20: {  	s15 =	smov.u32 s17;
	s14 =	smul.u32 $0x26C000, s16;
	[sflag:s8] =	ssyncset.done $0x0  }
0x21: {  	[sflag:s8] =	ssyncadd.s32 $0xFFFFFF80  }
0x22: {  	[tilespmem:s9], [sflag:$0x1] =	stream.indirect.gather [hbm4b:s4+s9], $0x80, s3, s9, $0xb8;
	[tilespmem:$0x4080] =	vst v63  }
0x23: {  	s11 =	sadd.s32 $0x1, s11;
	_ =	swait.ge [sflag:s10], $0x4000  }
0x24: {  	p0 =	sne.s32 s11, s5;
	[sflag:s10] =	ssyncset.done $0x0  }
.Ltmp1:
0x25: {  	s12 =	sadd.s32 s14, s12;
	[sflag:s10] =	ssyncadd.s32 $0xFFFFC000;
	(pc) =	sbr.rel @p0 .LBB2_1-.Ltmp1, $4  }
0x26: {  	[hbm4b:s12+s3] =	stream.linear.scatter [tilespmem:s9], [sflag:$0x2], $0x4000, $0x38;
	[tilespmem:$0x4080] =	vst v63  }
0x27: {  	_ =	swait.ge [sflag:s8], $0x4000  }
0x28: {  	[sflag:s8] =	ssyncset.done $0x0  }
0x29: {  	[sflag:s8] =	ssyncadd.s32 $0xFFFFC000  }
0x2a: {  	_ =	sfence.sel $0x180000  }
0x2b: {  	[bflag:$0x0] =	sbarrier.arrive $0xFFFF  }
0x2c: {  	p0 =	sne.s32 s2, $0x0;
	_ =	strace $0x90000047  }
0x2d: {  	s0 =	sadd.s32 @!p0 $0x100000, s0;
	[bflag:$0x2] =	sbarrier.arrive $0xFFFF  }
0x2e: {  	[sflag:s0] =	ssyncadd.tile.s32 @!p0 $0x1;
	_ =	shalt  }
.Lfunc_end2:
_tile_overlayer_lowered:
.L_overlay_start_2:
0x2f: {  	(tag) =	ssettag $0x2  }
0x30: {  	s0 =	rddreg [dreg:$0x0];
	s2 =	stileid.u32  }
0x31: {  	s1 =	rddreg [dreg:$0x1];
	p0 =	sne.s32 s2, $0x0  }
0x32: {  	s3 =	rddreg [dreg:$0x2];
	[bflag:$0x3] =	sbarrier.arrive $0xFFFF;
	s2 =	simm.s32 @!p0 $0x1C02  }
0x33: {  	[timem:s3], [sflag:s2] =	dma.local @!p0 [hbm:s0], s1  }
0x34: {  	s0 =	simm.s32 @!p0 $0x2  }
0x35: {  	_ =	swait.ge @!p0 [sflag:s0], s1  }
0x36: {  	s1 =	ssub.s32 @!p0 $0x0, s1;
	[sflag:s0] =	ssyncset.done @!p0 $0x0  }
0x37: {  	[sflag:s0] =	ssyncadd.s32 @!p0 s1  }
0x38: {  	[bflag:$0x3] =	sbarrier.arrive $0xFFFF  }
0x39: {  	_ =	shalt  }

</sc_bundles>
